<compile_context>
chip_gen: v7x
topology: tpu7x:2x2x1
jax: 0.10.2.dev20260603
libtpu: 0.0.44.dev20260713+nightly
codegen_flags: <defaults>
</compile_context>

<pallas_src>
import functools

import jax
import jax.numpy as jnp
from jax import lax
from jax.experimental import pallas as pl
from jax.experimental.pallas import tpu as pltpu
from jax.experimental.pallas import tpu_sc as plsc

NC = 2
NS = 16
CH = 80
K = 8
NBUF = 4
LA = NBUF - 1


def _sc_aggregate(n_pad, ns, x, eidx, zrows):
    mesh = plsc.VectorSubcoreMesh(
        core_axis_name="c", subcore_axis_name="s", num_cores=NC, num_subcores=NS
    )
    rpz = n_pad // NS
    iters = ns * K

    @functools.partial(
        pl.kernel,
        out_type=[
            jax.ShapeDtypeStruct((NC, n_pad, 128), jnp.float32),
            jax.ShapeDtypeStruct((NC * n_pad,), jnp.float32),
        ],
        mesh=mesh,
        scratch_types=[
            pltpu.VMEM((2, K, 2, CH), jnp.int32),
            pltpu.VMEM((NBUF, CH, 128), jnp.float32),
            pltpu.VMEM((CH,), jnp.float32),
            pltpu.VMEM((n_pad // NS,), jnp.float32),
            [pltpu.SemaphoreType.DMA] * 2,
            [pltpu.SemaphoreType.DMA] * NBUF,
            [pltpu.SemaphoreType.DMA] * NBUF,
            pltpu.VMEM_SHARED((n_pad, 128), jnp.float32),
            pltpu.VMEM_SHARED((n_pad,), jnp.float32),
        ],
    )
    def agg(x_hbm, eidx_hbm, zrows_hbm, part_hbm, degp_hbm,
            idx_v, rows_v, ones_v, deg_v, isems, rsems, ssems,
            agg_sh, deg_sh):
        cid = lax.axis_index("c")
        sid = lax.axis_index("s")
        t = cid * NS + sid

        pltpu.async_copy(eidx_hbm.at[t, 0], idx_v.at[0], isems[0])

        pltpu.sync_copy(zrows_hbm.at[pl.ds(sid * rpz, rpz)],
                        agg_sh.at[pl.ds(sid * rpz, rpz)])
        for i in range(rpz // 16):
            deg_v[pl.ds(i * 16, 16)] = jnp.zeros((16,), jnp.float32)
        pltpu.sync_copy(deg_v, deg_sh.at[pl.ds(sid * rpz, rpz)])
        for i in range(CH // 16):
            ones_v[pl.ds(i * 16, 16)] = jnp.ones((16,), jnp.float32)

        plsc.subcore_barrier()

        pltpu.make_async_copy(eidx_hbm.at[t, 0], idx_v.at[0], isems[0]).wait()
        for k in range(LA):
            pltpu.async_copy(x_hbm.at[idx_v.at[0, k, 0]], rows_v.at[k],
                             rsems[k])

        def drain_scatter(sb, k, bx):
            pltpu.make_async_copy(
                rows_v.at[bx], agg_sh.at[idx_v.at[sb, k, 1]],
                ssems[bx]).wait()
            pltpu.make_async_copy(
                ones_v, deg_sh.at[idx_v.at[sb, k, 1]], ssems[bx]).wait()

        def super_step(s, sb):
            sb1 = 1 - sb
            for k in range(K):
                b = k % NBUF
                b2 = (k + LA) % NBUF
                pltpu.make_async_copy(
                    x_hbm.at[idx_v.at[sb, k, 0]], rows_v.at[b], rsems[b]).wait()

                if k == 0:
                    @pl.when(s > 0)
                    def _():
                        drain_scatter(sb, k, b2)
                elif k == 1:
                    @pl.when(s + 1 < ns)
                    def _():
                        pltpu.async_copy(eidx_hbm.at[t, s + 1], idx_v.at[sb1],
                                         isems[sb1])
                    drain_scatter(sb, k, b2)
                else:
                    drain_scatter(sb, k, b2)

                if k < K - LA:
                    pltpu.async_copy(
                        x_hbm.at[idx_v.at[sb, k + LA, 0]], rows_v.at[b2],
                        rsems[b2])
                elif k == K - LA:
                    @pl.when(s + 1 < ns)
                    def _():
                        pltpu.make_async_copy(
                            eidx_hbm.at[t, s + 1], idx_v.at[sb1],
                            isems[sb1]).wait()
                        pltpu.async_copy(
                            x_hbm.at[idx_v.at[sb1, 0, 0]], rows_v.at[b2],
                            rsems[b2])
                else:
                    nk = k - (K - LA)

                    @pl.when(s + 1 < ns)
                    def _():
                        pltpu.async_copy(
                            x_hbm.at[idx_v.at[sb1, nk, 0]], rows_v.at[b2],
                            rsems[b2])

                pltpu.async_copy(rows_v.at[b], agg_sh.at[idx_v.at[sb, k, 1]],
                                 ssems[b], add=True)
                pltpu.async_copy(ones_v, deg_sh.at[idx_v.at[sb, k, 1]],
                                 ssems[b], add=True)

        def outer(s0, carry):
            super_step(s0 * 2, 0)
            super_step(s0 * 2 + 1, 1)
            return carry

        lax.fori_loop(0, ns // 2, outer, 0)

        drain_scatter(1, K - 1, (K - 1) % NBUF)

        plsc.subcore_barrier()

        pltpu.sync_copy(agg_sh.at[pl.ds(sid * rpz, rpz)],
                        part_hbm.at[cid, pl.ds(sid * rpz, rpz)])
        pltpu.sync_copy(deg_sh.at[pl.ds(sid * rpz, rpz)], deg_v)
        pltpu.sync_copy(deg_v,
                        degp_hbm.at[pl.ds(cid * n_pad + sid * rpz, rpz)])

    return agg(x, eidx, zrows)


def _tc_combine_body(n, x_ref, p_ref, dp_ref, c00_ref, c01t_ref, c10_ref,
                     c11_ref, out_ref):
    c00 = c00_ref[...]
    c01t = c01t_ref[...]
    c10 = c10_ref[...]
    c11 = c11_ref[...]
    w0 = c00[:, 0:1] * c10 + c01t[0:1, :] * c11
    w1 = c00[:, 1:2] * c10 + c01t[1:2, :] * c11
    p = (p_ref[0] + p_ref[1])[:n]
    dflat = dp_ref[...]
    n_pad = dflat.shape[0] // 2
    d = (dflat[:n_pad] + dflat[n_pad:])[:n]
    nm = p * (1.0 / jnp.maximum(d, 1.0))[:, None]
    out_ref[...] = (
        jnp.dot(x_ref[...], w0, preferred_element_type=jnp.float32)
        + jnp.dot(nm, w1, preferred_element_type=jnp.float32)
    )


def kernel(x, edge_index, batch, coeffs00, coeffs01, coeffs10, coeffs11):
    n, in_ch = x.shape
    e = edge_index.shape[1]
    tiles = NC * NS
    ns = -(-e // (tiles * CH * K))
    ns += ns % 2
    iters = ns * K
    e_pad = tiles * iters * CH
    n_pad = -(-(n + 1) // 256) * 256

    pad_pos = jnp.arange(e_pad - e, dtype=jnp.int32)
    src = jnp.concatenate([edge_index[0], pad_pos % n])
    dst = jnp.concatenate([edge_index[1], n + pad_pos % (n_pad - n)])
    eidx = jnp.stack(
        [src.reshape(tiles, ns, K, CH), dst.reshape(tiles, ns, K, CH)], axis=3)
    zrows = jnp.zeros((n_pad, in_ch), jnp.float32)

    parts, degp = _sc_aggregate(n_pad, ns, x, eidx, zrows)

    out = pl.pallas_call(
        functools.partial(_tc_combine_body, n),
        out_shape=jax.ShapeDtypeStruct((n, in_ch), jnp.float32),
    )(x, parts, degp, coeffs00, coeffs01.T, coeffs10, coeffs11)
    return out

# --- scband reference (transcript-rebuilt; emitter-appended) ---
"""Pipeline reference for scband-general-aggregator-2465311228164 (READ-ONLY COPY).

The authoritative reference and input builder live on the scoring server;
editing this copy changes nothing except your own understanding.
"""

import jax, jax.numpy as jnp
import numpy as np

N = 10000
E = 320000
IN_CH = 128
OUT_CH = 128
NUM_MAPS = 2  # bell_number(in_rank + out_rank) = bell(2) = 2


def setup_inputs(seed: int = 0) -> dict:
    key = jax.random.key(seed)
    ks = jax.random.split(key, 7)
    x = jax.random.normal(ks[0], (N, IN_CH), dtype=jnp.float32)
    edge_index = jax.random.randint(ks[1], (2, E), 0, N, dtype=jnp.int32)
    batch = jnp.sort(jax.random.randint(ks[2], (N,), 0, 64, dtype=jnp.int32))
    coeffs00 = jax.random.normal(ks[3], (IN_CH, NUM_MAPS), dtype=jnp.float32) * (1.0 / NUM_MAPS) ** 0.5
    coeffs01 = jax.random.normal(ks[4], (OUT_CH, NUM_MAPS), dtype=jnp.float32) * (1.0 / NUM_MAPS) ** 0.5
    coeffs10 = jax.random.normal(ks[5], (IN_CH, OUT_CH), dtype=jnp.float32) * (2.0 / NUM_MAPS) ** 0.5
    coeffs11 = jax.random.normal(ks[6], (IN_CH, OUT_CH), dtype=jnp.float32) * (2.0 / NUM_MAPS) ** 0.5
    return {
        "x": x,
        "edge_index": edge_index,
        "batch": batch,
        "coeffs00": coeffs00,
        "coeffs01": coeffs01,
        "coeffs10": coeffs10,
        "coeffs11": coeffs11,
    }


def _aggregate(x, edge_index):
    # Rank-1 -> rank-1 equivariant aggregator with bell(2)=2 linear maps:
    #   map 0: identity (node's own features)
    #   map 1: mean over in-neighbors (aggr='mean')
    src = edge_index[0]
    dst = edge_index[1]
    msgs = jnp.take(x, src, axis=0)  # gather [E, IN_CH]
    agg = jax.ops.segment_sum(msgs, dst, num_segments=N)  # scatter-add [N, IN_CH]
    deg = jax.ops.segment_sum(jnp.ones((msgs.shape[0],), dtype=x.dtype), dst, num_segments=N)
    neigh_mean = agg / jnp.clip(deg, 1.0, None)[:, None]
    return jnp.stack([x, neigh_mean], axis=-1)  # [N, IN_CH, NUM_MAPS]


def reference(x, edge_index, batch, coeffs00, coeffs01, coeffs10, coeffs11):
    # factorized coefficient tensor [IN_CH, OUT_CH, NUM_MAPS]
    coeffs = coeffs00[:, None, :] * coeffs10[:, :, None] + coeffs01[None, :, :] * coeffs11[:, :, None]
    xm = _aggregate(x, edge_index)  # [N, IN_CH, NUM_MAPS]
    out = jnp.einsum('ijk,bik->bj', coeffs, xm)  # [N, OUT_CH]
    return out

if __name__ == "__main__":
    import jax
    _d = setup_inputs()
    print(jax.jit(kernel)(*tuple(_d.values())))

</pallas_src>

<mosaic_0001>
#map = affine_map<(d0, d1) -> (0, 0)>
#map1 = affine_map<(d0, d1) -> (0, 0, 0, 0, 0)>
#map2 = affine_map<(d0, d1) -> (0, 0, 0)>
#map3 = affine_map<(d0, d1) -> (0)>
module attributes {stable_mosaic.version = 14 : i64} {
  func.func @agg(%arg0: i32, %arg1: i32, %arg2: memref<10000x128xf32, #tpu.memory_space<hbm>>, %arg3: memref<32x16x8x2x80xi32, #tpu.memory_space<hbm>>, %arg4: memref<10240x128xf32, #tpu.memory_space<hbm>>, %arg5: memref<2x10240x128xf32, #tpu.memory_space<hbm>>, %arg6: memref<20480xf32, #tpu.memory_space<hbm>>, %arg7: memref<2x8x2x80xi32, #tpu.memory_space<vmem>>, %arg8: memref<4x80x128xf32, #tpu.memory_space<vmem>>, %arg9: memref<80xf32, #tpu.memory_space<vmem>>, %arg10: memref<640xf32, #tpu.memory_space<vmem>>, %arg11: memref<!tpu.dma_semaphore, #tpu.memory_space<semaphore_mem>>, %arg12: memref<!tpu.dma_semaphore, #tpu.memory_space<semaphore_mem>>, %arg13: memref<!tpu.dma_semaphore, #tpu.memory_space<semaphore_mem>>, %arg14: memref<!tpu.dma_semaphore, #tpu.memory_space<semaphore_mem>>, %arg15: memref<!tpu.dma_semaphore, #tpu.memory_space<semaphore_mem>>, %arg16: memref<!tpu.dma_semaphore, #tpu.memory_space<semaphore_mem>>, %arg17: memref<!tpu.dma_semaphore, #tpu.memory_space<semaphore_mem>>, %arg18: memref<!tpu.dma_semaphore, #tpu.memory_space<semaphore_mem>>, %arg19: memref<!tpu.dma_semaphore, #tpu.memory_space<semaphore_mem>>, %arg20: memref<!tpu.dma_semaphore, #tpu.memory_space<semaphore_mem>>, %arg21: memref<10240x128xf32, #tpu.memory_space<vmem_shared>>, %arg22: memref<10240xf32, #tpu.memory_space<vmem_shared>>) attributes {dimension_semantics = [#tpu.dimension_semantics<core_parallel>, #tpu.dimension_semantics<subcore_parallel>], iteration_bounds = array<i64: 2, 16>, scalar_prefetch = 0 : i64, scratch_operands = 16 : i64, tpu.core_type = #tpu.core_type<sc_vector_subcore>, window_params = [{transform_indices = #map}, {transform_indices = #map1}, {transform_indices = #map}, {transform_indices = #map2}, {transform_indices = #map3}]} {
    %mul3A = arith.constant 16 : i32
    %mul3A_0 = arith.muli %arg0, %mul3A : i32
    %add3A = arith.addi %mul3A_0, %arg1 : i32
    %dma_start3A = arith.constant 0 : i32
    %dma_start3A_1 = arith.constant 0 : i32
    %dma_start3A_2 = arith.constant 0 : i32
    %dma_start3A_3 = arith.constant 0 : i32
    %dma_start3A_4 = arith.constant 0 : i32
    %dma_start3A_5 = tpu.memref_slice %arg7[%dma_start3A_1, %dma_start3A_2, %dma_start3A_3, %dma_start3A_4] : memref<2x8x2x80xi32, #tpu.memory_space<vmem>> -> memref<1x8x2x80xi32, #tpu.memory_space<vmem>>
    %dma_start3A_6 = tpu.memref_squeeze %dma_start3A_5 : memref<1x8x2x80xi32, #tpu.memory_space<vmem>> -> memref<8x2x80xi32, #tpu.memory_space<vmem>>
    %dma_start3A_7 = arith.constant 0 : i32
    %dma_start3A_8 = arith.constant 0 : i32
    %dma_start3A_9 = arith.constant 0 : i32
    %dma_start3A_10 = tpu.memref_slice %arg3[%add3A, %dma_start3A, %dma_start3A_7, %dma_start3A_8, %dma_start3A_9] : memref<32x16x8x2x80xi32, #tpu.memory_space<hbm>> -> memref<1x1x8x2x80xi32, #tpu.memory_space<hbm>>
    %dma_start3A_11 = tpu.memref_squeeze %dma_start3A_10 : memref<1x1x8x2x80xi32, #tpu.memory_space<hbm>> -> memref<8x2x80xi32, #tpu.memory_space<hbm>>
    %dma_start3A_12 = arith.constant 0 : i32
    %dma_start3A_13 = arith.constant 0 : i32
    %dma_start3A_14 = arith.constant 0 : i32
    %dma_start3A_15 = tpu.memref_slice %arg7[%dma_start3A_1, %dma_start3A_12, %dma_start3A_13, %dma_start3A_14] : memref<2x8x2x80xi32, #tpu.memory_space<vmem>> -> memref<1x8x2x80xi32, #tpu.memory_space<vmem>>
    %dma_start3A_16 = tpu.memref_squeeze %dma_start3A_15 : memref<1x8x2x80xi32, #tpu.memory_space<vmem>> -> memref<8x2x80xi32, #tpu.memory_space<vmem>>
    %dma_start3A_17 = arith.constant 0 : i32
    %dma_start3A_18 = arith.constant 0 : i32
    %dma_start3A_19 = arith.constant 0 : i32
    %dma_start3A_20 = tpu.memref_slice %arg3[%add3A, %dma_start3A, %dma_start3A_17, %dma_start3A_18, %dma_start3A_19] : memref<32x16x8x2x80xi32, #tpu.memory_space<hbm>> -> memref<1x1x8x2x80xi32, #tpu.memory_space<hbm>>
    %dma_start3A_21 = tpu.memref_squeeze %dma_start3A_20 : memref<1x1x8x2x80xi32, #tpu.memory_space<hbm>> -> memref<8x2x80xi32, #tpu.memory_space<hbm>>
    tpu.enqueue_dma source(%dma_start3A_21 : memref<8x2x80xi32, #tpu.memory_space<hbm>>) target(%dma_start3A_16 : memref<8x2x80xi32, #tpu.memory_space<vmem>>) target_semaphore(%arg11 : memref<!tpu.dma_semaphore, #tpu.memory_space<semaphore_mem>>)
    %mul3A_22 = arith.constant 640 : i32
    %mul3A_23 = arith.muli %arg1, %mul3A_22 : i32
    %mul3A_24 = arith.constant 640 : i32
    %mul3A_25 = arith.muli %arg1, %mul3A_24 : i32
    "tpu.region"() ({
      %run_scoped3A = tpu.sem_alloc : memref<!tpu.dma_semaphore, #tpu.memory_space<semaphore_mem>>
      %dma_start3A_398 = arith.constant 0 : i32
      %dma_start3A_399 = tpu.memref_slice %arg21[%mul3A_25, %dma_start3A_398] : memref<10240x128xf32, #tpu.memory_space<vmem_shared>> -> memref<640x128xf32, #tpu.memory_space<vmem_shared>>
      %dma_start3A_400 = arith.constant 0 : i32
      %dma_start3A_401 = tpu.memref_slice %arg4[%mul3A_23, %dma_start3A_400] : memref<10240x128xf32, #tpu.memory_space<hbm>> -> memref<640x128xf32, #tpu.memory_space<hbm>>
      tpu.enqueue_dma source(%dma_start3A_401 : memref<640x128xf32, #tpu.memory_space<hbm>>) target(%dma_start3A_399 : memref<640x128xf32, #tpu.memory_space<vmem_shared>>) target_semaphore(%run_scoped3A : memref<!tpu.dma_semaphore, #tpu.memory_space<semaphore_mem>>)
      %dma_wait3A_402 = arith.constant 0 : i32
      %dma_wait3A_403 = tpu.memref_slice %arg21[%mul3A_25, %dma_wait3A_402] : memref<10240x128xf32, #tpu.memory_space<vmem_shared>> -> memref<640x128xf32, #tpu.memory_space<vmem_shared>>
      %dma_wait3A_404 = arith.constant 0 : i32
      %dma_wait3A_405 = tpu.memref_slice %arg4[%mul3A_23, %dma_wait3A_404] : memref<10240x128xf32, #tpu.memory_space<hbm>> -> memref<640x128xf32, #tpu.memory_space<hbm>>
      tpu.wait_dma2 semaphore(%run_scoped3A : memref<!tpu.dma_semaphore, #tpu.memory_space<semaphore_mem>>) src(%dma_wait3A_405 : memref<640x128xf32, #tpu.memory_space<hbm>>) dst(%dma_wait3A_403 : memref<640x128xf32, #tpu.memory_space<vmem_shared>>)
      tpu.yield
    }) : () -> ()
    %broadcast_in_dim3A = arith.constant 0.000000e+00 : f32
    %broadcast_in_dim3A_26 = vector.broadcast %broadcast_in_dim3A : f32 to vector<16xf32>
    %swap3A = arith.constant 0 : index
    %swap3A_27 = tpu.vector_load %arg10[%swap3A] {strides = array<i32>} : memref<640xf32, #tpu.memory_space<vmem>>, vector<16xf32>,
    %swap3A_28 = vector.shape_cast %swap3A_27 : vector<16xf32> to vector<16xf32>
    %swap3A_29 = vector.shape_cast %broadcast_in_dim3A_26 : vector<16xf32> to vector<16xf32>
    tpu.vector_store %arg10[%swap3A], %swap3A_29 {strides = array<i32>} : memref<640xf32, #tpu.memory_space<vmem>>, vector<16xf32>,
    %broadcast_in_dim3A_30 = arith.constant 0.000000e+00 : f32
    %broadcast_in_dim3A_31 = vector.broadcast %broadcast_in_dim3A_30 : f32 to vector<16xf32>
    %swap3A_32 = arith.constant 16 : index
    %swap3A_33 = tpu.vector_load %arg10[%swap3A_32] {strides = array<i32>} : memref<640xf32, #tpu.memory_space<vmem>>, vector<16xf32>,
    %swap3A_34 = vector.shape_cast %swap3A_33 : vector<16xf32> to vector<16xf32>
    %swap3A_35 = vector.shape_cast %broadcast_in_dim3A_31 : vector<16xf32> to vector<16xf32>
    tpu.vector_store %arg10[%swap3A_32], %swap3A_35 {strides = array<i32>} : memref<640xf32, #tpu.memory_space<vmem>>, vector<16xf32>,
    %broadcast_in_dim3A_36 = arith.constant 0.000000e+00 : f32
    %broadcast_in_dim3A_37 = vector.broadcast %broadcast_in_dim3A_36 : f32 to vector<16xf32>
    %swap3A_38 = arith.constant 32 : index
    %swap3A_39 = tpu.vector_load %arg10[%swap3A_38] {strides = array<i32>} : memref<640xf32, #tpu.memory_space<vmem>>, vector<16xf32>,
    %swap3A_40 = vector.shape_cast %swap3A_39 : vector<16xf32> to vector<16xf32>
    %swap3A_41 = vector.shape_cast %broadcast_in_dim3A_37 : vector<16xf32> to vector<16xf32>
    tpu.vector_store %arg10[%swap3A_38], %swap3A_41 {strides = array<i32>} : memref<640xf32, #tpu.memory_space<vmem>>, vector<16xf32>,
    %broadcast_in_dim3A_42 = arith.constant 0.000000e+00 : f32
    %broadcast_in_dim3A_43 = vector.broadcast %broadcast_in_dim3A_42 : f32 to vector<16xf32>
    %swap3A_44 = arith.constant 48 : index
    %swap3A_45 = tpu.vector_load %arg10[%swap3A_44] {strides = array<i32>} : memref<640xf32, #tpu.memory_space<vmem>>, vector<16xf32>,
    %swap3A_46 = vector.shape_cast %swap3A_45 : vector<16xf32> to vector<16xf32>
    %swap3A_47 = vector.shape_cast %broadcast_in_dim3A_43 : vector<16xf32> to vector<16xf32>
    tpu.vector_store %arg10[%swap3A_44], %swap3A_47 {strides = array<i32>} : memref<640xf32, #tpu.memory_space<vmem>>, vector<16xf32>,
    %broadcast_in_dim3A_48 = arith.constant 0.000000e+00 : f32
    %broadcast_in_dim3A_49 = vector.broadcast %broadcast_in_dim3A_48 : f32 to vector<16xf32>
    %swap3A_50 = arith.constant 64 : index
    %swap3A_51 = tpu.vector_load %arg10[%swap3A_50] {strides = array<i32>} : memref<640xf32, #tpu.memory_space<vmem>>, vector<16xf32>,
    %swap3A_52 = vector.shape_cast %swap3A_51 : vector<16xf32> to vector<16xf32>
    %swap3A_53 = vector.shape_cast %broadcast_in_dim3A_49 : vector<16xf32> to vector<16xf32>
    tpu.vector_store %arg10[%swap3A_50], %swap3A_53 {strides = array<i32>} : memref<640xf32, #tpu.memory_space<vmem>>, vector<16xf32>,
    %broadcast_in_dim3A_54 = arith.constant 0.000000e+00 : f32
    %broadcast_in_dim3A_55 = vector.broadcast %broadcast_in_dim3A_54 : f32 to vector<16xf32>
    %swap3A_56 = arith.constant 80 : index
    %swap3A_57 = tpu.vector_load %arg10[%swap3A_56] {strides = array<i32>} : memref<640xf32, #tpu.memory_space<vmem>>, vector<16xf32>,
    %swap3A_58 = vector.shape_cast %swap3A_57 : vector<16xf32> to vector<16xf32>
    %swap3A_59 = vector.shape_cast %broadcast_in_dim3A_55 : vector<16xf32> to vector<16xf32>
    tpu.vector_store %arg10[%swap3A_56], %swap3A_59 {strides = array<i32>} : memref<640xf32, #tpu.memory_space<vmem>>, vector<16xf32>,
    %broadcast_in_dim3A_60 = arith.constant 0.000000e+00 : f32
    %broadcast_in_dim3A_61 = vector.broadcast %broadcast_in_dim3A_60 : f32 to vector<16xf32>
    %swap3A_62 = arith.constant 96 : index
    %swap3A_63 = tpu.vector_load %arg10[%swap3A_62] {strides = array<i32>} : memref<640xf32, #tpu.memory_space<vmem>>, vector<16xf32>,
    %swap3A_64 = vector.shape_cast %swap3A_63 : vector<16xf32> to vector<16xf32>
    %swap3A_65 = vector.shape_cast %broadcast_in_dim3A_61 : vector<16xf32> to vector<16xf32>
    tpu.vector_store %arg10[%swap3A_62], %swap3A_65 {strides = array<i32>} : memref<640xf32, #tpu.memory_space<vmem>>, vector<16xf32>,
    %broadcast_in_dim3A_66 = arith.constant 0.000000e+00 : f32
    %broadcast_in_dim3A_67 = vector.broadcast %broadcast_in_dim3A_66 : f32 to vector<16xf32>
    %swap3A_68 = arith.constant 112 : index
    %swap3A_69 = tpu.vector_load %arg10[%swap3A_68] {strides = array<i32>} : memref<640xf32, #tpu.memory_space<vmem>>, vector<16xf32>,
    %swap3A_70 = vector.shape_cast %swap3A_69 : vector<16xf32> to vector<16xf32>
    %swap3A_71 = vector.shape_cast %broadcast_in_dim3A_67 : vector<16xf32> to vector<16xf32>
    tpu.vector_store %arg10[%swap3A_68], %swap3A_71 {strides = array<i32>} : memref<640xf32, #tpu.memory_space<vmem>>, vector<16xf32>,
    %broadcast_in_dim3A_72 = arith.constant 0.000000e+00 : f32
    %broadcast_in_dim3A_73 = vector.broadcast %broadcast_in_dim3A_72 : f32 to vector<16xf32>
    %swap3A_74 = arith.constant 128 : index
    %swap3A_75 = tpu.vector_load %arg10[%swap3A_74] {strides = array<i32>} : memref<640xf32, #tpu.memory_space<vmem>>, vector<16xf32>,
    %swap3A_76 = vector.shape_cast %swap3A_75 : vector<16xf32> to vector<16xf32>
    %swap3A_77 = vector.shape_cast %broadcast_in_dim3A_73 : vector<16xf32> to vector<16xf32>
    tpu.vector_store %arg10[%swap3A_74], %swap3A_77 {strides = array<i32>} : memref<640xf32, #tpu.memory_space<vmem>>, vector<16xf32>,
    %broadcast_in_dim3A_78 = arith.constant 0.000000e+00 : f32
    %broadcast_in_dim3A_79 = vector.broadcast %broadcast_in_dim3A_78 : f32 to vector<16xf32>
    %swap3A_80 = arith.constant 144 : index
    %swap3A_81 = tpu.vector_load %arg10[%swap3A_80] {strides = array<i32>} : memref<640xf32, #tpu.memory_space<vmem>>, vector<16xf32>,
    %swap3A_82 = vector.shape_cast %swap3A_81 : vector<16xf32> to vector<16xf32>
    %swap3A_83 = vector.shape_cast %broadcast_in_dim3A_79 : vector<16xf32> to vector<16xf32>
    tpu.vector_store %arg10[%swap3A_80], %swap3A_83 {strides = array<i32>} : memref<640xf32, #tpu.memory_space<vmem>>, vector<16xf32>,
    %broadcast_in_dim3A_84 = arith.constant 0.000000e+00 : f32
    %broadcast_in_dim3A_85 = vector.broadcast %broadcast_in_dim3A_84 : f32 to vector<16xf32>
    %swap3A_86 = arith.constant 160 : index
    %swap3A_87 = tpu.vector_load %arg10[%swap3A_86] {strides = array<i32>} : memref<640xf32, #tpu.memory_space<vmem>>, vector<16xf32>,
    %swap3A_88 = vector.shape_cast %swap3A_87 : vector<16xf32> to vector<16xf32>
    %swap3A_89 = vector.shape_cast %broadcast_in_dim3A_85 : vector<16xf32> to vector<16xf32>
    tpu.vector_store %arg10[%swap3A_86], %swap3A_89 {strides = array<i32>} : memref<640xf32, #tpu.memory_space<vmem>>, vector<16xf32>,
    %broadcast_in_dim3A_90 = arith.constant 0.000000e+00 : f32
    %broadcast_in_dim3A_91 = vector.broadcast %broadcast_in_dim3A_90 : f32 to vector<16xf32>
    %swap3A_92 = arith.constant 176 : index
    %swap3A_93 = tpu.vector_load %arg10[%swap3A_92] {strides = array<i32>} : memref<640xf32, #tpu.memory_space<vmem>>, vector<16xf32>,
    %swap3A_94 = vector.shape_cast %swap3A_93 : vector<16xf32> to vector<16xf32>
    %swap3A_95 = vector.shape_cast %broadcast_in_dim3A_91 : vector<16xf32> to vector<16xf32>
    tpu.vector_store %arg10[%swap3A_92], %swap3A_95 {strides = array<i32>} : memref<640xf32, #tpu.memory_space<vmem>>, vector<16xf32>,
    %broadcast_in_dim3A_96 = arith.constant 0.000000e+00 : f32
    %broadcast_in_dim3A_97 = vector.broadcast %broadcast_in_dim3A_96 : f32 to vector<16xf32>
    %swap3A_98 = arith.constant 192 : index
    %swap3A_99 = tpu.vector_load %arg10[%swap3A_98] {strides = array<i32>} : memref<640xf32, #tpu.memory_space<vmem>>, vector<16xf32>,
    %swap3A_100 = vector.shape_cast %swap3A_99 : vector<16xf32> to vector<16xf32>
    %swap3A_101 = vector.shape_cast %broadcast_in_dim3A_97 : vector<16xf32> to vector<16xf32>
    tpu.vector_store %arg10[%swap3A_98], %swap3A_101 {strides = array<i32>} : memref<640xf32, #tpu.memory_space<vmem>>, vector<16xf32>,
    %broadcast_in_dim3A_102 = arith.constant 0.000000e+00 : f32
    %broadcast_in_dim3A_103 = vector.broadcast %broadcast_in_dim3A_102 : f32 to vector<16xf32>
    %swap3A_104 = arith.constant 208 : index
    %swap3A_105 = tpu.vector_load %arg10[%swap3A_104] {strides = array<i32>} : memref<640xf32, #tpu.memory_space<vmem>>, vector<16xf32>,
    %swap3A_106 = vector.shape_cast %swap3A_105 : vector<16xf32> to vector<16xf32>
    %swap3A_107 = vector.shape_cast %broadcast_in_dim3A_103 : vector<16xf32> to vector<16xf32>
    tpu.vector_store %arg10[%swap3A_104], %swap3A_107 {strides = array<i32>} : memref<640xf32, #tpu.memory_space<vmem>>, vector<16xf32>,
    %broadcast_in_dim3A_108 = arith.constant 0.000000e+00 : f32
    %broadcast_in_dim3A_109 = vector.broadcast %broadcast_in_dim3A_108 : f32 to vector<16xf32>
    %swap3A_110 = arith.constant 224 : index
    %swap3A_111 = tpu.vector_load %arg10[%swap3A_110] {strides = array<i32>} : memref<640xf32, #tpu.memory_space<vmem>>, vector<16xf32>,
    %swap3A_112 = vector.shape_cast %swap3A_111 : vector<16xf32> to vector<16xf32>
    %swap3A_113 = vector.shape_cast %broadcast_in_dim3A_109 : vector<16xf32> to vector<16xf32>
    tpu.vector_store %arg10[%swap3A_110], %swap3A_113 {strides = array<i32>} : memref<640xf32, #tpu.memory_space<vmem>>, vector<16xf32>,
    %broadcast_in_dim3A_114 = arith.constant 0.000000e+00 : f32
    %broadcast_in_dim3A_115 = vector.broadcast %broadcast_in_dim3A_114 : f32 to vector<16xf32>
    %swap3A_116 = arith.constant 240 : index
    %swap3A_117 = tpu.vector_load %arg10[%swap3A_116] {strides = array<i32>} : memref<640xf32, #tpu.memory_space<vmem>>, vector<16xf32>,
    %swap3A_118 = vector.shape_cast %swap3A_117 : vector<16xf32> to vector<16xf32>
    %swap3A_119 = vector.shape_cast %broadcast_in_dim3A_115 : vector<16xf32> to vector<16xf32>
    tpu.vector_store %arg10[%swap3A_116], %swap3A_119 {strides = array<i32>} : memref<640xf32, #tpu.memory_space<vmem>>, vector<16xf32>,
    %broadcast_in_dim3A_120 = arith.constant 0.000000e+00 : f32
    %broadcast_in_dim3A_121 = vector.broadcast %broadcast_in_dim3A_120 : f32 to vector<16xf32>
    %swap3A_122 = arith.constant 256 : index
    %swap3A_123 = tpu.vector_load %arg10[%swap3A_122] {strides = array<i32>} : memref<640xf32, #tpu.memory_space<vmem>>, vector<16xf32>,
    %swap3A_124 = vector.shape_cast %swap3A_123 : vector<16xf32> to vector<16xf32>
    %swap3A_125 = vector.shape_cast %broadcast_in_dim3A_121 : vector<16xf32> to vector<16xf32>
    tpu.vector_store %arg10[%swap3A_122], %swap3A_125 {strides = array<i32>} : memref<640xf32, #tpu.memory_space<vmem>>, vector<16xf32>,
    %broadcast_in_dim3A_126 = arith.constant 0.000000e+00 : f32
    %broadcast_in_dim3A_127 = vector.broadcast %broadcast_in_dim3A_126 : f32 to vector<16xf32>
    %swap3A_128 = arith.constant 272 : index
    %swap3A_129 = tpu.vector_load %arg10[%swap3A_128] {strides = array<i32>} : memref<640xf32, #tpu.memory_space<vmem>>, vector<16xf32>,
    %swap3A_130 = vector.shape_cast %swap3A_129 : vector<16xf32> to vector<16xf32>
    %swap3A_131 = vector.shape_cast %broadcast_in_dim3A_127 : vector<16xf32> to vector<16xf32>
    tpu.vector_store %arg10[%swap3A_128], %swap3A_131 {strides = array<i32>} : memref<640xf32, #tpu.memory_space<vmem>>, vector<16xf32>,
    %broadcast_in_dim3A_132 = arith.constant 0.000000e+00 : f32
    %broadcast_in_dim3A_133 = vector.broadcast %broadcast_in_dim3A_132 : f32 to vector<16xf32>
    %swap3A_134 = arith.constant 288 : index
    %swap3A_135 = tpu.vector_load %arg10[%swap3A_134] {strides = array<i32>} : memref<640xf32, #tpu.memory_space<vmem>>, vector<16xf32>,
    %swap3A_136 = vector.shape_cast %swap3A_135 : vector<16xf32> to vector<16xf32>
    %swap3A_137 = vector.shape_cast %broadcast_in_dim3A_133 : vector<16xf32> to vector<16xf32>
    tpu.vector_store %arg10[%swap3A_134], %swap3A_137 {strides = array<i32>} : memref<640xf32, #tpu.memory_space<vmem>>, vector<16xf32>,
    %broadcast_in_dim3A_138 = arith.constant 0.000000e+00 : f32
    %broadcast_in_dim3A_139 = vector.broadcast %broadcast_in_dim3A_138 : f32 to vector<16xf32>
    %swap3A_140 = arith.constant 304 : index
    %swap3A_141 = tpu.vector_load %arg10[%swap3A_140] {strides = array<i32>} : memref<640xf32, #tpu.memory_space<vmem>>, vector<16xf32>,
    %swap3A_142 = vector.shape_cast %swap3A_141 : vector<16xf32> to vector<16xf32>
    %swap3A_143 = vector.shape_cast %broadcast_in_dim3A_139 : vector<16xf32> to vector<16xf32>
    tpu.vector_store %arg10[%swap3A_140], %swap3A_143 {strides = array<i32>} : memref<640xf32, #tpu.memory_space<vmem>>, vector<16xf32>,
    %broadcast_in_dim3A_144 = arith.constant 0.000000e+00 : f32
    %broadcast_in_dim3A_145 = vector.broadcast %broadcast_in_dim3A_144 : f32 to vector<16xf32>
    %swap3A_146 = arith.constant 320 : index
    %swap3A_147 = tpu.vector_load %arg10[%swap3A_146] {strides = array<i32>} : memref<640xf32, #tpu.memory_space<vmem>>, vector<16xf32>,
    %swap3A_148 = vector.shape_cast %swap3A_147 : vector<16xf32> to vector<16xf32>
    %swap3A_149 = vector.shape_cast %broadcast_in_dim3A_145 : vector<16xf32> to vector<16xf32>
    tpu.vector_store %arg10[%swap3A_146], %swap3A_149 {strides = array<i32>} : memref<640xf32, #tpu.memory_space<vmem>>, vector<16xf32>,
    %broadcast_in_dim3A_150 = arith.constant 0.000000e+00 : f32
    %broadcast_in_dim3A_151 = vector.broadcast %broadcast_in_dim3A_150 : f32 to vector<16xf32>
    %swap3A_152 = arith.constant 336 : index
    %swap3A_153 = tpu.vector_load %arg10[%swap3A_152] {strides = array<i32>} : memref<640xf32, #tpu.memory_space<vmem>>, vector<16xf32>,
    %swap3A_154 = vector.shape_cast %swap3A_153 : vector<16xf32> to vector<16xf32>
    %swap3A_155 = vector.shape_cast %broadcast_in_dim3A_151 : vector<16xf32> to vector<16xf32>
    tpu.vector_store %arg10[%swap3A_152], %swap3A_155 {strides = array<i32>} : memref<640xf32, #tpu.memory_space<vmem>>, vector<16xf32>,
    %broadcast_in_dim3A_156 = arith.constant 0.000000e+00 : f32
    %broadcast_in_dim3A_157 = vector.broadcast %broadcast_in_dim3A_156 : f32 to vector<16xf32>
    %swap3A_158 = arith.constant 352 : index
    %swap3A_159 = tpu.vector_load %arg10[%swap3A_158] {strides = array<i32>} : memref<640xf32, #tpu.memory_space<vmem>>, vector<16xf32>,
    %swap3A_160 = vector.shape_cast %swap3A_159 : vector<16xf32> to vector<16xf32>
    %swap3A_161 = vector.shape_cast %broadcast_in_dim3A_157 : vector<16xf32> to vector<16xf32>
    tpu.vector_store %arg10[%swap3A_158], %swap3A_161 {strides = array<i32>} : memref<640xf32, #tpu.memory_space<vmem>>, vector<16xf32>,
    %broadcast_in_dim3A_162 = arith.constant 0.000000e+00 : f32
    %broadcast_in_dim3A_163 = vector.broadcast %broadcast_in_dim3A_162 : f32 to vector<16xf32>
    %swap3A_164 = arith.constant 368 : index
    %swap3A_165 = tpu.vector_load %arg10[%swap3A_164] {strides = array<i32>} : memref<640xf32, #tpu.memory_space<vmem>>, vector<16xf32>,
    %swap3A_166 = vector.shape_cast %swap3A_165 : vector<16xf32> to vector<16xf32>
    %swap3A_167 = vector.shape_cast %broadcast_in_dim3A_163 : vector<16xf32> to vector<16xf32>
    tpu.vector_store %arg10[%swap3A_164], %swap3A_167 {strides = array<i32>} : memref<640xf32, #tpu.memory_space<vmem>>, vector<16xf32>,
    %broadcast_in_dim3A_168 = arith.constant 0.000000e+00 : f32
    %broadcast_in_dim3A_169 = vector.broadcast %broadcast_in_dim3A_168 : f32 to vector<16xf32>
    %swap3A_170 = arith.constant 384 : index
    %swap3A_171 = tpu.vector_load %arg10[%swap3A_170] {strides = array<i32>} : memref<640xf32, #tpu.memory_space<vmem>>, vector<16xf32>,
    %swap3A_172 = vector.shape_cast %swap3A_171 : vector<16xf32> to vector<16xf32>
    %swap3A_173 = vector.shape_cast %broadcast_in_dim3A_169 : vector<16xf32> to vector<16xf32>
    tpu.vector_store %arg10[%swap3A_170], %swap3A_173 {strides = array<i32>} : memref<640xf32, #tpu.memory_space<vmem>>, vector<16xf32>,
    %broadcast_in_dim3A_174 = arith.constant 0.000000e+00 : f32
    %broadcast_in_dim3A_175 = vector.broadcast %broadcast_in_dim3A_174 : f32 to vector<16xf32>
    %swap3A_176 = arith.constant 400 : index
    %swap3A_177 = tpu.vector_load %arg10[%swap3A_176] {strides = array<i32>} : memref<640xf32, #tpu.memory_space<vmem>>, vector<16xf32>,
    %swap3A_178 = vector.shape_cast %swap3A_177 : vector<16xf32> to vector<16xf32>
    %swap3A_179 = vector.shape_cast %broadcast_in_dim3A_175 : vector<16xf32> to vector<16xf32>
    tpu.vector_store %arg10[%swap3A_176], %swap3A_179 {strides = array<i32>} : memref<640xf32, #tpu.memory_space<vmem>>, vector<16xf32>,
    %broadcast_in_dim3A_180 = arith.constant 0.000000e+00 : f32
    %broadcast_in_dim3A_181 = vector.broadcast %broadcast_in_dim3A_180 : f32 to vector<16xf32>
    %swap3A_182 = arith.constant 416 : index
    %swap3A_183 = tpu.vector_load %arg10[%swap3A_182] {strides = array<i32>} : memref<640xf32, #tpu.memory_space<vmem>>, vector<16xf32>,
    %swap3A_184 = vector.shape_cast %swap3A_183 : vector<16xf32> to vector<16xf32>
    %swap3A_185 = vector.shape_cast %broadcast_in_dim3A_181 : vector<16xf32> to vector<16xf32>
    tpu.vector_store %arg10[%swap3A_182], %swap3A_185 {strides = array<i32>} : memref<640xf32, #tpu.memory_space<vmem>>, vector<16xf32>,
    %broadcast_in_dim3A_186 = arith.constant 0.000000e+00 : f32
    %broadcast_in_dim3A_187 = vector.broadcast %broadcast_in_dim3A_186 : f32 to vector<16xf32>
    %swap3A_188 = arith.constant 432 : index
    %swap3A_189 = tpu.vector_load %arg10[%swap3A_188] {strides = array<i32>} : memref<640xf32, #tpu.memory_space<vmem>>, vector<16xf32>,
    %swap3A_190 = vector.shape_cast %swap3A_189 : vector<16xf32> to vector<16xf32>
    %swap3A_191 = vector.shape_cast %broadcast_in_dim3A_187 : vector<16xf32> to vector<16xf32>
    tpu.vector_store %arg10[%swap3A_188], %swap3A_191 {strides = array<i32>} : memref<640xf32, #tpu.memory_space<vmem>>, vector<16xf32>,
    %broadcast_in_dim3A_192 = arith.constant 0.000000e+00 : f32
    %broadcast_in_dim3A_193 = vector.broadcast %broadcast_in_dim3A_192 : f32 to vector<16xf32>
    %swap3A_194 = arith.constant 448 : index
    %swap3A_195 = tpu.vector_load %arg10[%swap3A_194] {strides = array<i32>} : memref<640xf32, #tpu.memory_space<vmem>>, vector<16xf32>,
    %swap3A_196 = vector.shape_cast %swap3A_195 : vector<16xf32> to vector<16xf32>
    %swap3A_197 = vector.shape_cast %broadcast_in_dim3A_193 : vector<16xf32> to vector<16xf32>
    tpu.vector_store %arg10[%swap3A_194], %swap3A_197 {strides = array<i32>} : memref<640xf32, #tpu.memory_space<vmem>>, vector<16xf32>,
    %broadcast_in_dim3A_198 = arith.constant 0.000000e+00 : f32
    %broadcast_in_dim3A_199 = vector.broadcast %broadcast_in_dim3A_198 : f32 to vector<16xf32>
    %swap3A_200 = arith.constant 464 : index
    %swap3A_201 = tpu.vector_load %arg10[%swap3A_200] {strides = array<i32>} : memref<640xf32, #tpu.memory_space<vmem>>, vector<16xf32>,
    %swap3A_202 = vector.shape_cast %swap3A_201 : vector<16xf32> to vector<16xf32>
    %swap3A_203 = vector.shape_cast %broadcast_in_dim3A_199 : vector<16xf32> to vector<16xf32>
    tpu.vector_store %arg10[%swap3A_200], %swap3A_203 {strides = array<i32>} : memref<640xf32, #tpu.memory_space<vmem>>, vector<16xf32>,
    %broadcast_in_dim3A_204 = arith.constant 0.000000e+00 : f32
    %broadcast_in_dim3A_205 = vector.broadcast %broadcast_in_dim3A_204 : f32 to vector<16xf32>
    %swap3A_206 = arith.constant 480 : index
    %swap3A_207 = tpu.vector_load %arg10[%swap3A_206] {strides = array<i32>} : memref<640xf32, #tpu.memory_space<vmem>>, vector<16xf32>,
    %swap3A_208 = vector.shape_cast %swap3A_207 : vector<16xf32> to vector<16xf32>
    %swap3A_209 = vector.shape_cast %broadcast_in_dim3A_205 : vector<16xf32> to vector<16xf32>
    tpu.vector_store %arg10[%swap3A_206], %swap3A_209 {strides = array<i32>} : memref<640xf32, #tpu.memory_space<vmem>>, vector<16xf32>,
    %broadcast_in_dim3A_210 = arith.constant 0.000000e+00 : f32
    %broadcast_in_dim3A_211 = vector.broadcast %broadcast_in_dim3A_210 : f32 to vector<16xf32>
    %swap3A_212 = arith.constant 496 : index
    %swap3A_213 = tpu.vector_load %arg10[%swap3A_212] {strides = array<i32>} : memref<640xf32, #tpu.memory_space<vmem>>, vector<16xf32>,
    %swap3A_214 = vector.shape_cast %swap3A_213 : vector<16xf32> to vector<16xf32>
    %swap3A_215 = vector.shape_cast %broadcast_in_dim3A_211 : vector<16xf32> to vector<16xf32>
    tpu.vector_store %arg10[%swap3A_212], %swap3A_215 {strides = array<i32>} : memref<640xf32, #tpu.memory_space<vmem>>, vector<16xf32>,
    %broadcast_in_dim3A_216 = arith.constant 0.000000e+00 : f32
    %broadcast_in_dim3A_217 = vector.broadcast %broadcast_in_dim3A_216 : f32 to vector<16xf32>
    %swap3A_218 = arith.constant 512 : index
    %swap3A_219 = tpu.vector_load %arg10[%swap3A_218] {strides = array<i32>} : memref<640xf32, #tpu.memory_space<vmem>>, vector<16xf32>,
    %swap3A_220 = vector.shape_cast %swap3A_219 : vector<16xf32> to vector<16xf32>
    %swap3A_221 = vector.shape_cast %broadcast_in_dim3A_217 : vector<16xf32> to vector<16xf32>
    tpu.vector_store %arg10[%swap3A_218], %swap3A_221 {strides = array<i32>} : memref<640xf32, #tpu.memory_space<vmem>>, vector<16xf32>,
    %broadcast_in_dim3A_222 = arith.constant 0.000000e+00 : f32
    %broadcast_in_dim3A_223 = vector.broadcast %broadcast_in_dim3A_222 : f32 to vector<16xf32>
    %swap3A_224 = arith.constant 528 : index
    %swap3A_225 = tpu.vector_load %arg10[%swap3A_224] {strides = array<i32>} : memref<640xf32, #tpu.memory_space<vmem>>, vector<16xf32>,
    %swap3A_226 = vector.shape_cast %swap3A_225 : vector<16xf32> to vector<16xf32>
    %swap3A_227 = vector.shape_cast %broadcast_in_dim3A_223 : vector<16xf32> to vector<16xf32>
    tpu.vector_store %arg10[%swap3A_224], %swap3A_227 {strides = array<i32>} : memref<640xf32, #tpu.memory_space<vmem>>, vector<16xf32>,
    %broadcast_in_dim3A_228 = arith.constant 0.000000e+00 : f32
    %broadcast_in_dim3A_229 = vector.broadcast %broadcast_in_dim3A_228 : f32 to vector<16xf32>
    %swap3A_230 = arith.constant 544 : index
    %swap3A_231 = tpu.vector_load %arg10[%swap3A_230] {strides = array<i32>} : memref<640xf32, #tpu.memory_space<vmem>>, vector<16xf32>,
    %swap3A_232 = vector.shape_cast %swap3A_231 : vector<16xf32> to vector<16xf32>
    %swap3A_233 = vector.shape_cast %broadcast_in_dim3A_229 : vector<16xf32> to vector<16xf32>
    tpu.vector_store %arg10[%swap3A_230], %swap3A_233 {strides = array<i32>} : memref<640xf32, #tpu.memory_space<vmem>>, vector<16xf32>,
    %broadcast_in_dim3A_234 = arith.constant 0.000000e+00 : f32
    %broadcast_in_dim3A_235 = vector.broadcast %broadcast_in_dim3A_234 : f32 to vector<16xf32>
    %swap3A_236 = arith.constant 560 : index
    %swap3A_237 = tpu.vector_load %arg10[%swap3A_236] {strides = array<i32>} : memref<640xf32, #tpu.memory_space<vmem>>, vector<16xf32>,
    %swap3A_238 = vector.shape_cast %swap3A_237 : vector<16xf32> to vector<16xf32>
    %swap3A_239 = vector.shape_cast %broadcast_in_dim3A_235 : vector<16xf32> to vector<16xf32>
    tpu.vector_store %arg10[%swap3A_236], %swap3A_239 {strides = array<i32>} : memref<640xf32, #tpu.memory_space<vmem>>, vector<16xf32>,
    %broadcast_in_dim3A_240 = arith.constant 0.000000e+00 : f32
    %broadcast_in_dim3A_241 = vector.broadcast %broadcast_in_dim3A_240 : f32 to vector<16xf32>
    %swap3A_242 = arith.constant 576 : index
    %swap3A_243 = tpu.vector_load %arg10[%swap3A_242] {strides = array<i32>} : memref<640xf32, #tpu.memory_space<vmem>>, vector<16xf32>,
    %swap3A_244 = vector.shape_cast %swap3A_243 : vector<16xf32> to vector<16xf32>
    %swap3A_245 = vector.shape_cast %broadcast_in_dim3A_241 : vector<16xf32> to vector<16xf32>
    tpu.vector_store %arg10[%swap3A_242], %swap3A_245 {strides = array<i32>} : memref<640xf32, #tpu.memory_space<vmem>>, vector<16xf32>,
    %broadcast_in_dim3A_246 = arith.constant 0.000000e+00 : f32
    %broadcast_in_dim3A_247 = vector.broadcast %broadcast_in_dim3A_246 : f32 to vector<16xf32>
    %swap3A_248 = arith.constant 592 : index
    %swap3A_249 = tpu.vector_load %arg10[%swap3A_248] {strides = array<i32>} : memref<640xf32, #tpu.memory_space<vmem>>, vector<16xf32>,
    %swap3A_250 = vector.shape_cast %swap3A_249 : vector<16xf32> to vector<16xf32>
    %swap3A_251 = vector.shape_cast %broadcast_in_dim3A_247 : vector<16xf32> to vector<16xf32>
    tpu.vector_store %arg10[%swap3A_248], %swap3A_251 {strides = array<i32>} : memref<640xf32, #tpu.memory_space<vmem>>, vector<16xf32>,
    %broadcast_in_dim3A_252 = arith.constant 0.000000e+00 : f32
    %broadcast_in_dim3A_253 = vector.broadcast %broadcast_in_dim3A_252 : f32 to vector<16xf32>
    %swap3A_254 = arith.constant 608 : index
    %swap3A_255 = tpu.vector_load %arg10[%swap3A_254] {strides = array<i32>} : memref<640xf32, #tpu.memory_space<vmem>>, vector<16xf32>,
    %swap3A_256 = vector.shape_cast %swap3A_255 : vector<16xf32> to vector<16xf32>
    %swap3A_257 = vector.shape_cast %broadcast_in_dim3A_253 : vector<16xf32> to vector<16xf32>
    tpu.vector_store %arg10[%swap3A_254], %swap3A_257 {strides = array<i32>} : memref<640xf32, #tpu.memory_space<vmem>>, vector<16xf32>,
    %broadcast_in_dim3A_258 = arith.constant 0.000000e+00 : f32
    %broadcast_in_dim3A_259 = vector.broadcast %broadcast_in_dim3A_258 : f32 to vector<16xf32>
    %swap3A_260 = arith.constant 624 : index
    %swap3A_261 = tpu.vector_load %arg10[%swap3A_260] {strides = array<i32>} : memref<640xf32, #tpu.memory_space<vmem>>, vector<16xf32>,
    %swap3A_262 = vector.shape_cast %swap3A_261 : vector<16xf32> to vector<16xf32>
    %swap3A_263 = vector.shape_cast %broadcast_in_dim3A_259 : vector<16xf32> to vector<16xf32>
    tpu.vector_store %arg10[%swap3A_260], %swap3A_263 {strides = array<i32>} : memref<640xf32, #tpu.memory_space<vmem>>, vector<16xf32>,
    %mul3A_264 = arith.constant 640 : i32
    %mul3A_265 = arith.muli %arg1, %mul3A_264 : i32
    "tpu.region"() ({
      %run_scoped3A = tpu.sem_alloc : memref<!tpu.dma_semaphore, #tpu.memory_space<semaphore_mem>>
      %dma_start3A_398 = tpu.memref_slice %arg22[%mul3A_265] : memref<10240xf32, #tpu.memory_space<vmem_shared>> -> memref<640xf32, #tpu.memory_space<vmem_shared>>
      %dma_start3A_399 = tpu.memref_slice %arg22[%mul3A_265] : memref<10240xf32, #tpu.memory_space<vmem_shared>> -> memref<640xf32, #tpu.memory_space<vmem_shared>>
      tpu.enqueue_dma source(%arg10 : memref<640xf32, #tpu.memory_space<vmem>>) target(%dma_start3A_399 : memref<640xf32, #tpu.memory_space<vmem_shared>>) target_semaphore(%run_scoped3A : memref<!tpu.dma_semaphore, #tpu.memory_space<semaphore_mem>>)
      %dma_wait3A_400 = tpu.memref_slice %arg22[%mul3A_265] : memref<10240xf32, #tpu.memory_space<vmem_shared>> -> memref<640xf32, #tpu.memory_space<vmem_shared>>
      %dma_wait3A_401 = tpu.memref_slice %arg22[%mul3A_265] : memref<10240xf32, #tpu.memory_space<vmem_shared>> -> memref<640xf32, #tpu.memory_space<vmem_shared>>
      tpu.wait_dma2 semaphore(%run_scoped3A : memref<!tpu.dma_semaphore, #tpu.memory_space<semaphore_mem>>) src(%arg10 : memref<640xf32, #tpu.memory_space<vmem>>) dst(%dma_wait3A_401 : memref<640xf32, #tpu.memory_space<vmem_shared>>)
      tpu.yield
    }) : () -> ()
    %broadcast_in_dim3A_266 = arith.constant 1.000000e+00 : f32
    %broadcast_in_dim3A_267 = vector.broadcast %broadcast_in_dim3A_266 : f32 to vector<16xf32>
    %swap3A_268 = arith.constant 0 : index
    %swap3A_269 = tpu.vector_load %arg9[%swap3A_268] {strides = array<i32>} : memref<80xf32, #tpu.memory_space<vmem>>, vector<16xf32>,
    %swap3A_270 = vector.shape_cast %swap3A_269 : vector<16xf32> to vector<16xf32>
    %swap3A_271 = vector.shape_cast %broadcast_in_dim3A_267 : vector<16xf32> to vector<16xf32>
    tpu.vector_store %arg9[%swap3A_268], %swap3A_271 {strides = array<i32>} : memref<80xf32, #tpu.memory_space<vmem>>, vector<16xf32>,
    %broadcast_in_dim3A_272 = arith.constant 1.000000e+00 : f32
    %broadcast_in_dim3A_273 = vector.broadcast %broadcast_in_dim3A_272 : f32 to vector<16xf32>
    %swap3A_274 = arith.constant 16 : index
    %swap3A_275 = tpu.vector_load %arg9[%swap3A_274] {strides = array<i32>} : memref<80xf32, #tpu.memory_space<vmem>>, vector<16xf32>,
    %swap3A_276 = vector.shape_cast %swap3A_275 : vector<16xf32> to vector<16xf32>
    %swap3A_277 = vector.shape_cast %broadcast_in_dim3A_273 : vector<16xf32> to vector<16xf32>
    tpu.vector_store %arg9[%swap3A_274], %swap3A_277 {strides = array<i32>} : memref<80xf32, #tpu.memory_space<vmem>>, vector<16xf32>,
    %broadcast_in_dim3A_278 = arith.constant 1.000000e+00 : f32
    %broadcast_in_dim3A_279 = vector.broadcast %broadcast_in_dim3A_278 : f32 to vector<16xf32>
    %swap3A_280 = arith.constant 32 : index
    %swap3A_281 = tpu.vector_load %arg9[%swap3A_280] {strides = array<i32>} : memref<80xf32, #tpu.memory_space<vmem>>, vector<16xf32>,
    %swap3A_282 = vector.shape_cast %swap3A_281 : vector<16xf32> to vector<16xf32>
    %swap3A_283 = vector.shape_cast %broadcast_in_dim3A_279 : vector<16xf32> to vector<16xf32>
    tpu.vector_store %arg9[%swap3A_280], %swap3A_283 {strides = array<i32>} : memref<80xf32, #tpu.memory_space<vmem>>, vector<16xf32>,
    %broadcast_in_dim3A_284 = arith.constant 1.000000e+00 : f32
    %broadcast_in_dim3A_285 = vector.broadcast %broadcast_in_dim3A_284 : f32 to vector<16xf32>
    %swap3A_286 = arith.constant 48 : index
    %swap3A_287 = tpu.vector_load %arg9[%swap3A_286] {strides = array<i32>} : memref<80xf32, #tpu.memory_space<vmem>>, vector<16xf32>,
    %swap3A_288 = vector.shape_cast %swap3A_287 : vector<16xf32> to vector<16xf32>
    %swap3A_289 = vector.shape_cast %broadcast_in_dim3A_285 : vector<16xf32> to vector<16xf32>
    tpu.vector_store %arg9[%swap3A_286], %swap3A_289 {strides = array<i32>} : memref<80xf32, #tpu.memory_space<vmem>>, vector<16xf32>,
    %broadcast_in_dim3A_290 = arith.constant 1.000000e+00 : f32
    %broadcast_in_dim3A_291 = vector.broadcast %broadcast_in_dim3A_290 : f32 to vector<16xf32>
    %swap3A_292 = arith.constant 64 : index
    %swap3A_293 = tpu.vector_load %arg9[%swap3A_292] {strides = array<i32>} : memref<80xf32, #tpu.memory_space<vmem>>, vector<16xf32>,
    %swap3A_294 = vector.shape_cast %swap3A_293 : vector<16xf32> to vector<16xf32>
    %swap3A_295 = vector.shape_cast %broadcast_in_dim3A_291 : vector<16xf32> to vector<16xf32>
    tpu.vector_store %arg9[%swap3A_292], %swap3A_295 {strides = array<i32>} : memref<80xf32, #tpu.memory_space<vmem>>, vector<16xf32>,
    %barrier3A = arith.constant 0 : index
    tpu.barrier barrier_id(%barrier3A)
    %dma_wait3A = arith.constant 0 : i32
    %dma_wait3A_296 = arith.constant 0 : i32
    %dma_wait3A_297 = arith.constant 0 : i32
    %dma_wait3A_298 = arith.constant 0 : i32
    %dma_wait3A_299 = arith.constant 0 : i32
    %dma_wait3A_300 = tpu.memref_slice %arg7[%dma_wait3A_296, %dma_wait3A_297, %dma_wait3A_298, %dma_wait3A_299] : memref<2x8x2x80xi32, #tpu.memory_space<vmem>> -> memref<1x8x2x80xi32, #tpu.memory_space<vmem>>
    %dma_wait3A_301 = tpu.memref_squeeze %dma_wait3A_300 : memref<1x8x2x80xi32, #tpu.memory_space<vmem>> -> memref<8x2x80xi32, #tpu.memory_space<vmem>>
    %dma_wait3A_302 = arith.constant 0 : i32
    %dma_wait3A_303 = arith.constant 0 : i32
    %dma_wait3A_304 = arith.constant 0 : i32
    %dma_wait3A_305 = tpu.memref_slice %arg3[%add3A, %dma_wait3A, %dma_wait3A_302, %dma_wait3A_303, %dma_wait3A_304] : memref<32x16x8x2x80xi32, #tpu.memory_space<hbm>> -> memref<1x1x8x2x80xi32, #tpu.memory_space<hbm>>
    %dma_wait3A_306 = tpu.memref_squeeze %dma_wait3A_305 : memref<1x1x8x2x80xi32, #tpu.memory_space<hbm>> -> memref<8x2x80xi32, #tpu.memory_space<hbm>>
    %dma_wait3A_307 = arith.constant 0 : i32
    %dma_wait3A_308 = arith.constant 0 : i32
    %dma_wait3A_309 = arith.constant 0 : i32
    %dma_wait3A_310 = tpu.memref_slice %arg7[%dma_wait3A_296, %dma_wait3A_307, %dma_wait3A_308, %dma_wait3A_309] : memref<2x8x2x80xi32, #tpu.memory_space<vmem>> -> memref<1x8x2x80xi32, #tpu.memory_space<vmem>>
    %dma_wait3A_311 = tpu.memref_squeeze %dma_wait3A_310 : memref<1x8x2x80xi32, #tpu.memory_space<vmem>> -> memref<8x2x80xi32, #tpu.memory_space<vmem>>
    %dma_wait3A_312 = arith.constant 0 : i32
    %dma_wait3A_313 = arith.constant 0 : i32
    %dma_wait3A_314 = arith.constant 0 : i32
    %dma_wait3A_315 = tpu.memref_slice %arg3[%add3A, %dma_wait3A, %dma_wait3A_312, %dma_wait3A_313, %dma_wait3A_314] : memref<32x16x8x2x80xi32, #tpu.memory_space<hbm>> -> memref<1x1x8x2x80xi32, #tpu.memory_space<hbm>>
    %dma_wait3A_316 = tpu.memref_squeeze %dma_wait3A_315 : memref<1x1x8x2x80xi32, #tpu.memory_space<hbm>> -> memref<8x2x80xi32, #tpu.memory_space<hbm>>
    tpu.wait_dma2 semaphore(%arg11 : memref<!tpu.dma_semaphore, #tpu.memory_space<semaphore_mem>>) src(%dma_wait3A_316 : memref<8x2x80xi32, #tpu.memory_space<hbm>>) dst(%dma_wait3A_311 : memref<8x2x80xi32, #tpu.memory_space<vmem>>)
    %dma_start3A_317 = arith.constant 0 : i32
    %dma_start3A_318 = arith.constant 0 : i32
    %dma_start3A_319 = arith.constant 0 : i32
    %dma_start3A_320 = arith.constant 0 : i32
    %dma_start3A_321 = arith.constant 0 : i32
    %dma_start3A_322 = arith.constant 0 : i32
    %dma_start3A_323 = tpu.memref_slice %arg8[%dma_start3A_320, %dma_start3A_321, %dma_start3A_322] : memref<4x80x128xf32, #tpu.memory_space<vmem>> -> memref<1x80x128xf32, #tpu.memory_space<vmem>>
    %dma_start3A_324 = tpu.memref_squeeze %dma_start3A_323 : memref<1x80x128xf32, #tpu.memory_space<vmem>> -> memref<80x128xf32, #tpu.memory_space<vmem>>
    %dma_start3A_325 = arith.constant 0 : i32
    %dma_start3A_326 = tpu.memref_slice %arg7[%dma_start3A_317, %dma_start3A_318, %dma_start3A_319, %dma_start3A_325] : memref<2x8x2x80xi32, #tpu.memory_space<vmem>> -> memref<1x1x1x80xi32, #tpu.memory_space<vmem>>
    %dma_start3A_327 = tpu.memref_squeeze %dma_start3A_326 : memref<1x1x1x80xi32, #tpu.memory_space<vmem>> -> memref<80xi32, #tpu.memory_space<vmem>>
    %dma_start3A_328 = arith.constant 0 : i32
    %dma_start3A_329 = arith.constant 0 : i32
    %dma_start3A_330 = tpu.memref_slice %arg2[%dma_start3A_328, %dma_start3A_329] : memref<10000x128xf32, #tpu.memory_space<hbm>> -> memref<10000x128xf32, #tpu.memory_space<hbm>>
    tpu.enqueue_indirect_dma source(%dma_start3A_330 : memref<10000x128xf32, #tpu.memory_space<hbm>>) target(%dma_start3A_324 : memref<80x128xf32, #tpu.memory_space<vmem>>) offsets(%dma_start3A_327 : memref<80xi32, #tpu.memory_space<vmem>>) semaphore(%arg13 : memref<!tpu.dma_semaphore, #tpu.memory_space<semaphore_mem>>)
    %dma_start3A_331 = arith.constant 0 : i32
    %dma_start3A_332 = arith.constant 1 : i32
    %dma_start3A_333 = arith.constant 0 : i32
    %dma_start3A_334 = arith.constant 1 : i32
    %dma_start3A_335 = arith.constant 0 : i32
    %dma_start3A_336 = arith.constant 0 : i32
    %dma_start3A_337 = tpu.memref_slice %arg8[%dma_start3A_334, %dma_start3A_335, %dma_start3A_336] : memref<4x80x128xf32, #tpu.memory_space<vmem>> -> memref<1x80x128xf32, #tpu.memory_space<vmem>>
    %dma_start3A_338 = tpu.memref_squeeze %dma_start3A_337 : memref<1x80x128xf32, #tpu.memory_space<vmem>> -> memref<80x128xf32, #tpu.memory_space<vmem>>
    %dma_start3A_339 = arith.constant 0 : i32
    %dma_start3A_340 = tpu.memref_slice %arg7[%dma_start3A_331, %dma_start3A_332, %dma_start3A_333, %dma_start3A_339] : memref<2x8x2x80xi32, #tpu.memory_space<vmem>> -> memref<1x1x1x80xi32, #tpu.memory_space<vmem>>
    %dma_start3A_341 = tpu.memref_squeeze %dma_start3A_340 : memref<1x1x1x80xi32, #tpu.memory_space<vmem>> -> memref<80xi32, #tpu.memory_space<vmem>>
    %dma_start3A_342 = arith.constant 0 : i32
    %dma_start3A_343 = arith.constant 0 : i32
    %dma_start3A_344 = tpu.memref_slice %arg2[%dma_start3A_342, %dma_start3A_343] : memref<10000x128xf32, #tpu.memory_space<hbm>> -> memref<10000x128xf32, #tpu.memory_space<hbm>>
    tpu.enqueue_indirect_dma source(%dma_start3A_344 : memref<10000x128xf32, #tpu.memory_space<hbm>>) target(%dma_start3A_338 : memref<80x128xf32, #tpu.memory_space<vmem>>) offsets(%dma_start3A_341 : memref<80xi32, #tpu.memory_space<vmem>>) semaphore(%arg14 : memref<!tpu.dma_semaphore, #tpu.memory_space<semaphore_mem>>)
    %dma_start3A_345 = arith.constant 0 : i32
    %dma_start3A_346 = arith.constant 2 : i32
    %dma_start3A_347 = arith.constant 0 : i32
    %dma_start3A_348 = arith.constant 2 : i32
    %dma_start3A_349 = arith.constant 0 : i32
    %dma_start3A_350 = arith.constant 0 : i32
    %dma_start3A_351 = tpu.memref_slice %arg8[%dma_start3A_348, %dma_start3A_349, %dma_start3A_350] : memref<4x80x128xf32, #tpu.memory_space<vmem>> -> memref<1x80x128xf32, #tpu.memory_space<vmem>>
    %dma_start3A_352 = tpu.memref_squeeze %dma_start3A_351 : memref<1x80x128xf32, #tpu.memory_space<vmem>> -> memref<80x128xf32, #tpu.memory_space<vmem>>
    %dma_start3A_353 = arith.constant 0 : i32
    %dma_start3A_354 = tpu.memref_slice %arg7[%dma_start3A_345, %dma_start3A_346, %dma_start3A_347, %dma_start3A_353] : memref<2x8x2x80xi32, #tpu.memory_space<vmem>> -> memref<1x1x1x80xi32, #tpu.memory_space<vmem>>
    %dma_start3A_355 = tpu.memref_squeeze %dma_start3A_354 : memref<1x1x1x80xi32, #tpu.memory_space<vmem>> -> memref<80xi32, #tpu.memory_space<vmem>>
    %dma_start3A_356 = arith.constant 0 : i32
    %dma_start3A_357 = arith.constant 0 : i32
    %dma_start3A_358 = tpu.memref_slice %arg2[%dma_start3A_356, %dma_start3A_357] : memref<10000x128xf32, #tpu.memory_space<hbm>> -> memref<10000x128xf32, #tpu.memory_space<hbm>>
    tpu.enqueue_indirect_dma source(%dma_start3A_358 : memref<10000x128xf32, #tpu.memory_space<hbm>>) target(%dma_start3A_352 : memref<80x128xf32, #tpu.memory_space<vmem>>) offsets(%dma_start3A_355 : memref<80xi32, #tpu.memory_space<vmem>>) semaphore(%arg15 : memref<!tpu.dma_semaphore, #tpu.memory_space<semaphore_mem>>)
    %scan3A = arith.constant 0 : i32
    %scan3A_359 = arith.constant 0 : i32
    %scan3A_360 = arith.constant 8 : i32
    %scan3A_361 = arith.addi %scan3A_359, %scan3A_360 : i32
    %scan3A_362 = arith.constant 1 : i32
    scf.for %scan3A_398 = %scan3A_359 to %scan3A_361 step %scan3A_362  : i32 {
      %mul3A_399 = arith.constant 2 : i32
      %mul3A_400 = arith.muli %scan3A_398, %mul3A_399 : i32
      %dma_wait3A_401 = arith.constant 0 : i32
      %dma_wait3A_402 = arith.constant 0 : i32
      %dma_wait3A_403 = arith.constant 0 : i32
      %dma_wait3A_404 = arith.constant 0 : i32
      %dma_wait3A_405 = arith.constant 0 : i32
      %dma_wait3A_406 = arith.constant 0 : i32
      %dma_wait3A_407 = tpu.memref_slice %arg8[%dma_wait3A_404, %dma_wait3A_405, %dma_wait3A_406] : memref<4x80x128xf32, #tpu.memory_space<vmem>> -> memref<1x80x128xf32, #tpu.memory_space<vmem>>
      %dma_wait3A_408 = tpu.memref_squeeze %dma_wait3A_407 : memref<1x80x128xf32, #tpu.memory_space<vmem>> -> memref<80x128xf32, #tpu.memory_space<vmem>>
      %dma_wait3A_409 = arith.constant 0 : i32
      %dma_wait3A_410 = tpu.memref_slice %arg7[%dma_wait3A_401, %dma_wait3A_402, %dma_wait3A_403, %dma_wait3A_409] : memref<2x8x2x80xi32, #tpu.memory_space<vmem>> -> memref<1x1x1x80xi32, #tpu.memory_space<vmem>>
      %dma_wait3A_411 = tpu.memref_squeeze %dma_wait3A_410 : memref<1x1x1x80xi32, #tpu.memory_space<vmem>> -> memref<80xi32, #tpu.memory_space<vmem>>
      %dma_wait3A_412 = arith.constant 0 : i32
      %dma_wait3A_413 = arith.constant 0 : i32
      %dma_wait3A_414 = tpu.memref_slice %arg2[%dma_wait3A_412, %dma_wait3A_413] : memref<10000x128xf32, #tpu.memory_space<hbm>> -> memref<10000x128xf32, #tpu.memory_space<hbm>>
      tpu.wait_indirect_dma semaphore(%arg13 : memref<!tpu.dma_semaphore, #tpu.memory_space<semaphore_mem>>) src(%dma_wait3A_414 : memref<10000x128xf32, #tpu.memory_space<hbm>>) dst(%dma_wait3A_408 : memref<80x128xf32, #tpu.memory_space<vmem>>)
      %gt3A = arith.constant 0 : i32
      %gt3A_415 = arith.cmpi sgt, %mul3A_400, %gt3A : i32
      %convert_element_type3A = arith.extui %gt3A_415 : i1 to i32
      %cond3A = arith.constant 0 : i32
      %cond3A_416 = arith.cmpi ne, %convert_element_type3A, %cond3A : i32
      scf.if %cond3A_416 {
        %dma_wait3A_1491 = arith.constant 3 : i32
        %dma_wait3A_1492 = arith.constant 0 : i32
        %dma_wait3A_1493 = arith.constant 0 : i32
        %dma_wait3A_1494 = arith.constant 1 : i32
        %dma_wait3A_1495 = arith.constant 0 : i32
        %dma_wait3A_1496 = arith.constant 0 : i32
        %dma_wait3A_1497 = tpu.memref_slice %arg8[%dma_wait3A_1491, %dma_wait3A_1495, %dma_wait3A_1496] : memref<4x80x128xf32, #tpu.memory_space<vmem>> -> memref<1x80x128xf32, #tpu.memory_space<vmem>>
        %dma_wait3A_1498 = tpu.memref_squeeze %dma_wait3A_1497 : memref<1x80x128xf32, #tpu.memory_space<vmem>> -> memref<80x128xf32, #tpu.memory_space<vmem>>
        %dma_wait3A_1499 = arith.constant 0 : i32
        %dma_wait3A_1500 = tpu.memref_slice %arg7[%dma_wait3A_1492, %dma_wait3A_1493, %dma_wait3A_1494, %dma_wait3A_1499] : memref<2x8x2x80xi32, #tpu.memory_space<vmem>> -> memref<1x1x1x80xi32, #tpu.memory_space<vmem>>
        %dma_wait3A_1501 = tpu.memref_squeeze %dma_wait3A_1500 : memref<1x1x1x80xi32, #tpu.memory_space<vmem>> -> memref<80xi32, #tpu.memory_space<vmem>>
        %dma_wait3A_1502 = arith.constant 0 : i32
        %dma_wait3A_1503 = arith.constant 0 : i32
        %dma_wait3A_1504 = tpu.memref_slice %arg21[%dma_wait3A_1502, %dma_wait3A_1503] : memref<10240x128xf32, #tpu.memory_space<vmem_shared>> -> memref<10240x128xf32, #tpu.memory_space<vmem_shared>>
        tpu.wait_indirect_dma semaphore(%arg20 : memref<!tpu.dma_semaphore, #tpu.memory_space<semaphore_mem>>) src(%dma_wait3A_1498 : memref<80x128xf32, #tpu.memory_space<vmem>>) dst(%dma_wait3A_1504 : memref<10240x128xf32, #tpu.memory_space<vmem_shared>>)
        %dma_wait3A_1505 = arith.constant 0 : i32
        %dma_wait3A_1506 = arith.constant 0 : i32
        %dma_wait3A_1507 = arith.constant 1 : i32
        %dma_wait3A_1508 = arith.constant 0 : i32
        %dma_wait3A_1509 = tpu.memref_slice %arg7[%dma_wait3A_1505, %dma_wait3A_1506, %dma_wait3A_1507, %dma_wait3A_1508] : memref<2x8x2x80xi32, #tpu.memory_space<vmem>> -> memref<1x1x1x80xi32, #tpu.memory_space<vmem>>
        %dma_wait3A_1510 = tpu.memref_squeeze %dma_wait3A_1509 : memref<1x1x1x80xi32, #tpu.memory_space<vmem>> -> memref<80xi32, #tpu.memory_space<vmem>>
        %dma_wait3A_1511 = arith.constant 0 : i32
        %dma_wait3A_1512 = tpu.memref_slice %arg22[%dma_wait3A_1511] : memref<10240xf32, #tpu.memory_space<vmem_shared>> -> memref<10240xf32, #tpu.memory_space<vmem_shared>>
        tpu.wait_indirect_dma semaphore(%arg20 : memref<!tpu.dma_semaphore, #tpu.memory_space<semaphore_mem>>) src(%arg9 : memref<80xf32, #tpu.memory_space<vmem>>) dst(%dma_wait3A_1512 : memref<10240xf32, #tpu.memory_space<vmem_shared>>)
      } else {
      }
      %dma_start3A_417 = arith.constant 0 : i32
      %dma_start3A_418 = arith.constant 3 : i32
      %dma_start3A_419 = arith.constant 0 : i32
      %dma_start3A_420 = arith.constant 3 : i32
      %dma_start3A_421 = arith.constant 0 : i32
      %dma_start3A_422 = arith.constant 0 : i32
      %dma_start3A_423 = tpu.memref_slice %arg8[%dma_start3A_420, %dma_start3A_421, %dma_start3A_422] : memref<4x80x128xf32, #tpu.memory_space<vmem>> -> memref<1x80x128xf32, #tpu.memory_space<vmem>>
      %dma_start3A_424 = tpu.memref_squeeze %dma_start3A_423 : memref<1x80x128xf32, #tpu.memory_space<vmem>> -> memref<80x128xf32, #tpu.memory_space<vmem>>
      %dma_start3A_425 = arith.constant 0 : i32
      %dma_start3A_426 = tpu.memref_slice %arg7[%dma_start3A_417, %dma_start3A_418, %dma_start3A_419, %dma_start3A_425] : memref<2x8x2x80xi32, #tpu.memory_space<vmem>> -> memref<1x1x1x80xi32, #tpu.memory_space<vmem>>
      %dma_start3A_427 = tpu.memref_squeeze %dma_start3A_426 : memref<1x1x1x80xi32, #tpu.memory_space<vmem>> -> memref<80xi32, #tpu.memory_space<vmem>>
      %dma_start3A_428 = arith.constant 0 : i32
      %dma_start3A_429 = arith.constant 0 : i32
      %dma_start3A_430 = tpu.memref_slice %arg2[%dma_start3A_428, %dma_start3A_429] : memref<10000x128xf32, #tpu.memory_space<hbm>> -> memref<10000x128xf32, #tpu.memory_space<hbm>>
      tpu.enqueue_indirect_dma source(%dma_start3A_430 : memref<10000x128xf32, #tpu.memory_space<hbm>>) target(%dma_start3A_424 : memref<80x128xf32, #tpu.memory_space<vmem>>) offsets(%dma_start3A_427 : memref<80xi32, #tpu.memory_space<vmem>>) semaphore(%arg16 : memref<!tpu.dma_semaphore, #tpu.memory_space<semaphore_mem>>)
      %dma_start3A_431 = arith.constant 0 : i32
      %dma_start3A_432 = arith.constant 0 : i32
      %dma_start3A_433 = arith.constant 0 : i32
      %dma_start3A_434 = arith.constant 1 : i32
      %dma_start3A_435 = arith.constant 0 : i32
      %dma_start3A_436 = arith.constant 0 : i32
      %dma_start3A_437 = tpu.memref_slice %arg8[%dma_start3A_431, %dma_start3A_435, %dma_start3A_436] : memref<4x80x128xf32, #tpu.memory_space<vmem>> -> memref<1x80x128xf32, #tpu.memory_space<vmem>>
      %dma_start3A_438 = tpu.memref_squeeze %dma_start3A_437 : memref<1x80x128xf32, #tpu.memory_space<vmem>> -> memref<80x128xf32, #tpu.memory_space<vmem>>
      %dma_start3A_439 = arith.constant 0 : i32
      %dma_start3A_440 = tpu.memref_slice %arg7[%dma_start3A_432, %dma_start3A_433, %dma_start3A_434, %dma_start3A_439] : memref<2x8x2x80xi32, #tpu.memory_space<vmem>> -> memref<1x1x1x80xi32, #tpu.memory_space<vmem>>
      %dma_start3A_441 = tpu.memref_squeeze %dma_start3A_440 : memref<1x1x1x80xi32, #tpu.memory_space<vmem>> -> memref<80xi32, #tpu.memory_space<vmem>>
      %dma_start3A_442 = arith.constant 0 : i32
      %dma_start3A_443 = arith.constant 0 : i32
      %dma_start3A_444 = tpu.memref_slice %arg21[%dma_start3A_442, %dma_start3A_443] : memref<10240x128xf32, #tpu.memory_space<vmem_shared>> -> memref<10240x128xf32, #tpu.memory_space<vmem_shared>>
      tpu.enqueue_indirect_dma source(%dma_start3A_438 : memref<80x128xf32, #tpu.memory_space<vmem>>) target(%dma_start3A_444 : memref<10240x128xf32, #tpu.memory_space<vmem_shared>>) offsets(%dma_start3A_441 : memref<80xi32, #tpu.memory_space<vmem>>) semaphore(%arg17 : memref<!tpu.dma_semaphore, #tpu.memory_space<semaphore_mem>>) {add = true}
      %dma_start3A_445 = arith.constant 0 : i32
      %dma_start3A_446 = arith.constant 0 : i32
      %dma_start3A_447 = arith.constant 1 : i32
      %dma_start3A_448 = arith.constant 0 : i32
      %dma_start3A_449 = tpu.memref_slice %arg7[%dma_start3A_445, %dma_start3A_446, %dma_start3A_447, %dma_start3A_448] : memref<2x8x2x80xi32, #tpu.memory_space<vmem>> -> memref<1x1x1x80xi32, #tpu.memory_space<vmem>>
      %dma_start3A_450 = tpu.memref_squeeze %dma_start3A_449 : memref<1x1x1x80xi32, #tpu.memory_space<vmem>> -> memref<80xi32, #tpu.memory_space<vmem>>
      %dma_start3A_451 = arith.constant 0 : i32
      %dma_start3A_452 = tpu.memref_slice %arg22[%dma_start3A_451] : memref<10240xf32, #tpu.memory_space<vmem_shared>> -> memref<10240xf32, #tpu.memory_space<vmem_shared>>
      tpu.enqueue_indirect_dma source(%arg9 : memref<80xf32, #tpu.memory_space<vmem>>) target(%dma_start3A_452 : memref<10240xf32, #tpu.memory_space<vmem_shared>>) offsets(%dma_start3A_450 : memref<80xi32, #tpu.memory_space<vmem>>) semaphore(%arg17 : memref<!tpu.dma_semaphore, #tpu.memory_space<semaphore_mem>>) {add = true}
      %dma_wait3A_453 = arith.constant 0 : i32
      %dma_wait3A_454 = arith.constant 1 : i32
      %dma_wait3A_455 = arith.constant 0 : i32
      %dma_wait3A_456 = arith.constant 1 : i32
      %dma_wait3A_457 = arith.constant 0 : i32
      %dma_wait3A_458 = arith.constant 0 : i32
      %dma_wait3A_459 = tpu.memref_slice %arg8[%dma_wait3A_456, %dma_wait3A_457, %dma_wait3A_458] : memref<4x80x128xf32, #tpu.memory_space<vmem>> -> memref<1x80x128xf32, #tpu.memory_space<vmem>>
      %dma_wait3A_460 = tpu.memref_squeeze %dma_wait3A_459 : memref<1x80x128xf32, #tpu.memory_space<vmem>> -> memref<80x128xf32, #tpu.memory_space<vmem>>
      %dma_wait3A_461 = arith.constant 0 : i32
      %dma_wait3A_462 = tpu.memref_slice %arg7[%dma_wait3A_453, %dma_wait3A_454, %dma_wait3A_455, %dma_wait3A_461] : memref<2x8x2x80xi32, #tpu.memory_space<vmem>> -> memref<1x1x1x80xi32, #tpu.memory_space<vmem>>
      %dma_wait3A_463 = tpu.memref_squeeze %dma_wait3A_462 : memref<1x1x1x80xi32, #tpu.memory_space<vmem>> -> memref<80xi32, #tpu.memory_space<vmem>>
      %dma_wait3A_464 = arith.constant 0 : i32
      %dma_wait3A_465 = arith.constant 0 : i32
      %dma_wait3A_466 = tpu.memref_slice %arg2[%dma_wait3A_464, %dma_wait3A_465] : memref<10000x128xf32, #tpu.memory_space<hbm>> -> memref<10000x128xf32, #tpu.memory_space<hbm>>
      tpu.wait_indirect_dma semaphore(%arg14 : memref<!tpu.dma_semaphore, #tpu.memory_space<semaphore_mem>>) src(%dma_wait3A_466 : memref<10000x128xf32, #tpu.memory_space<hbm>>) dst(%dma_wait3A_460 : memref<80x128xf32, #tpu.memory_space<vmem>>)
      %add3A_467 = arith.constant 1 : i32
      %add3A_468 = arith.addi %mul3A_400, %add3A_467 : i32
      %lt3A = arith.constant 16 : i32
      %lt3A_469 = arith.cmpi slt, %add3A_468, %lt3A : i32
      %convert_element_type3A_470 = arith.extui %lt3A_469 : i1 to i32
      %cond3A_471 = arith.constant 0 : i32
      %cond3A_472 = arith.cmpi ne, %convert_element_type3A_470, %cond3A_471 : i32
      scf.if %cond3A_472 {
        %add3A_1491 = arith.constant 1 : i32
        %add3A_1492 = arith.addi %mul3A_400, %add3A_1491 : i32
        %dma_start3A_1493 = arith.constant 1 : i32
        %dma_start3A_1494 = arith.constant 0 : i32
        %dma_start3A_1495 = arith.constant 0 : i32
        %dma_start3A_1496 = arith.constant 0 : i32
        %dma_start3A_1497 = tpu.memref_slice %arg7[%dma_start3A_1493, %dma_start3A_1494, %dma_start3A_1495, %dma_start3A_1496] : memref<2x8x2x80xi32, #tpu.memory_space<vmem>> -> memref<1x8x2x80xi32, #tpu.memory_space<vmem>>
        %dma_start3A_1498 = tpu.memref_squeeze %dma_start3A_1497 : memref<1x8x2x80xi32, #tpu.memory_space<vmem>> -> memref<8x2x80xi32, #tpu.memory_space<vmem>>
        %dma_start3A_1499 = arith.constant 0 : i32
        %dma_start3A_1500 = arith.constant 0 : i32
        %dma_start3A_1501 = arith.constant 0 : i32
        %dma_start3A_1502 = tpu.memref_slice %arg3[%add3A, %add3A_1492, %dma_start3A_1499, %dma_start3A_1500, %dma_start3A_1501] : memref<32x16x8x2x80xi32, #tpu.memory_space<hbm>> -> memref<1x1x8x2x80xi32, #tpu.memory_space<hbm>>
        %dma_start3A_1503 = tpu.memref_squeeze %dma_start3A_1502 : memref<1x1x8x2x80xi32, #tpu.memory_space<hbm>> -> memref<8x2x80xi32, #tpu.memory_space<hbm>>
        %dma_start3A_1504 = arith.constant 0 : i32
        %dma_start3A_1505 = arith.constant 0 : i32
        %dma_start3A_1506 = arith.constant 0 : i32
        %dma_start3A_1507 = tpu.memref_slice %arg7[%dma_start3A_1493, %dma_start3A_1504, %dma_start3A_1505, %dma_start3A_1506] : memref<2x8x2x80xi32, #tpu.memory_space<vmem>> -> memref<1x8x2x80xi32, #tpu.memory_space<vmem>>
        %dma_start3A_1508 = tpu.memref_squeeze %dma_start3A_1507 : memref<1x8x2x80xi32, #tpu.memory_space<vmem>> -> memref<8x2x80xi32, #tpu.memory_space<vmem>>
        %dma_start3A_1509 = arith.constant 0 : i32
        %dma_start3A_1510 = arith.constant 0 : i32
        %dma_start3A_1511 = arith.constant 0 : i32
        %dma_start3A_1512 = tpu.memref_slice %arg3[%add3A, %add3A_1492, %dma_start3A_1509, %dma_start3A_1510, %dma_start3A_1511] : memref<32x16x8x2x80xi32, #tpu.memory_space<hbm>> -> memref<1x1x8x2x80xi32, #tpu.memory_space<hbm>>
        %dma_start3A_1513 = tpu.memref_squeeze %dma_start3A_1512 : memref<1x1x8x2x80xi32, #tpu.memory_space<hbm>> -> memref<8x2x80xi32, #tpu.memory_space<hbm>>
        tpu.enqueue_dma source(%dma_start3A_1513 : memref<8x2x80xi32, #tpu.memory_space<hbm>>) target(%dma_start3A_1508 : memref<8x2x80xi32, #tpu.memory_space<vmem>>) target_semaphore(%arg12 : memref<!tpu.dma_semaphore, #tpu.memory_space<semaphore_mem>>)
      } else {
      }
      %dma_wait3A_473 = arith.constant 0 : i32
      %dma_wait3A_474 = arith.constant 0 : i32
      %dma_wait3A_475 = arith.constant 1 : i32
      %dma_wait3A_476 = arith.constant 1 : i32
      %dma_wait3A_477 = arith.constant 0 : i32
      %dma_wait3A_478 = arith.constant 0 : i32
      %dma_wait3A_479 = tpu.memref_slice %arg8[%dma_wait3A_473, %dma_wait3A_477, %dma_wait3A_478] : memref<4x80x128xf32, #tpu.memory_space<vmem>> -> memref<1x80x128xf32, #tpu.memory_space<vmem>>
      %dma_wait3A_480 = tpu.memref_squeeze %dma_wait3A_479 : memref<1x80x128xf32, #tpu.memory_space<vmem>> -> memref<80x128xf32, #tpu.memory_space<vmem>>
      %dma_wait3A_481 = arith.constant 0 : i32
      %dma_wait3A_482 = tpu.memref_slice %arg7[%dma_wait3A_474, %dma_wait3A_475, %dma_wait3A_476, %dma_wait3A_481] : memref<2x8x2x80xi32, #tpu.memory_space<vmem>> -> memref<1x1x1x80xi32, #tpu.memory_space<vmem>>
      %dma_wait3A_483 = tpu.memref_squeeze %dma_wait3A_482 : memref<1x1x1x80xi32, #tpu.memory_space<vmem>> -> memref<80xi32, #tpu.memory_space<vmem>>
      %dma_wait3A_484 = arith.constant 0 : i32
      %dma_wait3A_485 = arith.constant 0 : i32
      %dma_wait3A_486 = tpu.memref_slice %arg21[%dma_wait3A_484, %dma_wait3A_485] : memref<10240x128xf32, #tpu.memory_space<vmem_shared>> -> memref<10240x128xf32, #tpu.memory_space<vmem_shared>>
      tpu.wait_indirect_dma semaphore(%arg17 : memref<!tpu.dma_semaphore, #tpu.memory_space<semaphore_mem>>) src(%dma_wait3A_480 : memref<80x128xf32, #tpu.memory_space<vmem>>) dst(%dma_wait3A_486 : memref<10240x128xf32, #tpu.memory_space<vmem_shared>>)
      %dma_wait3A_487 = arith.constant 0 : i32
      %dma_wait3A_488 = arith.constant 1 : i32
      %dma_wait3A_489 = arith.constant 1 : i32
      %dma_wait3A_490 = arith.constant 0 : i32
      %dma_wait3A_491 = tpu.memref_slice %arg7[%dma_wait3A_487, %dma_wait3A_488, %dma_wait3A_489, %dma_wait3A_490] : memref<2x8x2x80xi32, #tpu.memory_space<vmem>> -> memref<1x1x1x80xi32, #tpu.memory_space<vmem>>
      %dma_wait3A_492 = tpu.memref_squeeze %dma_wait3A_491 : memref<1x1x1x80xi32, #tpu.memory_space<vmem>> -> memref<80xi32, #tpu.memory_space<vmem>>
      %dma_wait3A_493 = arith.constant 0 : i32
      %dma_wait3A_494 = tpu.memref_slice %arg22[%dma_wait3A_493] : memref<10240xf32, #tpu.memory_space<vmem_shared>> -> memref<10240xf32, #tpu.memory_space<vmem_shared>>
      tpu.wait_indirect_dma semaphore(%arg17 : memref<!tpu.dma_semaphore, #tpu.memory_space<semaphore_mem>>) src(%arg9 : memref<80xf32, #tpu.memory_space<vmem>>) dst(%dma_wait3A_494 : memref<10240xf32, #tpu.memory_space<vmem_shared>>)
      %dma_start3A_495 = arith.constant 0 : i32
      %dma_start3A_496 = arith.constant 4 : i32
      %dma_start3A_497 = arith.constant 0 : i32
      %dma_start3A_498 = arith.constant 0 : i32
      %dma_start3A_499 = arith.constant 0 : i32
      %dma_start3A_500 = arith.constant 0 : i32
      %dma_start3A_501 = tpu.memref_slice %arg8[%dma_start3A_498, %dma_start3A_499, %dma_start3A_500] : memref<4x80x128xf32, #tpu.memory_space<vmem>> -> memref<1x80x128xf32, #tpu.memory_space<vmem>>
      %dma_start3A_502 = tpu.memref_squeeze %dma_start3A_501 : memref<1x80x128xf32, #tpu.memory_space<vmem>> -> memref<80x128xf32, #tpu.memory_space<vmem>>
      %dma_start3A_503 = arith.constant 0 : i32
      %dma_start3A_504 = tpu.memref_slice %arg7[%dma_start3A_495, %dma_start3A_496, %dma_start3A_497, %dma_start3A_503] : memref<2x8x2x80xi32, #tpu.memory_space<vmem>> -> memref<1x1x1x80xi32, #tpu.memory_space<vmem>>
      %dma_start3A_505 = tpu.memref_squeeze %dma_start3A_504 : memref<1x1x1x80xi32, #tpu.memory_space<vmem>> -> memref<80xi32, #tpu.memory_space<vmem>>
      %dma_start3A_506 = arith.constant 0 : i32
      %dma_start3A_507 = arith.constant 0 : i32
      %dma_start3A_508 = tpu.memref_slice %arg2[%dma_start3A_506, %dma_start3A_507] : memref<10000x128xf32, #tpu.memory_space<hbm>> -> memref<10000x128xf32, #tpu.memory_space<hbm>>
      tpu.enqueue_indirect_dma source(%dma_start3A_508 : memref<10000x128xf32, #tpu.memory_space<hbm>>) target(%dma_start3A_502 : memref<80x128xf32, #tpu.memory_space<vmem>>) offsets(%dma_start3A_505 : memref<80xi32, #tpu.memory_space<vmem>>) semaphore(%arg13 : memref<!tpu.dma_semaphore, #tpu.memory_space<semaphore_mem>>)
      %dma_start3A_509 = arith.constant 1 : i32
      %dma_start3A_510 = arith.constant 0 : i32
      %dma_start3A_511 = arith.constant 1 : i32
      %dma_start3A_512 = arith.constant 1 : i32
      %dma_start3A_513 = arith.constant 0 : i32
      %dma_start3A_514 = arith.constant 0 : i32
      %dma_start3A_515 = tpu.memref_slice %arg8[%dma_start3A_509, %dma_start3A_513, %dma_start3A_514] : memref<4x80x128xf32, #tpu.memory_space<vmem>> -> memref<1x80x128xf32, #tpu.memory_space<vmem>>
      %dma_start3A_516 = tpu.memref_squeeze %dma_start3A_515 : memref<1x80x128xf32, #tpu.memory_space<vmem>> -> memref<80x128xf32, #tpu.memory_space<vmem>>
      %dma_start3A_517 = arith.constant 0 : i32
      %dma_start3A_518 = tpu.memref_slice %arg7[%dma_start3A_510, %dma_start3A_511, %dma_start3A_512, %dma_start3A_517] : memref<2x8x2x80xi32, #tpu.memory_space<vmem>> -> memref<1x1x1x80xi32, #tpu.memory_space<vmem>>
      %dma_start3A_519 = tpu.memref_squeeze %dma_start3A_518 : memref<1x1x1x80xi32, #tpu.memory_space<vmem>> -> memref<80xi32, #tpu.memory_space<vmem>>
      %dma_start3A_520 = arith.constant 0 : i32
      %dma_start3A_521 = arith.constant 0 : i32
      %dma_start3A_522 = tpu.memref_slice %arg21[%dma_start3A_520, %dma_start3A_521] : memref<10240x128xf32, #tpu.memory_space<vmem_shared>> -> memref<10240x128xf32, #tpu.memory_space<vmem_shared>>
      tpu.enqueue_indirect_dma source(%dma_start3A_516 : memref<80x128xf32, #tpu.memory_space<vmem>>) target(%dma_start3A_522 : memref<10240x128xf32, #tpu.memory_space<vmem_shared>>) offsets(%dma_start3A_519 : memref<80xi32, #tpu.memory_space<vmem>>) semaphore(%arg18 : memref<!tpu.dma_semaphore, #tpu.memory_space<semaphore_mem>>) {add = true}
      %dma_start3A_523 = arith.constant 0 : i32
      %dma_start3A_524 = arith.constant 1 : i32
      %dma_start3A_525 = arith.constant 1 : i32
      %dma_start3A_526 = arith.constant 0 : i32
      %dma_start3A_527 = tpu.memref_slice %arg7[%dma_start3A_523, %dma_start3A_524, %dma_start3A_525, %dma_start3A_526] : memref<2x8x2x80xi32, #tpu.memory_space<vmem>> -> memref<1x1x1x80xi32, #tpu.memory_space<vmem>>
      %dma_start3A_528 = tpu.memref_squeeze %dma_start3A_527 : memref<1x1x1x80xi32, #tpu.memory_space<vmem>> -> memref<80xi32, #tpu.memory_space<vmem>>
      %dma_start3A_529 = arith.constant 0 : i32
      %dma_start3A_530 = tpu.memref_slice %arg22[%dma_start3A_529] : memref<10240xf32, #tpu.memory_space<vmem_shared>> -> memref<10240xf32, #tpu.memory_space<vmem_shared>>
      tpu.enqueue_indirect_dma source(%arg9 : memref<80xf32, #tpu.memory_space<vmem>>) target(%dma_start3A_530 : memref<10240xf32, #tpu.memory_space<vmem_shared>>) offsets(%dma_start3A_528 : memref<80xi32, #tpu.memory_space<vmem>>) semaphore(%arg18 : memref<!tpu.dma_semaphore, #tpu.memory_space<semaphore_mem>>) {add = true}
      %dma_wait3A_531 = arith.constant 0 : i32
      %dma_wait3A_532 = arith.constant 2 : i32
      %dma_wait3A_533 = arith.constant 0 : i32
      %dma_wait3A_534 = arith.constant 2 : i32
      %dma_wait3A_535 = arith.constant 0 : i32
      %dma_wait3A_536 = arith.constant 0 : i32
      %dma_wait3A_537 = tpu.memref_slice %arg8[%dma_wait3A_534, %dma_wait3A_535, %dma_wait3A_536] : memref<4x80x128xf32, #tpu.memory_space<vmem>> -> memref<1x80x128xf32, #tpu.memory_space<vmem>>
      %dma_wait3A_538 = tpu.memref_squeeze %dma_wait3A_537 : memref<1x80x128xf32, #tpu.memory_space<vmem>> -> memref<80x128xf32, #tpu.memory_space<vmem>>
      %dma_wait3A_539 = arith.constant 0 : i32
      %dma_wait3A_540 = tpu.memref_slice %arg7[%dma_wait3A_531, %dma_wait3A_532, %dma_wait3A_533, %dma_wait3A_539] : memref<2x8x2x80xi32, #tpu.memory_space<vmem>> -> memref<1x1x1x80xi32, #tpu.memory_space<vmem>>
      %dma_wait3A_541 = tpu.memref_squeeze %dma_wait3A_540 : memref<1x1x1x80xi32, #tpu.memory_space<vmem>> -> memref<80xi32, #tpu.memory_space<vmem>>
      %dma_wait3A_542 = arith.constant 0 : i32
      %dma_wait3A_543 = arith.constant 0 : i32
      %dma_wait3A_544 = tpu.memref_slice %arg2[%dma_wait3A_542, %dma_wait3A_543] : memref<10000x128xf32, #tpu.memory_space<hbm>> -> memref<10000x128xf32, #tpu.memory_space<hbm>>
      tpu.wait_indirect_dma semaphore(%arg15 : memref<!tpu.dma_semaphore, #tpu.memory_space<semaphore_mem>>) src(%dma_wait3A_544 : memref<10000x128xf32, #tpu.memory_space<hbm>>) dst(%dma_wait3A_538 : memref<80x128xf32, #tpu.memory_space<vmem>>)
      %dma_wait3A_545 = arith.constant 1 : i32
      %dma_wait3A_546 = arith.constant 0 : i32
      %dma_wait3A_547 = arith.constant 2 : i32
      %dma_wait3A_548 = arith.constant 1 : i32
      %dma_wait3A_549 = arith.constant 0 : i32
      %dma_wait3A_550 = arith.constant 0 : i32
      %dma_wait3A_551 = tpu.memref_slice %arg8[%dma_wait3A_545, %dma_wait3A_549, %dma_wait3A_550] : memref<4x80x128xf32, #tpu.memory_space<vmem>> -> memref<1x80x128xf32, #tpu.memory_space<vmem>>
      %dma_wait3A_552 = tpu.memref_squeeze %dma_wait3A_551 : memref<1x80x128xf32, #tpu.memory_space<vmem>> -> memref<80x128xf32, #tpu.memory_space<vmem>>
      %dma_wait3A_553 = arith.constant 0 : i32
      %dma_wait3A_554 = tpu.memref_slice %arg7[%dma_wait3A_546, %dma_wait3A_547, %dma_wait3A_548, %dma_wait3A_553] : memref<2x8x2x80xi32, #tpu.memory_space<vmem>> -> memref<1x1x1x80xi32, #tpu.memory_space<vmem>>
      %dma_wait3A_555 = tpu.memref_squeeze %dma_wait3A_554 : memref<1x1x1x80xi32, #tpu.memory_space<vmem>> -> memref<80xi32, #tpu.memory_space<vmem>>
      %dma_wait3A_556 = arith.constant 0 : i32
      %dma_wait3A_557 = arith.constant 0 : i32
      %dma_wait3A_558 = tpu.memref_slice %arg21[%dma_wait3A_556, %dma_wait3A_557] : memref<10240x128xf32, #tpu.memory_space<vmem_shared>> -> memref<10240x128xf32, #tpu.memory_space<vmem_shared>>
      tpu.wait_indirect_dma semaphore(%arg18 : memref<!tpu.dma_semaphore, #tpu.memory_space<semaphore_mem>>) src(%dma_wait3A_552 : memref<80x128xf32, #tpu.memory_space<vmem>>) dst(%dma_wait3A_558 : memref<10240x128xf32, #tpu.memory_space<vmem_shared>>)
      %dma_wait3A_559 = arith.constant 0 : i32
      %dma_wait3A_560 = arith.constant 2 : i32
      %dma_wait3A_561 = arith.constant 1 : i32
      %dma_wait3A_562 = arith.constant 0 : i32
      %dma_wait3A_563 = tpu.memref_slice %arg7[%dma_wait3A_559, %dma_wait3A_560, %dma_wait3A_561, %dma_wait3A_562] : memref<2x8x2x80xi32, #tpu.memory_space<vmem>> -> memref<1x1x1x80xi32, #tpu.memory_space<vmem>>
      %dma_wait3A_564 = tpu.memref_squeeze %dma_wait3A_563 : memref<1x1x1x80xi32, #tpu.memory_space<vmem>> -> memref<80xi32, #tpu.memory_space<vmem>>
      %dma_wait3A_565 = arith.constant 0 : i32
      %dma_wait3A_566 = tpu.memref_slice %arg22[%dma_wait3A_565] : memref<10240xf32, #tpu.memory_space<vmem_shared>> -> memref<10240xf32, #tpu.memory_space<vmem_shared>>
      tpu.wait_indirect_dma semaphore(%arg18 : memref<!tpu.dma_semaphore, #tpu.memory_space<semaphore_mem>>) src(%arg9 : memref<80xf32, #tpu.memory_space<vmem>>) dst(%dma_wait3A_566 : memref<10240xf32, #tpu.memory_space<vmem_shared>>)
      %dma_start3A_567 = arith.constant 0 : i32
      %dma_start3A_568 = arith.constant 5 : i32
      %dma_start3A_569 = arith.constant 0 : i32
      %dma_start3A_570 = arith.constant 1 : i32
      %dma_start3A_571 = arith.constant 0 : i32
      %dma_start3A_572 = arith.constant 0 : i32
      %dma_start3A_573 = tpu.memref_slice %arg8[%dma_start3A_570, %dma_start3A_571, %dma_start3A_572] : memref<4x80x128xf32, #tpu.memory_space<vmem>> -> memref<1x80x128xf32, #tpu.memory_space<vmem>>
      %dma_start3A_574 = tpu.memref_squeeze %dma_start3A_573 : memref<1x80x128xf32, #tpu.memory_space<vmem>> -> memref<80x128xf32, #tpu.memory_space<vmem>>
      %dma_start3A_575 = arith.constant 0 : i32
      %dma_start3A_576 = tpu.memref_slice %arg7[%dma_start3A_567, %dma_start3A_568, %dma_start3A_569, %dma_start3A_575] : memref<2x8x2x80xi32, #tpu.memory_space<vmem>> -> memref<1x1x1x80xi32, #tpu.memory_space<vmem>>
      %dma_start3A_577 = tpu.memref_squeeze %dma_start3A_576 : memref<1x1x1x80xi32, #tpu.memory_space<vmem>> -> memref<80xi32, #tpu.memory_space<vmem>>
      %dma_start3A_578 = arith.constant 0 : i32
      %dma_start3A_579 = arith.constant 0 : i32
      %dma_start3A_580 = tpu.memref_slice %arg2[%dma_start3A_578, %dma_start3A_579] : memref<10000x128xf32, #tpu.memory_space<hbm>> -> memref<10000x128xf32, #tpu.memory_space<hbm>>
      tpu.enqueue_indirect_dma source(%dma_start3A_580 : memref<10000x128xf32, #tpu.memory_space<hbm>>) target(%dma_start3A_574 : memref<80x128xf32, #tpu.memory_space<vmem>>) offsets(%dma_start3A_577 : memref<80xi32, #tpu.memory_space<vmem>>) semaphore(%arg14 : memref<!tpu.dma_semaphore, #tpu.memory_space<semaphore_mem>>)
      %dma_start3A_581 = arith.constant 2 : i32
      %dma_start3A_582 = arith.constant 0 : i32
      %dma_start3A_583 = arith.constant 2 : i32
      %dma_start3A_584 = arith.constant 1 : i32
      %dma_start3A_585 = arith.constant 0 : i32
      %dma_start3A_586 = arith.constant 0 : i32
      %dma_start3A_587 = tpu.memref_slice %arg8[%dma_start3A_581, %dma_start3A_585, %dma_start3A_586] : memref<4x80x128xf32, #tpu.memory_space<vmem>> -> memref<1x80x128xf32, #tpu.memory_space<vmem>>
      %dma_start3A_588 = tpu.memref_squeeze %dma_start3A_587 : memref<1x80x128xf32, #tpu.memory_space<vmem>> -> memref<80x128xf32, #tpu.memory_space<vmem>>
      %dma_start3A_589 = arith.constant 0 : i32
      %dma_start3A_590 = tpu.memref_slice %arg7[%dma_start3A_582, %dma_start3A_583, %dma_start3A_584, %dma_start3A_589] : memref<2x8x2x80xi32, #tpu.memory_space<vmem>> -> memref<1x1x1x80xi32, #tpu.memory_space<vmem>>
      %dma_start3A_591 = tpu.memref_squeeze %dma_start3A_590 : memref<1x1x1x80xi32, #tpu.memory_space<vmem>> -> memref<80xi32, #tpu.memory_space<vmem>>
      %dma_start3A_592 = arith.constant 0 : i32
      %dma_start3A_593 = arith.constant 0 : i32
      %dma_start3A_594 = tpu.memref_slice %arg21[%dma_start3A_592, %dma_start3A_593] : memref<10240x128xf32, #tpu.memory_space<vmem_shared>> -> memref<10240x128xf32, #tpu.memory_space<vmem_shared>>
      tpu.enqueue_indirect_dma source(%dma_start3A_588 : memref<80x128xf32, #tpu.memory_space<vmem>>) target(%dma_start3A_594 : memref<10240x128xf32, #tpu.memory_space<vmem_shared>>) offsets(%dma_start3A_591 : memref<80xi32, #tpu.memory_space<vmem>>) semaphore(%arg19 : memref<!tpu.dma_semaphore, #tpu.memory_space<semaphore_mem>>) {add = true}
      %dma_start3A_595 = arith.constant 0 : i32
      %dma_start3A_596 = arith.constant 2 : i32
      %dma_start3A_597 = arith.constant 1 : i32
      %dma_start3A_598 = arith.constant 0 : i32
      %dma_start3A_599 = tpu.memref_slice %arg7[%dma_start3A_595, %dma_start3A_596, %dma_start3A_597, %dma_start3A_598] : memref<2x8x2x80xi32, #tpu.memory_space<vmem>> -> memref<1x1x1x80xi32, #tpu.memory_space<vmem>>
      %dma_start3A_600 = tpu.memref_squeeze %dma_start3A_599 : memref<1x1x1x80xi32, #tpu.memory_space<vmem>> -> memref<80xi32, #tpu.memory_space<vmem>>
      %dma_start3A_601 = arith.constant 0 : i32
      %dma_start3A_602 = tpu.memref_slice %arg22[%dma_start3A_601] : memref<10240xf32, #tpu.memory_space<vmem_shared>> -> memref<10240xf32, #tpu.memory_space<vmem_shared>>
      tpu.enqueue_indirect_dma source(%arg9 : memref<80xf32, #tpu.memory_space<vmem>>) target(%dma_start3A_602 : memref<10240xf32, #tpu.memory_space<vmem_shared>>) offsets(%dma_start3A_600 : memref<80xi32, #tpu.memory_space<vmem>>) semaphore(%arg19 : memref<!tpu.dma_semaphore, #tpu.memory_space<semaphore_mem>>) {add = true}
      %dma_wait3A_603 = arith.constant 0 : i32
      %dma_wait3A_604 = arith.constant 3 : i32
      %dma_wait3A_605 = arith.constant 0 : i32
      %dma_wait3A_606 = arith.constant 3 : i32
      %dma_wait3A_607 = arith.constant 0 : i32
      %dma_wait3A_608 = arith.constant 0 : i32
      %dma_wait3A_609 = tpu.memref_slice %arg8[%dma_wait3A_606, %dma_wait3A_607, %dma_wait3A_608] : memref<4x80x128xf32, #tpu.memory_space<vmem>> -> memref<1x80x128xf32, #tpu.memory_space<vmem>>
      %dma_wait3A_610 = tpu.memref_squeeze %dma_wait3A_609 : memref<1x80x128xf32, #tpu.memory_space<vmem>> -> memref<80x128xf32, #tpu.memory_space<vmem>>
      %dma_wait3A_611 = arith.constant 0 : i32
      %dma_wait3A_612 = tpu.memref_slice %arg7[%dma_wait3A_603, %dma_wait3A_604, %dma_wait3A_605, %dma_wait3A_611] : memref<2x8x2x80xi32, #tpu.memory_space<vmem>> -> memref<1x1x1x80xi32, #tpu.memory_space<vmem>>
      %dma_wait3A_613 = tpu.memref_squeeze %dma_wait3A_612 : memref<1x1x1x80xi32, #tpu.memory_space<vmem>> -> memref<80xi32, #tpu.memory_space<vmem>>
      %dma_wait3A_614 = arith.constant 0 : i32
      %dma_wait3A_615 = arith.constant 0 : i32
      %dma_wait3A_616 = tpu.memref_slice %arg2[%dma_wait3A_614, %dma_wait3A_615] : memref<10000x128xf32, #tpu.memory_space<hbm>> -> memref<10000x128xf32, #tpu.memory_space<hbm>>
      tpu.wait_indirect_dma semaphore(%arg16 : memref<!tpu.dma_semaphore, #tpu.memory_space<semaphore_mem>>) src(%dma_wait3A_616 : memref<10000x128xf32, #tpu.memory_space<hbm>>) dst(%dma_wait3A_610 : memref<80x128xf32, #tpu.memory_space<vmem>>)
      %dma_wait3A_617 = arith.constant 2 : i32
      %dma_wait3A_618 = arith.constant 0 : i32
      %dma_wait3A_619 = arith.constant 3 : i32
      %dma_wait3A_620 = arith.constant 1 : i32
      %dma_wait3A_621 = arith.constant 0 : i32
      %dma_wait3A_622 = arith.constant 0 : i32
      %dma_wait3A_623 = tpu.memref_slice %arg8[%dma_wait3A_617, %dma_wait3A_621, %dma_wait3A_622] : memref<4x80x128xf32, #tpu.memory_space<vmem>> -> memref<1x80x128xf32, #tpu.memory_space<vmem>>
      %dma_wait3A_624 = tpu.memref_squeeze %dma_wait3A_623 : memref<1x80x128xf32, #tpu.memory_space<vmem>> -> memref<80x128xf32, #tpu.memory_space<vmem>>
      %dma_wait3A_625 = arith.constant 0 : i32
      %dma_wait3A_626 = tpu.memref_slice %arg7[%dma_wait3A_618, %dma_wait3A_619, %dma_wait3A_620, %dma_wait3A_625] : memref<2x8x2x80xi32, #tpu.memory_space<vmem>> -> memref<1x1x1x80xi32, #tpu.memory_space<vmem>>
      %dma_wait3A_627 = tpu.memref_squeeze %dma_wait3A_626 : memref<1x1x1x80xi32, #tpu.memory_space<vmem>> -> memref<80xi32, #tpu.memory_space<vmem>>
      %dma_wait3A_628 = arith.constant 0 : i32
      %dma_wait3A_629 = arith.constant 0 : i32
      %dma_wait3A_630 = tpu.memref_slice %arg21[%dma_wait3A_628, %dma_wait3A_629] : memref<10240x128xf32, #tpu.memory_space<vmem_shared>> -> memref<10240x128xf32, #tpu.memory_space<vmem_shared>>
      tpu.wait_indirect_dma semaphore(%arg19 : memref<!tpu.dma_semaphore, #tpu.memory_space<semaphore_mem>>) src(%dma_wait3A_624 : memref<80x128xf32, #tpu.memory_space<vmem>>) dst(%dma_wait3A_630 : memref<10240x128xf32, #tpu.memory_space<vmem_shared>>)
      %dma_wait3A_631 = arith.constant 0 : i32
      %dma_wait3A_632 = arith.constant 3 : i32
      %dma_wait3A_633 = arith.constant 1 : i32
      %dma_wait3A_634 = arith.constant 0 : i32
      %dma_wait3A_635 = tpu.memref_slice %arg7[%dma_wait3A_631, %dma_wait3A_632, %dma_wait3A_633, %dma_wait3A_634] : memref<2x8x2x80xi32, #tpu.memory_space<vmem>> -> memref<1x1x1x80xi32, #tpu.memory_space<vmem>>
      %dma_wait3A_636 = tpu.memref_squeeze %dma_wait3A_635 : memref<1x1x1x80xi32, #tpu.memory_space<vmem>> -> memref<80xi32, #tpu.memory_space<vmem>>
      %dma_wait3A_637 = arith.constant 0 : i32
      %dma_wait3A_638 = tpu.memref_slice %arg22[%dma_wait3A_637] : memref<10240xf32, #tpu.memory_space<vmem_shared>> -> memref<10240xf32, #tpu.memory_space<vmem_shared>>
      tpu.wait_indirect_dma semaphore(%arg19 : memref<!tpu.dma_semaphore, #tpu.memory_space<semaphore_mem>>) src(%arg9 : memref<80xf32, #tpu.memory_space<vmem>>) dst(%dma_wait3A_638 : memref<10240xf32, #tpu.memory_space<vmem_shared>>)
      %dma_start3A_639 = arith.constant 0 : i32
      %dma_start3A_640 = arith.constant 6 : i32
      %dma_start3A_641 = arith.constant 0 : i32
      %dma_start3A_642 = arith.constant 2 : i32
      %dma_start3A_643 = arith.constant 0 : i32
      %dma_start3A_644 = arith.constant 0 : i32
      %dma_start3A_645 = tpu.memref_slice %arg8[%dma_start3A_642, %dma_start3A_643, %dma_start3A_644] : memref<4x80x128xf32, #tpu.memory_space<vmem>> -> memref<1x80x128xf32, #tpu.memory_space<vmem>>
      %dma_start3A_646 = tpu.memref_squeeze %dma_start3A_645 : memref<1x80x128xf32, #tpu.memory_space<vmem>> -> memref<80x128xf32, #tpu.memory_space<vmem>>
      %dma_start3A_647 = arith.constant 0 : i32
      %dma_start3A_648 = tpu.memref_slice %arg7[%dma_start3A_639, %dma_start3A_640, %dma_start3A_641, %dma_start3A_647] : memref<2x8x2x80xi32, #tpu.memory_space<vmem>> -> memref<1x1x1x80xi32, #tpu.memory_space<vmem>>
      %dma_start3A_649 = tpu.memref_squeeze %dma_start3A_648 : memref<1x1x1x80xi32, #tpu.memory_space<vmem>> -> memref<80xi32, #tpu.memory_space<vmem>>
      %dma_start3A_650 = arith.constant 0 : i32
      %dma_start3A_651 = arith.constant 0 : i32
      %dma_start3A_652 = tpu.memref_slice %arg2[%dma_start3A_650, %dma_start3A_651] : memref<10000x128xf32, #tpu.memory_space<hbm>> -> memref<10000x128xf32, #tpu.memory_space<hbm>>
      tpu.enqueue_indirect_dma source(%dma_start3A_652 : memref<10000x128xf32, #tpu.memory_space<hbm>>) target(%dma_start3A_646 : memref<80x128xf32, #tpu.memory_space<vmem>>) offsets(%dma_start3A_649 : memref<80xi32, #tpu.memory_space<vmem>>) semaphore(%arg15 : memref<!tpu.dma_semaphore, #tpu.memory_space<semaphore_mem>>)
      %dma_start3A_653 = arith.constant 3 : i32
      %dma_start3A_654 = arith.constant 0 : i32
      %dma_start3A_655 = arith.constant 3 : i32
      %dma_start3A_656 = arith.constant 1 : i32
      %dma_start3A_657 = arith.constant 0 : i32
      %dma_start3A_658 = arith.constant 0 : i32
      %dma_start3A_659 = tpu.memref_slice %arg8[%dma_start3A_653, %dma_start3A_657, %dma_start3A_658] : memref<4x80x128xf32, #tpu.memory_space<vmem>> -> memref<1x80x128xf32, #tpu.memory_space<vmem>>
      %dma_start3A_660 = tpu.memref_squeeze %dma_start3A_659 : memref<1x80x128xf32, #tpu.memory_space<vmem>> -> memref<80x128xf32, #tpu.memory_space<vmem>>
      %dma_start3A_661 = arith.constant 0 : i32
      %dma_start3A_662 = tpu.memref_slice %arg7[%dma_start3A_654, %dma_start3A_655, %dma_start3A_656, %dma_start3A_661] : memref<2x8x2x80xi32, #tpu.memory_space<vmem>> -> memref<1x1x1x80xi32, #tpu.memory_space<vmem>>
      %dma_start3A_663 = tpu.memref_squeeze %dma_start3A_662 : memref<1x1x1x80xi32, #tpu.memory_space<vmem>> -> memref<80xi32, #tpu.memory_space<vmem>>
      %dma_start3A_664 = arith.constant 0 : i32
      %dma_start3A_665 = arith.constant 0 : i32
      %dma_start3A_666 = tpu.memref_slice %arg21[%dma_start3A_664, %dma_start3A_665] : memref<10240x128xf32, #tpu.memory_space<vmem_shared>> -> memref<10240x128xf32, #tpu.memory_space<vmem_shared>>
      tpu.enqueue_indirect_dma source(%dma_start3A_660 : memref<80x128xf32, #tpu.memory_space<vmem>>) target(%dma_start3A_666 : memref<10240x128xf32, #tpu.memory_space<vmem_shared>>) offsets(%dma_start3A_663 : memref<80xi32, #tpu.memory_space<vmem>>) semaphore(%arg20 : memref<!tpu.dma_semaphore, #tpu.memory_space<semaphore_mem>>) {add = true}
      %dma_start3A_667 = arith.constant 0 : i32
      %dma_start3A_668 = arith.constant 3 : i32
      %dma_start3A_669 = arith.constant 1 : i32
      %dma_start3A_670 = arith.constant 0 : i32
      %dma_start3A_671 = tpu.memref_slice %arg7[%dma_start3A_667, %dma_start3A_668, %dma_start3A_669, %dma_start3A_670] : memref<2x8x2x80xi32, #tpu.memory_space<vmem>> -> memref<1x1x1x80xi32, #tpu.memory_space<vmem>>
      %dma_start3A_672 = tpu.memref_squeeze %dma_start3A_671 : memref<1x1x1x80xi32, #tpu.memory_space<vmem>> -> memref<80xi32, #tpu.memory_space<vmem>>
      %dma_start3A_673 = arith.constant 0 : i32
      %dma_start3A_674 = tpu.memref_slice %arg22[%dma_start3A_673] : memref<10240xf32, #tpu.memory_space<vmem_shared>> -> memref<10240xf32, #tpu.memory_space<vmem_shared>>
      tpu.enqueue_indirect_dma source(%arg9 : memref<80xf32, #tpu.memory_space<vmem>>) target(%dma_start3A_674 : memref<10240xf32, #tpu.memory_space<vmem_shared>>) offsets(%dma_start3A_672 : memref<80xi32, #tpu.memory_space<vmem>>) semaphore(%arg20 : memref<!tpu.dma_semaphore, #tpu.memory_space<semaphore_mem>>) {add = true}
      %dma_wait3A_675 = arith.constant 0 : i32
      %dma_wait3A_676 = arith.constant 4 : i32
      %dma_wait3A_677 = arith.constant 0 : i32
      %dma_wait3A_678 = arith.constant 0 : i32
      %dma_wait3A_679 = arith.constant 0 : i32
      %dma_wait3A_680 = arith.constant 0 : i32
      %dma_wait3A_681 = tpu.memref_slice %arg8[%dma_wait3A_678, %dma_wait3A_679, %dma_wait3A_680] : memref<4x80x128xf32, #tpu.memory_space<vmem>> -> memref<1x80x128xf32, #tpu.memory_space<vmem>>
      %dma_wait3A_682 = tpu.memref_squeeze %dma_wait3A_681 : memref<1x80x128xf32, #tpu.memory_space<vmem>> -> memref<80x128xf32, #tpu.memory_space<vmem>>
      %dma_wait3A_683 = arith.constant 0 : i32
      %dma_wait3A_684 = tpu.memref_slice %arg7[%dma_wait3A_675, %dma_wait3A_676, %dma_wait3A_677, %dma_wait3A_683] : memref<2x8x2x80xi32, #tpu.memory_space<vmem>> -> memref<1x1x1x80xi32, #tpu.memory_space<vmem>>
      %dma_wait3A_685 = tpu.memref_squeeze %dma_wait3A_684 : memref<1x1x1x80xi32, #tpu.memory_space<vmem>> -> memref<80xi32, #tpu.memory_space<vmem>>
      %dma_wait3A_686 = arith.constant 0 : i32
      %dma_wait3A_687 = arith.constant 0 : i32
      %dma_wait3A_688 = tpu.memref_slice %arg2[%dma_wait3A_686, %dma_wait3A_687] : memref<10000x128xf32, #tpu.memory_space<hbm>> -> memref<10000x128xf32, #tpu.memory_space<hbm>>
      tpu.wait_indirect_dma semaphore(%arg13 : memref<!tpu.dma_semaphore, #tpu.memory_space<semaphore_mem>>) src(%dma_wait3A_688 : memref<10000x128xf32, #tpu.memory_space<hbm>>) dst(%dma_wait3A_682 : memref<80x128xf32, #tpu.memory_space<vmem>>)
      %dma_wait3A_689 = arith.constant 3 : i32
      %dma_wait3A_690 = arith.constant 0 : i32
      %dma_wait3A_691 = arith.constant 4 : i32
      %dma_wait3A_692 = arith.constant 1 : i32
      %dma_wait3A_693 = arith.constant 0 : i32
      %dma_wait3A_694 = arith.constant 0 : i32
      %dma_wait3A_695 = tpu.memref_slice %arg8[%dma_wait3A_689, %dma_wait3A_693, %dma_wait3A_694] : memref<4x80x128xf32, #tpu.memory_space<vmem>> -> memref<1x80x128xf32, #tpu.memory_space<vmem>>
      %dma_wait3A_696 = tpu.memref_squeeze %dma_wait3A_695 : memref<1x80x128xf32, #tpu.memory_space<vmem>> -> memref<80x128xf32, #tpu.memory_space<vmem>>
      %dma_wait3A_697 = arith.constant 0 : i32
      %dma_wait3A_698 = tpu.memref_slice %arg7[%dma_wait3A_690, %dma_wait3A_691, %dma_wait3A_692, %dma_wait3A_697] : memref<2x8x2x80xi32, #tpu.memory_space<vmem>> -> memref<1x1x1x80xi32, #tpu.memory_space<vmem>>
      %dma_wait3A_699 = tpu.memref_squeeze %dma_wait3A_698 : memref<1x1x1x80xi32, #tpu.memory_space<vmem>> -> memref<80xi32, #tpu.memory_space<vmem>>
      %dma_wait3A_700 = arith.constant 0 : i32
      %dma_wait3A_701 = arith.constant 0 : i32
      %dma_wait3A_702 = tpu.memref_slice %arg21[%dma_wait3A_700, %dma_wait3A_701] : memref<10240x128xf32, #tpu.memory_space<vmem_shared>> -> memref<10240x128xf32, #tpu.memory_space<vmem_shared>>
      tpu.wait_indirect_dma semaphore(%arg20 : memref<!tpu.dma_semaphore, #tpu.memory_space<semaphore_mem>>) src(%dma_wait3A_696 : memref<80x128xf32, #tpu.memory_space<vmem>>) dst(%dma_wait3A_702 : memref<10240x128xf32, #tpu.memory_space<vmem_shared>>)
      %dma_wait3A_703 = arith.constant 0 : i32
      %dma_wait3A_704 = arith.constant 4 : i32
      %dma_wait3A_705 = arith.constant 1 : i32
      %dma_wait3A_706 = arith.constant 0 : i32
      %dma_wait3A_707 = tpu.memref_slice %arg7[%dma_wait3A_703, %dma_wait3A_704, %dma_wait3A_705, %dma_wait3A_706] : memref<2x8x2x80xi32, #tpu.memory_space<vmem>> -> memref<1x1x1x80xi32, #tpu.memory_space<vmem>>
      %dma_wait3A_708 = tpu.memref_squeeze %dma_wait3A_707 : memref<1x1x1x80xi32, #tpu.memory_space<vmem>> -> memref<80xi32, #tpu.memory_space<vmem>>
      %dma_wait3A_709 = arith.constant 0 : i32
      %dma_wait3A_710 = tpu.memref_slice %arg22[%dma_wait3A_709] : memref<10240xf32, #tpu.memory_space<vmem_shared>> -> memref<10240xf32, #tpu.memory_space<vmem_shared>>
      tpu.wait_indirect_dma semaphore(%arg20 : memref<!tpu.dma_semaphore, #tpu.memory_space<semaphore_mem>>) src(%arg9 : memref<80xf32, #tpu.memory_space<vmem>>) dst(%dma_wait3A_710 : memref<10240xf32, #tpu.memory_space<vmem_shared>>)
      %dma_start3A_711 = arith.constant 0 : i32
      %dma_start3A_712 = arith.constant 7 : i32
      %dma_start3A_713 = arith.constant 0 : i32
      %dma_start3A_714 = arith.constant 3 : i32
      %dma_start3A_715 = arith.constant 0 : i32
      %dma_start3A_716 = arith.constant 0 : i32
      %dma_start3A_717 = tpu.memref_slice %arg8[%dma_start3A_714, %dma_start3A_715, %dma_start3A_716] : memref<4x80x128xf32, #tpu.memory_space<vmem>> -> memref<1x80x128xf32, #tpu.memory_space<vmem>>
      %dma_start3A_718 = tpu.memref_squeeze %dma_start3A_717 : memref<1x80x128xf32, #tpu.memory_space<vmem>> -> memref<80x128xf32, #tpu.memory_space<vmem>>
      %dma_start3A_719 = arith.constant 0 : i32
      %dma_start3A_720 = tpu.memref_slice %arg7[%dma_start3A_711, %dma_start3A_712, %dma_start3A_713, %dma_start3A_719] : memref<2x8x2x80xi32, #tpu.memory_space<vmem>> -> memref<1x1x1x80xi32, #tpu.memory_space<vmem>>
      %dma_start3A_721 = tpu.memref_squeeze %dma_start3A_720 : memref<1x1x1x80xi32, #tpu.memory_space<vmem>> -> memref<80xi32, #tpu.memory_space<vmem>>
      %dma_start3A_722 = arith.constant 0 : i32
      %dma_start3A_723 = arith.constant 0 : i32
      %dma_start3A_724 = tpu.memref_slice %arg2[%dma_start3A_722, %dma_start3A_723] : memref<10000x128xf32, #tpu.memory_space<hbm>> -> memref<10000x128xf32, #tpu.memory_space<hbm>>
      tpu.enqueue_indirect_dma source(%dma_start3A_724 : memref<10000x128xf32, #tpu.memory_space<hbm>>) target(%dma_start3A_718 : memref<80x128xf32, #tpu.memory_space<vmem>>) offsets(%dma_start3A_721 : memref<80xi32, #tpu.memory_space<vmem>>) semaphore(%arg16 : memref<!tpu.dma_semaphore, #tpu.memory_space<semaphore_mem>>)
      %dma_start3A_725 = arith.constant 0 : i32
      %dma_start3A_726 = arith.constant 0 : i32
      %dma_start3A_727 = arith.constant 4 : i32
      %dma_start3A_728 = arith.constant 1 : i32
      %dma_start3A_729 = arith.constant 0 : i32
      %dma_start3A_730 = arith.constant 0 : i32
      %dma_start3A_731 = tpu.memref_slice %arg8[%dma_start3A_725, %dma_start3A_729, %dma_start3A_730] : memref<4x80x128xf32, #tpu.memory_space<vmem>> -> memref<1x80x128xf32, #tpu.memory_space<vmem>>
      %dma_start3A_732 = tpu.memref_squeeze %dma_start3A_731 : memref<1x80x128xf32, #tpu.memory_space<vmem>> -> memref<80x128xf32, #tpu.memory_space<vmem>>
      %dma_start3A_733 = arith.constant 0 : i32
      %dma_start3A_734 = tpu.memref_slice %arg7[%dma_start3A_726, %dma_start3A_727, %dma_start3A_728, %dma_start3A_733] : memref<2x8x2x80xi32, #tpu.memory_space<vmem>> -> memref<1x1x1x80xi32, #tpu.memory_space<vmem>>
      %dma_start3A_735 = tpu.memref_squeeze %dma_start3A_734 : memref<1x1x1x80xi32, #tpu.memory_space<vmem>> -> memref<80xi32, #tpu.memory_space<vmem>>
      %dma_start3A_736 = arith.constant 0 : i32
      %dma_start3A_737 = arith.constant 0 : i32
      %dma_start3A_738 = tpu.memref_slice %arg21[%dma_start3A_736, %dma_start3A_737] : memref<10240x128xf32, #tpu.memory_space<vmem_shared>> -> memref<10240x128xf32, #tpu.memory_space<vmem_shared>>
      tpu.enqueue_indirect_dma source(%dma_start3A_732 : memref<80x128xf32, #tpu.memory_space<vmem>>) target(%dma_start3A_738 : memref<10240x128xf32, #tpu.memory_space<vmem_shared>>) offsets(%dma_start3A_735 : memref<80xi32, #tpu.memory_space<vmem>>) semaphore(%arg17 : memref<!tpu.dma_semaphore, #tpu.memory_space<semaphore_mem>>) {add = true}
      %dma_start3A_739 = arith.constant 0 : i32
      %dma_start3A_740 = arith.constant 4 : i32
      %dma_start3A_741 = arith.constant 1 : i32
      %dma_start3A_742 = arith.constant 0 : i32
      %dma_start3A_743 = tpu.memref_slice %arg7[%dma_start3A_739, %dma_start3A_740, %dma_start3A_741, %dma_start3A_742] : memref<2x8x2x80xi32, #tpu.memory_space<vmem>> -> memref<1x1x1x80xi32, #tpu.memory_space<vmem>>
      %dma_start3A_744 = tpu.memref_squeeze %dma_start3A_743 : memref<1x1x1x80xi32, #tpu.memory_space<vmem>> -> memref<80xi32, #tpu.memory_space<vmem>>
      %dma_start3A_745 = arith.constant 0 : i32
      %dma_start3A_746 = tpu.memref_slice %arg22[%dma_start3A_745] : memref<10240xf32, #tpu.memory_space<vmem_shared>> -> memref<10240xf32, #tpu.memory_space<vmem_shared>>
      tpu.enqueue_indirect_dma source(%arg9 : memref<80xf32, #tpu.memory_space<vmem>>) target(%dma_start3A_746 : memref<10240xf32, #tpu.memory_space<vmem_shared>>) offsets(%dma_start3A_744 : memref<80xi32, #tpu.memory_space<vmem>>) semaphore(%arg17 : memref<!tpu.dma_semaphore, #tpu.memory_space<semaphore_mem>>) {add = true}
      %dma_wait3A_747 = arith.constant 0 : i32
      %dma_wait3A_748 = arith.constant 5 : i32
      %dma_wait3A_749 = arith.constant 0 : i32
      %dma_wait3A_750 = arith.constant 1 : i32
      %dma_wait3A_751 = arith.constant 0 : i32
      %dma_wait3A_752 = arith.constant 0 : i32
      %dma_wait3A_753 = tpu.memref_slice %arg8[%dma_wait3A_750, %dma_wait3A_751, %dma_wait3A_752] : memref<4x80x128xf32, #tpu.memory_space<vmem>> -> memref<1x80x128xf32, #tpu.memory_space<vmem>>
      %dma_wait3A_754 = tpu.memref_squeeze %dma_wait3A_753 : memref<1x80x128xf32, #tpu.memory_space<vmem>> -> memref<80x128xf32, #tpu.memory_space<vmem>>
      %dma_wait3A_755 = arith.constant 0 : i32
      %dma_wait3A_756 = tpu.memref_slice %arg7[%dma_wait3A_747, %dma_wait3A_748, %dma_wait3A_749, %dma_wait3A_755] : memref<2x8x2x80xi32, #tpu.memory_space<vmem>> -> memref<1x1x1x80xi32, #tpu.memory_space<vmem>>
      %dma_wait3A_757 = tpu.memref_squeeze %dma_wait3A_756 : memref<1x1x1x80xi32, #tpu.memory_space<vmem>> -> memref<80xi32, #tpu.memory_space<vmem>>
      %dma_wait3A_758 = arith.constant 0 : i32
      %dma_wait3A_759 = arith.constant 0 : i32
      %dma_wait3A_760 = tpu.memref_slice %arg2[%dma_wait3A_758, %dma_wait3A_759] : memref<10000x128xf32, #tpu.memory_space<hbm>> -> memref<10000x128xf32, #tpu.memory_space<hbm>>
      tpu.wait_indirect_dma semaphore(%arg14 : memref<!tpu.dma_semaphore, #tpu.memory_space<semaphore_mem>>) src(%dma_wait3A_760 : memref<10000x128xf32, #tpu.memory_space<hbm>>) dst(%dma_wait3A_754 : memref<80x128xf32, #tpu.memory_space<vmem>>)
      %dma_wait3A_761 = arith.constant 0 : i32
      %dma_wait3A_762 = arith.constant 0 : i32
      %dma_wait3A_763 = arith.constant 5 : i32
      %dma_wait3A_764 = arith.constant 1 : i32
      %dma_wait3A_765 = arith.constant 0 : i32
      %dma_wait3A_766 = arith.constant 0 : i32
      %dma_wait3A_767 = tpu.memref_slice %arg8[%dma_wait3A_761, %dma_wait3A_765, %dma_wait3A_766] : memref<4x80x128xf32, #tpu.memory_space<vmem>> -> memref<1x80x128xf32, #tpu.memory_space<vmem>>
      %dma_wait3A_768 = tpu.memref_squeeze %dma_wait3A_767 : memref<1x80x128xf32, #tpu.memory_space<vmem>> -> memref<80x128xf32, #tpu.memory_space<vmem>>
      %dma_wait3A_769 = arith.constant 0 : i32
      %dma_wait3A_770 = tpu.memref_slice %arg7[%dma_wait3A_762, %dma_wait3A_763, %dma_wait3A_764, %dma_wait3A_769] : memref<2x8x2x80xi32, #tpu.memory_space<vmem>> -> memref<1x1x1x80xi32, #tpu.memory_space<vmem>>
      %dma_wait3A_771 = tpu.memref_squeeze %dma_wait3A_770 : memref<1x1x1x80xi32, #tpu.memory_space<vmem>> -> memref<80xi32, #tpu.memory_space<vmem>>
      %dma_wait3A_772 = arith.constant 0 : i32
      %dma_wait3A_773 = arith.constant 0 : i32
      %dma_wait3A_774 = tpu.memref_slice %arg21[%dma_wait3A_772, %dma_wait3A_773] : memref<10240x128xf32, #tpu.memory_space<vmem_shared>> -> memref<10240x128xf32, #tpu.memory_space<vmem_shared>>
      tpu.wait_indirect_dma semaphore(%arg17 : memref<!tpu.dma_semaphore, #tpu.memory_space<semaphore_mem>>) src(%dma_wait3A_768 : memref<80x128xf32, #tpu.memory_space<vmem>>) dst(%dma_wait3A_774 : memref<10240x128xf32, #tpu.memory_space<vmem_shared>>)
      %dma_wait3A_775 = arith.constant 0 : i32
      %dma_wait3A_776 = arith.constant 5 : i32
      %dma_wait3A_777 = arith.constant 1 : i32
      %dma_wait3A_778 = arith.constant 0 : i32
      %dma_wait3A_779 = tpu.memref_slice %arg7[%dma_wait3A_775, %dma_wait3A_776, %dma_wait3A_777, %dma_wait3A_778] : memref<2x8x2x80xi32, #tpu.memory_space<vmem>> -> memref<1x1x1x80xi32, #tpu.memory_space<vmem>>
      %dma_wait3A_780 = tpu.memref_squeeze %dma_wait3A_779 : memref<1x1x1x80xi32, #tpu.memory_space<vmem>> -> memref<80xi32, #tpu.memory_space<vmem>>
      %dma_wait3A_781 = arith.constant 0 : i32
      %dma_wait3A_782 = tpu.memref_slice %arg22[%dma_wait3A_781] : memref<10240xf32, #tpu.memory_space<vmem_shared>> -> memref<10240xf32, #tpu.memory_space<vmem_shared>>
      tpu.wait_indirect_dma semaphore(%arg17 : memref<!tpu.dma_semaphore, #tpu.memory_space<semaphore_mem>>) src(%arg9 : memref<80xf32, #tpu.memory_space<vmem>>) dst(%dma_wait3A_782 : memref<10240xf32, #tpu.memory_space<vmem_shared>>)
      %add3A_783 = arith.constant 1 : i32
      %add3A_784 = arith.addi %mul3A_400, %add3A_783 : i32
      %lt3A_785 = arith.constant 16 : i32
      %lt3A_786 = arith.cmpi slt, %add3A_784, %lt3A_785 : i32
      %convert_element_type3A_787 = arith.extui %lt3A_786 : i1 to i32
      %cond3A_788 = arith.constant 0 : i32
      %cond3A_789 = arith.cmpi ne, %convert_element_type3A_787, %cond3A_788 : i32
      scf.if %cond3A_789 {
        %add3A_1491 = arith.constant 1 : i32
        %add3A_1492 = arith.addi %mul3A_400, %add3A_1491 : i32
        %dma_wait3A_1493 = arith.constant 1 : i32
        %dma_wait3A_1494 = arith.constant 0 : i32
        %dma_wait3A_1495 = arith.constant 0 : i32
        %dma_wait3A_1496 = arith.constant 0 : i32
        %dma_wait3A_1497 = tpu.memref_slice %arg7[%dma_wait3A_1493, %dma_wait3A_1494, %dma_wait3A_1495, %dma_wait3A_1496] : memref<2x8x2x80xi32, #tpu.memory_space<vmem>> -> memref<1x8x2x80xi32, #tpu.memory_space<vmem>>
        %dma_wait3A_1498 = tpu.memref_squeeze %dma_wait3A_1497 : memref<1x8x2x80xi32, #tpu.memory_space<vmem>> -> memref<8x2x80xi32, #tpu.memory_space<vmem>>
        %dma_wait3A_1499 = arith.constant 0 : i32
        %dma_wait3A_1500 = arith.constant 0 : i32
        %dma_wait3A_1501 = arith.constant 0 : i32
        %dma_wait3A_1502 = tpu.memref_slice %arg3[%add3A, %add3A_1492, %dma_wait3A_1499, %dma_wait3A_1500, %dma_wait3A_1501] : memref<32x16x8x2x80xi32, #tpu.memory_space<hbm>> -> memref<1x1x8x2x80xi32, #tpu.memory_space<hbm>>
        %dma_wait3A_1503 = tpu.memref_squeeze %dma_wait3A_1502 : memref<1x1x8x2x80xi32, #tpu.memory_space<hbm>> -> memref<8x2x80xi32, #tpu.memory_space<hbm>>
        %dma_wait3A_1504 = arith.constant 0 : i32
        %dma_wait3A_1505 = arith.constant 0 : i32
        %dma_wait3A_1506 = arith.constant 0 : i32
        %dma_wait3A_1507 = tpu.memref_slice %arg7[%dma_wait3A_1493, %dma_wait3A_1504, %dma_wait3A_1505, %dma_wait3A_1506] : memref<2x8x2x80xi32, #tpu.memory_space<vmem>> -> memref<1x8x2x80xi32, #tpu.memory_space<vmem>>
        %dma_wait3A_1508 = tpu.memref_squeeze %dma_wait3A_1507 : memref<1x8x2x80xi32, #tpu.memory_space<vmem>> -> memref<8x2x80xi32, #tpu.memory_space<vmem>>
        %dma_wait3A_1509 = arith.constant 0 : i32
        %dma_wait3A_1510 = arith.constant 0 : i32
        %dma_wait3A_1511 = arith.constant 0 : i32
        %dma_wait3A_1512 = tpu.memref_slice %arg3[%add3A, %add3A_1492, %dma_wait3A_1509, %dma_wait3A_1510, %dma_wait3A_1511] : memref<32x16x8x2x80xi32, #tpu.memory_space<hbm>> -> memref<1x1x8x2x80xi32, #tpu.memory_space<hbm>>
        %dma_wait3A_1513 = tpu.memref_squeeze %dma_wait3A_1512 : memref<1x1x8x2x80xi32, #tpu.memory_space<hbm>> -> memref<8x2x80xi32, #tpu.memory_space<hbm>>
        tpu.wait_dma2 semaphore(%arg12 : memref<!tpu.dma_semaphore, #tpu.memory_space<semaphore_mem>>) src(%dma_wait3A_1513 : memref<8x2x80xi32, #tpu.memory_space<hbm>>) dst(%dma_wait3A_1508 : memref<8x2x80xi32, #tpu.memory_space<vmem>>)
        %dma_start3A_1514 = arith.constant 1 : i32
        %dma_start3A_1515 = arith.constant 0 : i32
        %dma_start3A_1516 = arith.constant 0 : i32
        %dma_start3A_1517 = arith.constant 0 : i32
        %dma_start3A_1518 = arith.constant 0 : i32
        %dma_start3A_1519 = arith.constant 0 : i32
        %dma_start3A_1520 = tpu.memref_slice %arg8[%dma_start3A_1517, %dma_start3A_1518, %dma_start3A_1519] : memref<4x80x128xf32, #tpu.memory_space<vmem>> -> memref<1x80x128xf32, #tpu.memory_space<vmem>>
        %dma_start3A_1521 = tpu.memref_squeeze %dma_start3A_1520 : memref<1x80x128xf32, #tpu.memory_space<vmem>> -> memref<80x128xf32, #tpu.memory_space<vmem>>
        %dma_start3A_1522 = arith.constant 0 : i32
        %dma_start3A_1523 = tpu.memref_slice %arg7[%dma_start3A_1514, %dma_start3A_1515, %dma_start3A_1516, %dma_start3A_1522] : memref<2x8x2x80xi32, #tpu.memory_space<vmem>> -> memref<1x1x1x80xi32, #tpu.memory_space<vmem>>
        %dma_start3A_1524 = tpu.memref_squeeze %dma_start3A_1523 : memref<1x1x1x80xi32, #tpu.memory_space<vmem>> -> memref<80xi32, #tpu.memory_space<vmem>>
        %dma_start3A_1525 = arith.constant 0 : i32
        %dma_start3A_1526 = arith.constant 0 : i32
        %dma_start3A_1527 = tpu.memref_slice %arg2[%dma_start3A_1525, %dma_start3A_1526] : memref<10000x128xf32, #tpu.memory_space<hbm>> -> memref<10000x128xf32, #tpu.memory_space<hbm>>
        tpu.enqueue_indirect_dma source(%dma_start3A_1527 : memref<10000x128xf32, #tpu.memory_space<hbm>>) target(%dma_start3A_1521 : memref<80x128xf32, #tpu.memory_space<vmem>>) offsets(%dma_start3A_1524 : memref<80xi32, #tpu.memory_space<vmem>>) semaphore(%arg13 : memref<!tpu.dma_semaphore, #tpu.memory_space<semaphore_mem>>)
      } else {
      }
      %dma_start3A_790 = arith.constant 1 : i32
      %dma_start3A_791 = arith.constant 0 : i32
      %dma_start3A_792 = arith.constant 5 : i32
      %dma_start3A_793 = arith.constant 1 : i32
      %dma_start3A_794 = arith.constant 0 : i32
      %dma_start3A_795 = arith.constant 0 : i32
      %dma_start3A_796 = tpu.memref_slice %arg8[%dma_start3A_790, %dma_start3A_794, %dma_start3A_795] : memref<4x80x128xf32, #tpu.memory_space<vmem>> -> memref<1x80x128xf32, #tpu.memory_space<vmem>>
      %dma_start3A_797 = tpu.memref_squeeze %dma_start3A_796 : memref<1x80x128xf32, #tpu.memory_space<vmem>> -> memref<80x128xf32, #tpu.memory_space<vmem>>
      %dma_start3A_798 = arith.constant 0 : i32
      %dma_start3A_799 = tpu.memref_slice %arg7[%dma_start3A_791, %dma_start3A_792, %dma_start3A_793, %dma_start3A_798] : memref<2x8x2x80xi32, #tpu.memory_space<vmem>> -> memref<1x1x1x80xi32, #tpu.memory_space<vmem>>
      %dma_start3A_800 = tpu.memref_squeeze %dma_start3A_799 : memref<1x1x1x80xi32, #tpu.memory_space<vmem>> -> memref<80xi32, #tpu.memory_space<vmem>>
      %dma_start3A_801 = arith.constant 0 : i32
      %dma_start3A_802 = arith.constant 0 : i32
      %dma_start3A_803 = tpu.memref_slice %arg21[%dma_start3A_801, %dma_start3A_802] : memref<10240x128xf32, #tpu.memory_space<vmem_shared>> -> memref<10240x128xf32, #tpu.memory_space<vmem_shared>>
      tpu.enqueue_indirect_dma source(%dma_start3A_797 : memref<80x128xf32, #tpu.memory_space<vmem>>) target(%dma_start3A_803 : memref<10240x128xf32, #tpu.memory_space<vmem_shared>>) offsets(%dma_start3A_800 : memref<80xi32, #tpu.memory_space<vmem>>) semaphore(%arg18 : memref<!tpu.dma_semaphore, #tpu.memory_space<semaphore_mem>>) {add = true}
      %dma_start3A_804 = arith.constant 0 : i32
      %dma_start3A_805 = arith.constant 5 : i32
      %dma_start3A_806 = arith.constant 1 : i32
      %dma_start3A_807 = arith.constant 0 : i32
      %dma_start3A_808 = tpu.memref_slice %arg7[%dma_start3A_804, %dma_start3A_805, %dma_start3A_806, %dma_start3A_807] : memref<2x8x2x80xi32, #tpu.memory_space<vmem>> -> memref<1x1x1x80xi32, #tpu.memory_space<vmem>>
      %dma_start3A_809 = tpu.memref_squeeze %dma_start3A_808 : memref<1x1x1x80xi32, #tpu.memory_space<vmem>> -> memref<80xi32, #tpu.memory_space<vmem>>
      %dma_start3A_810 = arith.constant 0 : i32
      %dma_start3A_811 = tpu.memref_slice %arg22[%dma_start3A_810] : memref<10240xf32, #tpu.memory_space<vmem_shared>> -> memref<10240xf32, #tpu.memory_space<vmem_shared>>
      tpu.enqueue_indirect_dma source(%arg9 : memref<80xf32, #tpu.memory_space<vmem>>) target(%dma_start3A_811 : memref<10240xf32, #tpu.memory_space<vmem_shared>>) offsets(%dma_start3A_809 : memref<80xi32, #tpu.memory_space<vmem>>) semaphore(%arg18 : memref<!tpu.dma_semaphore, #tpu.memory_space<semaphore_mem>>) {add = true}
      %dma_wait3A_812 = arith.constant 0 : i32
      %dma_wait3A_813 = arith.constant 6 : i32
      %dma_wait3A_814 = arith.constant 0 : i32
      %dma_wait3A_815 = arith.constant 2 : i32
      %dma_wait3A_816 = arith.constant 0 : i32
      %dma_wait3A_817 = arith.constant 0 : i32
      %dma_wait3A_818 = tpu.memref_slice %arg8[%dma_wait3A_815, %dma_wait3A_816, %dma_wait3A_817] : memref<4x80x128xf32, #tpu.memory_space<vmem>> -> memref<1x80x128xf32, #tpu.memory_space<vmem>>
      %dma_wait3A_819 = tpu.memref_squeeze %dma_wait3A_818 : memref<1x80x128xf32, #tpu.memory_space<vmem>> -> memref<80x128xf32, #tpu.memory_space<vmem>>
      %dma_wait3A_820 = arith.constant 0 : i32
      %dma_wait3A_821 = tpu.memref_slice %arg7[%dma_wait3A_812, %dma_wait3A_813, %dma_wait3A_814, %dma_wait3A_820] : memref<2x8x2x80xi32, #tpu.memory_space<vmem>> -> memref<1x1x1x80xi32, #tpu.memory_space<vmem>>
      %dma_wait3A_822 = tpu.memref_squeeze %dma_wait3A_821 : memref<1x1x1x80xi32, #tpu.memory_space<vmem>> -> memref<80xi32, #tpu.memory_space<vmem>>
      %dma_wait3A_823 = arith.constant 0 : i32
      %dma_wait3A_824 = arith.constant 0 : i32
      %dma_wait3A_825 = tpu.memref_slice %arg2[%dma_wait3A_823, %dma_wait3A_824] : memref<10000x128xf32, #tpu.memory_space<hbm>> -> memref<10000x128xf32, #tpu.memory_space<hbm>>
      tpu.wait_indirect_dma semaphore(%arg15 : memref<!tpu.dma_semaphore, #tpu.memory_space<semaphore_mem>>) src(%dma_wait3A_825 : memref<10000x128xf32, #tpu.memory_space<hbm>>) dst(%dma_wait3A_819 : memref<80x128xf32, #tpu.memory_space<vmem>>)
      %dma_wait3A_826 = arith.constant 1 : i32
      %dma_wait3A_827 = arith.constant 0 : i32
      %dma_wait3A_828 = arith.constant 6 : i32
      %dma_wait3A_829 = arith.constant 1 : i32
      %dma_wait3A_830 = arith.constant 0 : i32
      %dma_wait3A_831 = arith.constant 0 : i32
      %dma_wait3A_832 = tpu.memref_slice %arg8[%dma_wait3A_826, %dma_wait3A_830, %dma_wait3A_831] : memref<4x80x128xf32, #tpu.memory_space<vmem>> -> memref<1x80x128xf32, #tpu.memory_space<vmem>>
      %dma_wait3A_833 = tpu.memref_squeeze %dma_wait3A_832 : memref<1x80x128xf32, #tpu.memory_space<vmem>> -> memref<80x128xf32, #tpu.memory_space<vmem>>
      %dma_wait3A_834 = arith.constant 0 : i32
      %dma_wait3A_835 = tpu.memref_slice %arg7[%dma_wait3A_827, %dma_wait3A_828, %dma_wait3A_829, %dma_wait3A_834] : memref<2x8x2x80xi32, #tpu.memory_space<vmem>> -> memref<1x1x1x80xi32, #tpu.memory_space<vmem>>
      %dma_wait3A_836 = tpu.memref_squeeze %dma_wait3A_835 : memref<1x1x1x80xi32, #tpu.memory_space<vmem>> -> memref<80xi32, #tpu.memory_space<vmem>>
      %dma_wait3A_837 = arith.constant 0 : i32
      %dma_wait3A_838 = arith.constant 0 : i32
      %dma_wait3A_839 = tpu.memref_slice %arg21[%dma_wait3A_837, %dma_wait3A_838] : memref<10240x128xf32, #tpu.memory_space<vmem_shared>> -> memref<10240x128xf32, #tpu.memory_space<vmem_shared>>
      tpu.wait_indirect_dma semaphore(%arg18 : memref<!tpu.dma_semaphore, #tpu.memory_space<semaphore_mem>>) src(%dma_wait3A_833 : memref<80x128xf32, #tpu.memory_space<vmem>>) dst(%dma_wait3A_839 : memref<10240x128xf32, #tpu.memory_space<vmem_shared>>)
      %dma_wait3A_840 = arith.constant 0 : i32
      %dma_wait3A_841 = arith.constant 6 : i32
      %dma_wait3A_842 = arith.constant 1 : i32
      %dma_wait3A_843 = arith.constant 0 : i32
      %dma_wait3A_844 = tpu.memref_slice %arg7[%dma_wait3A_840, %dma_wait3A_841, %dma_wait3A_842, %dma_wait3A_843] : memref<2x8x2x80xi32, #tpu.memory_space<vmem>> -> memref<1x1x1x80xi32, #tpu.memory_space<vmem>>
      %dma_wait3A_845 = tpu.memref_squeeze %dma_wait3A_844 : memref<1x1x1x80xi32, #tpu.memory_space<vmem>> -> memref<80xi32, #tpu.memory_space<vmem>>
      %dma_wait3A_846 = arith.constant 0 : i32
      %dma_wait3A_847 = tpu.memref_slice %arg22[%dma_wait3A_846] : memref<10240xf32, #tpu.memory_space<vmem_shared>> -> memref<10240xf32, #tpu.memory_space<vmem_shared>>
      tpu.wait_indirect_dma semaphore(%arg18 : memref<!tpu.dma_semaphore, #tpu.memory_space<semaphore_mem>>) src(%arg9 : memref<80xf32, #tpu.memory_space<vmem>>) dst(%dma_wait3A_847 : memref<10240xf32, #tpu.memory_space<vmem_shared>>)
      %add3A_848 = arith.constant 1 : i32
      %add3A_849 = arith.addi %mul3A_400, %add3A_848 : i32
      %lt3A_850 = arith.constant 16 : i32
      %lt3A_851 = arith.cmpi slt, %add3A_849, %lt3A_850 : i32
      %convert_element_type3A_852 = arith.extui %lt3A_851 : i1 to i32
      %cond3A_853 = arith.constant 0 : i32
      %cond3A_854 = arith.cmpi ne, %convert_element_type3A_852, %cond3A_853 : i32
      scf.if %cond3A_854 {
        %dma_start3A_1491 = arith.constant 1 : i32
        %dma_start3A_1492 = arith.constant 1 : i32
        %dma_start3A_1493 = arith.constant 0 : i32
        %dma_start3A_1494 = arith.constant 1 : i32
        %dma_start3A_1495 = arith.constant 0 : i32
        %dma_start3A_1496 = arith.constant 0 : i32
        %dma_start3A_1497 = tpu.memref_slice %arg8[%dma_start3A_1494, %dma_start3A_1495, %dma_start3A_1496] : memref<4x80x128xf32, #tpu.memory_space<vmem>> -> memref<1x80x128xf32, #tpu.memory_space<vmem>>
        %dma_start3A_1498 = tpu.memref_squeeze %dma_start3A_1497 : memref<1x80x128xf32, #tpu.memory_space<vmem>> -> memref<80x128xf32, #tpu.memory_space<vmem>>
        %dma_start3A_1499 = arith.constant 0 : i32
        %dma_start3A_1500 = tpu.memref_slice %arg7[%dma_start3A_1491, %dma_start3A_1492, %dma_start3A_1493, %dma_start3A_1499] : memref<2x8x2x80xi32, #tpu.memory_space<vmem>> -> memref<1x1x1x80xi32, #tpu.memory_space<vmem>>
        %dma_start3A_1501 = tpu.memref_squeeze %dma_start3A_1500 : memref<1x1x1x80xi32, #tpu.memory_space<vmem>> -> memref<80xi32, #tpu.memory_space<vmem>>
        %dma_start3A_1502 = arith.constant 0 : i32
        %dma_start3A_1503 = arith.constant 0 : i32
        %dma_start3A_1504 = tpu.memref_slice %arg2[%dma_start3A_1502, %dma_start3A_1503] : memref<10000x128xf32, #tpu.memory_space<hbm>> -> memref<10000x128xf32, #tpu.memory_space<hbm>>
        tpu.enqueue_indirect_dma source(%dma_start3A_1504 : memref<10000x128xf32, #tpu.memory_space<hbm>>) target(%dma_start3A_1498 : memref<80x128xf32, #tpu.memory_space<vmem>>) offsets(%dma_start3A_1501 : memref<80xi32, #tpu.memory_space<vmem>>) semaphore(%arg14 : memref<!tpu.dma_semaphore, #tpu.memory_space<semaphore_mem>>)
      } else {
      }
      %dma_start3A_855 = arith.constant 2 : i32
      %dma_start3A_856 = arith.constant 0 : i32
      %dma_start3A_857 = arith.constant 6 : i32
      %dma_start3A_858 = arith.constant 1 : i32
      %dma_start3A_859 = arith.constant 0 : i32
      %dma_start3A_860 = arith.constant 0 : i32
      %dma_start3A_861 = tpu.memref_slice %arg8[%dma_start3A_855, %dma_start3A_859, %dma_start3A_860] : memref<4x80x128xf32, #tpu.memory_space<vmem>> -> memref<1x80x128xf32, #tpu.memory_space<vmem>>
      %dma_start3A_862 = tpu.memref_squeeze %dma_start3A_861 : memref<1x80x128xf32, #tpu.memory_space<vmem>> -> memref<80x128xf32, #tpu.memory_space<vmem>>
      %dma_start3A_863 = arith.constant 0 : i32
      %dma_start3A_864 = tpu.memref_slice %arg7[%dma_start3A_856, %dma_start3A_857, %dma_start3A_858, %dma_start3A_863] : memref<2x8x2x80xi32, #tpu.memory_space<vmem>> -> memref<1x1x1x80xi32, #tpu.memory_space<vmem>>
      %dma_start3A_865 = tpu.memref_squeeze %dma_start3A_864 : memref<1x1x1x80xi32, #tpu.memory_space<vmem>> -> memref<80xi32, #tpu.memory_space<vmem>>
      %dma_start3A_866 = arith.constant 0 : i32
      %dma_start3A_867 = arith.constant 0 : i32
      %dma_start3A_868 = tpu.memref_slice %arg21[%dma_start3A_866, %dma_start3A_867] : memref<10240x128xf32, #tpu.memory_space<vmem_shared>> -> memref<10240x128xf32, #tpu.memory_space<vmem_shared>>
      tpu.enqueue_indirect_dma source(%dma_start3A_862 : memref<80x128xf32, #tpu.memory_space<vmem>>) target(%dma_start3A_868 : memref<10240x128xf32, #tpu.memory_space<vmem_shared>>) offsets(%dma_start3A_865 : memref<80xi32, #tpu.memory_space<vmem>>) semaphore(%arg19 : memref<!tpu.dma_semaphore, #tpu.memory_space<semaphore_mem>>) {add = true}
      %dma_start3A_869 = arith.constant 0 : i32
      %dma_start3A_870 = arith.constant 6 : i32
      %dma_start3A_871 = arith.constant 1 : i32
      %dma_start3A_872 = arith.constant 0 : i32
      %dma_start3A_873 = tpu.memref_slice %arg7[%dma_start3A_869, %dma_start3A_870, %dma_start3A_871, %dma_start3A_872] : memref<2x8x2x80xi32, #tpu.memory_space<vmem>> -> memref<1x1x1x80xi32, #tpu.memory_space<vmem>>
      %dma_start3A_874 = tpu.memref_squeeze %dma_start3A_873 : memref<1x1x1x80xi32, #tpu.memory_space<vmem>> -> memref<80xi32, #tpu.memory_space<vmem>>
      %dma_start3A_875 = arith.constant 0 : i32
      %dma_start3A_876 = tpu.memref_slice %arg22[%dma_start3A_875] : memref<10240xf32, #tpu.memory_space<vmem_shared>> -> memref<10240xf32, #tpu.memory_space<vmem_shared>>
      tpu.enqueue_indirect_dma source(%arg9 : memref<80xf32, #tpu.memory_space<vmem>>) target(%dma_start3A_876 : memref<10240xf32, #tpu.memory_space<vmem_shared>>) offsets(%dma_start3A_874 : memref<80xi32, #tpu.memory_space<vmem>>) semaphore(%arg19 : memref<!tpu.dma_semaphore, #tpu.memory_space<semaphore_mem>>) {add = true}
      %dma_wait3A_877 = arith.constant 0 : i32
      %dma_wait3A_878 = arith.constant 7 : i32
      %dma_wait3A_879 = arith.constant 0 : i32
      %dma_wait3A_880 = arith.constant 3 : i32
      %dma_wait3A_881 = arith.constant 0 : i32
      %dma_wait3A_882 = arith.constant 0 : i32
      %dma_wait3A_883 = tpu.memref_slice %arg8[%dma_wait3A_880, %dma_wait3A_881, %dma_wait3A_882] : memref<4x80x128xf32, #tpu.memory_space<vmem>> -> memref<1x80x128xf32, #tpu.memory_space<vmem>>
      %dma_wait3A_884 = tpu.memref_squeeze %dma_wait3A_883 : memref<1x80x128xf32, #tpu.memory_space<vmem>> -> memref<80x128xf32, #tpu.memory_space<vmem>>
      %dma_wait3A_885 = arith.constant 0 : i32
      %dma_wait3A_886 = tpu.memref_slice %arg7[%dma_wait3A_877, %dma_wait3A_878, %dma_wait3A_879, %dma_wait3A_885] : memref<2x8x2x80xi32, #tpu.memory_space<vmem>> -> memref<1x1x1x80xi32, #tpu.memory_space<vmem>>
      %dma_wait3A_887 = tpu.memref_squeeze %dma_wait3A_886 : memref<1x1x1x80xi32, #tpu.memory_space<vmem>> -> memref<80xi32, #tpu.memory_space<vmem>>
      %dma_wait3A_888 = arith.constant 0 : i32
      %dma_wait3A_889 = arith.constant 0 : i32
      %dma_wait3A_890 = tpu.memref_slice %arg2[%dma_wait3A_888, %dma_wait3A_889] : memref<10000x128xf32, #tpu.memory_space<hbm>> -> memref<10000x128xf32, #tpu.memory_space<hbm>>
      tpu.wait_indirect_dma semaphore(%arg16 : memref<!tpu.dma_semaphore, #tpu.memory_space<semaphore_mem>>) src(%dma_wait3A_890 : memref<10000x128xf32, #tpu.memory_space<hbm>>) dst(%dma_wait3A_884 : memref<80x128xf32, #tpu.memory_space<vmem>>)
      %dma_wait3A_891 = arith.constant 2 : i32
      %dma_wait3A_892 = arith.constant 0 : i32
      %dma_wait3A_893 = arith.constant 7 : i32
      %dma_wait3A_894 = arith.constant 1 : i32
      %dma_wait3A_895 = arith.constant 0 : i32
      %dma_wait3A_896 = arith.constant 0 : i32
      %dma_wait3A_897 = tpu.memref_slice %arg8[%dma_wait3A_891, %dma_wait3A_895, %dma_wait3A_896] : memref<4x80x128xf32, #tpu.memory_space<vmem>> -> memref<1x80x128xf32, #tpu.memory_space<vmem>>
      %dma_wait3A_898 = tpu.memref_squeeze %dma_wait3A_897 : memref<1x80x128xf32, #tpu.memory_space<vmem>> -> memref<80x128xf32, #tpu.memory_space<vmem>>
      %dma_wait3A_899 = arith.constant 0 : i32
      %dma_wait3A_900 = tpu.memref_slice %arg7[%dma_wait3A_892, %dma_wait3A_893, %dma_wait3A_894, %dma_wait3A_899] : memref<2x8x2x80xi32, #tpu.memory_space<vmem>> -> memref<1x1x1x80xi32, #tpu.memory_space<vmem>>
      %dma_wait3A_901 = tpu.memref_squeeze %dma_wait3A_900 : memref<1x1x1x80xi32, #tpu.memory_space<vmem>> -> memref<80xi32, #tpu.memory_space<vmem>>
      %dma_wait3A_902 = arith.constant 0 : i32
      %dma_wait3A_903 = arith.constant 0 : i32
      %dma_wait3A_904 = tpu.memref_slice %arg21[%dma_wait3A_902, %dma_wait3A_903] : memref<10240x128xf32, #tpu.memory_space<vmem_shared>> -> memref<10240x128xf32, #tpu.memory_space<vmem_shared>>
      tpu.wait_indirect_dma semaphore(%arg19 : memref<!tpu.dma_semaphore, #tpu.memory_space<semaphore_mem>>) src(%dma_wait3A_898 : memref<80x128xf32, #tpu.memory_space<vmem>>) dst(%dma_wait3A_904 : memref<10240x128xf32, #tpu.memory_space<vmem_shared>>)
      %dma_wait3A_905 = arith.constant 0 : i32
      %dma_wait3A_906 = arith.constant 7 : i32
      %dma_wait3A_907 = arith.constant 1 : i32
      %dma_wait3A_908 = arith.constant 0 : i32
      %dma_wait3A_909 = tpu.memref_slice %arg7[%dma_wait3A_905, %dma_wait3A_906, %dma_wait3A_907, %dma_wait3A_908] : memref<2x8x2x80xi32, #tpu.memory_space<vmem>> -> memref<1x1x1x80xi32, #tpu.memory_space<vmem>>
      %dma_wait3A_910 = tpu.memref_squeeze %dma_wait3A_909 : memref<1x1x1x80xi32, #tpu.memory_space<vmem>> -> memref<80xi32, #tpu.memory_space<vmem>>
      %dma_wait3A_911 = arith.constant 0 : i32
      %dma_wait3A_912 = tpu.memref_slice %arg22[%dma_wait3A_911] : memref<10240xf32, #tpu.memory_space<vmem_shared>> -> memref<10240xf32, #tpu.memory_space<vmem_shared>>
      tpu.wait_indirect_dma semaphore(%arg19 : memref<!tpu.dma_semaphore, #tpu.memory_space<semaphore_mem>>) src(%arg9 : memref<80xf32, #tpu.memory_space<vmem>>) dst(%dma_wait3A_912 : memref<10240xf32, #tpu.memory_space<vmem_shared>>)
      %add3A_913 = arith.constant 1 : i32
      %add3A_914 = arith.addi %mul3A_400, %add3A_913 : i32
      %lt3A_915 = arith.constant 16 : i32
      %lt3A_916 = arith.cmpi slt, %add3A_914, %lt3A_915 : i32
      %convert_element_type3A_917 = arith.extui %lt3A_916 : i1 to i32
      %cond3A_918 = arith.constant 0 : i32
      %cond3A_919 = arith.cmpi ne, %convert_element_type3A_917, %cond3A_918 : i32
      scf.if %cond3A_919 {
        %dma_start3A_1491 = arith.constant 1 : i32
        %dma_start3A_1492 = arith.constant 2 : i32
        %dma_start3A_1493 = arith.constant 0 : i32
        %dma_start3A_1494 = arith.constant 2 : i32
        %dma_start3A_1495 = arith.constant 0 : i32
        %dma_start3A_1496 = arith.constant 0 : i32
        %dma_start3A_1497 = tpu.memref_slice %arg8[%dma_start3A_1494, %dma_start3A_1495, %dma_start3A_1496] : memref<4x80x128xf32, #tpu.memory_space<vmem>> -> memref<1x80x128xf32, #tpu.memory_space<vmem>>
        %dma_start3A_1498 = tpu.memref_squeeze %dma_start3A_1497 : memref<1x80x128xf32, #tpu.memory_space<vmem>> -> memref<80x128xf32, #tpu.memory_space<vmem>>
        %dma_start3A_1499 = arith.constant 0 : i32
        %dma_start3A_1500 = tpu.memref_slice %arg7[%dma_start3A_1491, %dma_start3A_1492, %dma_start3A_1493, %dma_start3A_1499] : memref<2x8x2x80xi32, #tpu.memory_space<vmem>> -> memref<1x1x1x80xi32, #tpu.memory_space<vmem>>
        %dma_start3A_1501 = tpu.memref_squeeze %dma_start3A_1500 : memref<1x1x1x80xi32, #tpu.memory_space<vmem>> -> memref<80xi32, #tpu.memory_space<vmem>>
        %dma_start3A_1502 = arith.constant 0 : i32
        %dma_start3A_1503 = arith.constant 0 : i32
        %dma_start3A_1504 = tpu.memref_slice %arg2[%dma_start3A_1502, %dma_start3A_1503] : memref<10000x128xf32, #tpu.memory_space<hbm>> -> memref<10000x128xf32, #tpu.memory_space<hbm>>
        tpu.enqueue_indirect_dma source(%dma_start3A_1504 : memref<10000x128xf32, #tpu.memory_space<hbm>>) target(%dma_start3A_1498 : memref<80x128xf32, #tpu.memory_space<vmem>>) offsets(%dma_start3A_1501 : memref<80xi32, #tpu.memory_space<vmem>>) semaphore(%arg15 : memref<!tpu.dma_semaphore, #tpu.memory_space<semaphore_mem>>)
      } else {
      }
      %dma_start3A_920 = arith.constant 3 : i32
      %dma_start3A_921 = arith.constant 0 : i32
      %dma_start3A_922 = arith.constant 7 : i32
      %dma_start3A_923 = arith.constant 1 : i32
      %dma_start3A_924 = arith.constant 0 : i32
      %dma_start3A_925 = arith.constant 0 : i32
      %dma_start3A_926 = tpu.memref_slice %arg8[%dma_start3A_920, %dma_start3A_924, %dma_start3A_925] : memref<4x80x128xf32, #tpu.memory_space<vmem>> -> memref<1x80x128xf32, #tpu.memory_space<vmem>>
      %dma_start3A_927 = tpu.memref_squeeze %dma_start3A_926 : memref<1x80x128xf32, #tpu.memory_space<vmem>> -> memref<80x128xf32, #tpu.memory_space<vmem>>
      %dma_start3A_928 = arith.constant 0 : i32
      %dma_start3A_929 = tpu.memref_slice %arg7[%dma_start3A_921, %dma_start3A_922, %dma_start3A_923, %dma_start3A_928] : memref<2x8x2x80xi32, #tpu.memory_space<vmem>> -> memref<1x1x1x80xi32, #tpu.memory_space<vmem>>
      %dma_start3A_930 = tpu.memref_squeeze %dma_start3A_929 : memref<1x1x1x80xi32, #tpu.memory_space<vmem>> -> memref<80xi32, #tpu.memory_space<vmem>>
      %dma_start3A_931 = arith.constant 0 : i32
      %dma_start3A_932 = arith.constant 0 : i32
      %dma_start3A_933 = tpu.memref_slice %arg21[%dma_start3A_931, %dma_start3A_932] : memref<10240x128xf32, #tpu.memory_space<vmem_shared>> -> memref<10240x128xf32, #tpu.memory_space<vmem_shared>>
      tpu.enqueue_indirect_dma source(%dma_start3A_927 : memref<80x128xf32, #tpu.memory_space<vmem>>) target(%dma_start3A_933 : memref<10240x128xf32, #tpu.memory_space<vmem_shared>>) offsets(%dma_start3A_930 : memref<80xi32, #tpu.memory_space<vmem>>) semaphore(%arg20 : memref<!tpu.dma_semaphore, #tpu.memory_space<semaphore_mem>>) {add = true}
      %dma_start3A_934 = arith.constant 0 : i32
      %dma_start3A_935 = arith.constant 7 : i32
      %dma_start3A_936 = arith.constant 1 : i32
      %dma_start3A_937 = arith.constant 0 : i32
      %dma_start3A_938 = tpu.memref_slice %arg7[%dma_start3A_934, %dma_start3A_935, %dma_start3A_936, %dma_start3A_937] : memref<2x8x2x80xi32, #tpu.memory_space<vmem>> -> memref<1x1x1x80xi32, #tpu.memory_space<vmem>>
      %dma_start3A_939 = tpu.memref_squeeze %dma_start3A_938 : memref<1x1x1x80xi32, #tpu.memory_space<vmem>> -> memref<80xi32, #tpu.memory_space<vmem>>
      %dma_start3A_940 = arith.constant 0 : i32
      %dma_start3A_941 = tpu.memref_slice %arg22[%dma_start3A_940] : memref<10240xf32, #tpu.memory_space<vmem_shared>> -> memref<10240xf32, #tpu.memory_space<vmem_shared>>
      tpu.enqueue_indirect_dma source(%arg9 : memref<80xf32, #tpu.memory_space<vmem>>) target(%dma_start3A_941 : memref<10240xf32, #tpu.memory_space<vmem_shared>>) offsets(%dma_start3A_939 : memref<80xi32, #tpu.memory_space<vmem>>) semaphore(%arg20 : memref<!tpu.dma_semaphore, #tpu.memory_space<semaphore_mem>>) {add = true}
      %mul3A_942 = arith.constant 2 : i32
      %mul3A_943 = arith.muli %scan3A_398, %mul3A_942 : i32
      %add3A_944 = arith.constant 1 : i32
      %add3A_945 = arith.addi %mul3A_943, %add3A_944 : i32
      %dma_wait3A_946 = arith.constant 1 : i32
      %dma_wait3A_947 = arith.constant 0 : i32
      %dma_wait3A_948 = arith.constant 0 : i32
      %dma_wait3A_949 = arith.constant 0 : i32
      %dma_wait3A_950 = arith.constant 0 : i32
      %dma_wait3A_951 = arith.constant 0 : i32
      %dma_wait3A_952 = tpu.memref_slice %arg8[%dma_wait3A_949, %dma_wait3A_950, %dma_wait3A_951] : memref<4x80x128xf32, #tpu.memory_space<vmem>> -> memref<1x80x128xf32, #tpu.memory_space<vmem>>
      %dma_wait3A_953 = tpu.memref_squeeze %dma_wait3A_952 : memref<1x80x128xf32, #tpu.memory_space<vmem>> -> memref<80x128xf32, #tpu.memory_space<vmem>>
      %dma_wait3A_954 = arith.constant 0 : i32
      %dma_wait3A_955 = tpu.memref_slice %arg7[%dma_wait3A_946, %dma_wait3A_947, %dma_wait3A_948, %dma_wait3A_954] : memref<2x8x2x80xi32, #tpu.memory_space<vmem>> -> memref<1x1x1x80xi32, #tpu.memory_space<vmem>>
      %dma_wait3A_956 = tpu.memref_squeeze %dma_wait3A_955 : memref<1x1x1x80xi32, #tpu.memory_space<vmem>> -> memref<80xi32, #tpu.memory_space<vmem>>
      %dma_wait3A_957 = arith.constant 0 : i32
      %dma_wait3A_958 = arith.constant 0 : i32
      %dma_wait3A_959 = tpu.memref_slice %arg2[%dma_wait3A_957, %dma_wait3A_958] : memref<10000x128xf32, #tpu.memory_space<hbm>> -> memref<10000x128xf32, #tpu.memory_space<hbm>>
      tpu.wait_indirect_dma semaphore(%arg13 : memref<!tpu.dma_semaphore, #tpu.memory_space<semaphore_mem>>) src(%dma_wait3A_959 : memref<10000x128xf32, #tpu.memory_space<hbm>>) dst(%dma_wait3A_953 : memref<80x128xf32, #tpu.memory_space<vmem>>)
      %gt3A_960 = arith.constant 0 : i32
      %gt3A_961 = arith.cmpi sgt, %add3A_945, %gt3A_960 : i32
      %convert_element_type3A_962 = arith.extui %gt3A_961 : i1 to i32
      %cond3A_963 = arith.constant 0 : i32
      %cond3A_964 = arith.cmpi ne, %convert_element_type3A_962, %cond3A_963 : i32
      scf.if %cond3A_964 {
        %dma_wait3A_1491 = arith.constant 3 : i32
        %dma_wait3A_1492 = arith.constant 1 : i32
        %dma_wait3A_1493 = arith.constant 0 : i32
        %dma_wait3A_1494 = arith.constant 1 : i32
        %dma_wait3A_1495 = arith.constant 0 : i32
        %dma_wait3A_1496 = arith.constant 0 : i32
        %dma_wait3A_1497 = tpu.memref_slice %arg8[%dma_wait3A_1491, %dma_wait3A_1495, %dma_wait3A_1496] : memref<4x80x128xf32, #tpu.memory_space<vmem>> -> memref<1x80x128xf32, #tpu.memory_space<vmem>>
        %dma_wait3A_1498 = tpu.memref_squeeze %dma_wait3A_1497 : memref<1x80x128xf32, #tpu.memory_space<vmem>> -> memref<80x128xf32, #tpu.memory_space<vmem>>
        %dma_wait3A_1499 = arith.constant 0 : i32
        %dma_wait3A_1500 = tpu.memref_slice %arg7[%dma_wait3A_1492, %dma_wait3A_1493, %dma_wait3A_1494, %dma_wait3A_1499] : memref<2x8x2x80xi32, #tpu.memory_space<vmem>> -> memref<1x1x1x80xi32, #tpu.memory_space<vmem>>
        %dma_wait3A_1501 = tpu.memref_squeeze %dma_wait3A_1500 : memref<1x1x1x80xi32, #tpu.memory_space<vmem>> -> memref<80xi32, #tpu.memory_space<vmem>>
        %dma_wait3A_1502 = arith.constant 0 : i32
        %dma_wait3A_1503 = arith.constant 0 : i32
        %dma_wait3A_1504 = tpu.memref_slice %arg21[%dma_wait3A_1502, %dma_wait3A_1503] : memref<10240x128xf32, #tpu.memory_space<vmem_shared>> -> memref<10240x128xf32, #tpu.memory_space<vmem_shared>>
        tpu.wait_indirect_dma semaphore(%arg20 : memref<!tpu.dma_semaphore, #tpu.memory_space<semaphore_mem>>) src(%dma_wait3A_1498 : memref<80x128xf32, #tpu.memory_space<vmem>>) dst(%dma_wait3A_1504 : memref<10240x128xf32, #tpu.memory_space<vmem_shared>>)
        %dma_wait3A_1505 = arith.constant 1 : i32
        %dma_wait3A_1506 = arith.constant 0 : i32
        %dma_wait3A_1507 = arith.constant 1 : i32
        %dma_wait3A_1508 = arith.constant 0 : i32
        %dma_wait3A_1509 = tpu.memref_slice %arg7[%dma_wait3A_1505, %dma_wait3A_1506, %dma_wait3A_1507, %dma_wait3A_1508] : memref<2x8x2x80xi32, #tpu.memory_space<vmem>> -> memref<1x1x1x80xi32, #tpu.memory_space<vmem>>
        %dma_wait3A_1510 = tpu.memref_squeeze %dma_wait3A_1509 : memref<1x1x1x80xi32, #tpu.memory_space<vmem>> -> memref<80xi32, #tpu.memory_space<vmem>>
        %dma_wait3A_1511 = arith.constant 0 : i32
        %dma_wait3A_1512 = tpu.memref_slice %arg22[%dma_wait3A_1511] : memref<10240xf32, #tpu.memory_space<vmem_shared>> -> memref<10240xf32, #tpu.memory_space<vmem_shared>>
        tpu.wait_indirect_dma semaphore(%arg20 : memref<!tpu.dma_semaphore, #tpu.memory_space<semaphore_mem>>) src(%arg9 : memref<80xf32, #tpu.memory_space<vmem>>) dst(%dma_wait3A_1512 : memref<10240xf32, #tpu.memory_space<vmem_shared>>)
      } else {
      }
      %dma_start3A_965 = arith.constant 1 : i32
      %dma_start3A_966 = arith.constant 3 : i32
      %dma_start3A_967 = arith.constant 0 : i32
      %dma_start3A_968 = arith.constant 3 : i32
      %dma_start3A_969 = arith.constant 0 : i32
      %dma_start3A_970 = arith.constant 0 : i32
      %dma_start3A_971 = tpu.memref_slice %arg8[%dma_start3A_968, %dma_start3A_969, %dma_start3A_970] : memref<4x80x128xf32, #tpu.memory_space<vmem>> -> memref<1x80x128xf32, #tpu.memory_space<vmem>>
      %dma_start3A_972 = tpu.memref_squeeze %dma_start3A_971 : memref<1x80x128xf32, #tpu.memory_space<vmem>> -> memref<80x128xf32, #tpu.memory_space<vmem>>
      %dma_start3A_973 = arith.constant 0 : i32
      %dma_start3A_974 = tpu.memref_slice %arg7[%dma_start3A_965, %dma_start3A_966, %dma_start3A_967, %dma_start3A_973] : memref<2x8x2x80xi32, #tpu.memory_space<vmem>> -> memref<1x1x1x80xi32, #tpu.memory_space<vmem>>
      %dma_start3A_975 = tpu.memref_squeeze %dma_start3A_974 : memref<1x1x1x80xi32, #tpu.memory_space<vmem>> -> memref<80xi32, #tpu.memory_space<vmem>>
      %dma_start3A_976 = arith.constant 0 : i32
      %dma_start3A_977 = arith.constant 0 : i32
      %dma_start3A_978 = tpu.memref_slice %arg2[%dma_start3A_976, %dma_start3A_977] : memref<10000x128xf32, #tpu.memory_space<hbm>> -> memref<10000x128xf32, #tpu.memory_space<hbm>>
      tpu.enqueue_indirect_dma source(%dma_start3A_978 : memref<10000x128xf32, #tpu.memory_space<hbm>>) target(%dma_start3A_972 : memref<80x128xf32, #tpu.memory_space<vmem>>) offsets(%dma_start3A_975 : memref<80xi32, #tpu.memory_space<vmem>>) semaphore(%arg16 : memref<!tpu.dma_semaphore, #tpu.memory_space<semaphore_mem>>)
      %dma_start3A_979 = arith.constant 0 : i32
      %dma_start3A_980 = arith.constant 1 : i32
      %dma_start3A_981 = arith.constant 0 : i32
      %dma_start3A_982 = arith.constant 1 : i32
      %dma_start3A_983 = arith.constant 0 : i32
      %dma_start3A_984 = arith.constant 0 : i32
      %dma_start3A_985 = tpu.memref_slice %arg8[%dma_start3A_979, %dma_start3A_983, %dma_start3A_984] : memref<4x80x128xf32, #tpu.memory_space<vmem>> -> memref<1x80x128xf32, #tpu.memory_space<vmem>>
      %dma_start3A_986 = tpu.memref_squeeze %dma_start3A_985 : memref<1x80x128xf32, #tpu.memory_space<vmem>> -> memref<80x128xf32, #tpu.memory_space<vmem>>
      %dma_start3A_987 = arith.constant 0 : i32
      %dma_start3A_988 = tpu.memref_slice %arg7[%dma_start3A_980, %dma_start3A_981, %dma_start3A_982, %dma_start3A_987] : memref<2x8x2x80xi32, #tpu.memory_space<vmem>> -> memref<1x1x1x80xi32, #tpu.memory_space<vmem>>
      %dma_start3A_989 = tpu.memref_squeeze %dma_start3A_988 : memref<1x1x1x80xi32, #tpu.memory_space<vmem>> -> memref<80xi32, #tpu.memory_space<vmem>>
      %dma_start3A_990 = arith.constant 0 : i32
      %dma_start3A_991 = arith.constant 0 : i32
      %dma_start3A_992 = tpu.memref_slice %arg21[%dma_start3A_990, %dma_start3A_991] : memref<10240x128xf32, #tpu.memory_space<vmem_shared>> -> memref<10240x128xf32, #tpu.memory_space<vmem_shared>>
      tpu.enqueue_indirect_dma source(%dma_start3A_986 : memref<80x128xf32, #tpu.memory_space<vmem>>) target(%dma_start3A_992 : memref<10240x128xf32, #tpu.memory_space<vmem_shared>>) offsets(%dma_start3A_989 : memref<80xi32, #tpu.memory_space<vmem>>) semaphore(%arg17 : memref<!tpu.dma_semaphore, #tpu.memory_space<semaphore_mem>>) {add = true}
      %dma_start3A_993 = arith.constant 1 : i32
      %dma_start3A_994 = arith.constant 0 : i32
      %dma_start3A_995 = arith.constant 1 : i32
      %dma_start3A_996 = arith.constant 0 : i32
      %dma_start3A_997 = tpu.memref_slice %arg7[%dma_start3A_993, %dma_start3A_994, %dma_start3A_995, %dma_start3A_996] : memref<2x8x2x80xi32, #tpu.memory_space<vmem>> -> memref<1x1x1x80xi32, #tpu.memory_space<vmem>>
      %dma_start3A_998 = tpu.memref_squeeze %dma_start3A_997 : memref<1x1x1x80xi32, #tpu.memory_space<vmem>> -> memref<80xi32, #tpu.memory_space<vmem>>
      %dma_start3A_999 = arith.constant 0 : i32
      %dma_start3A_1000 = tpu.memref_slice %arg22[%dma_start3A_999] : memref<10240xf32, #tpu.memory_space<vmem_shared>> -> memref<10240xf32, #tpu.memory_space<vmem_shared>>
      tpu.enqueue_indirect_dma source(%arg9 : memref<80xf32, #tpu.memory_space<vmem>>) target(%dma_start3A_1000 : memref<10240xf32, #tpu.memory_space<vmem_shared>>) offsets(%dma_start3A_998 : memref<80xi32, #tpu.memory_space<vmem>>) semaphore(%arg17 : memref<!tpu.dma_semaphore, #tpu.memory_space<semaphore_mem>>) {add = true}
      %dma_wait3A_1001 = arith.constant 1 : i32
      %dma_wait3A_1002 = arith.constant 1 : i32
      %dma_wait3A_1003 = arith.constant 0 : i32
      %dma_wait3A_1004 = arith.constant 1 : i32
      %dma_wait3A_1005 = arith.constant 0 : i32
      %dma_wait3A_1006 = arith.constant 0 : i32
      %dma_wait3A_1007 = tpu.memref_slice %arg8[%dma_wait3A_1004, %dma_wait3A_1005, %dma_wait3A_1006] : memref<4x80x128xf32, #tpu.memory_space<vmem>> -> memref<1x80x128xf32, #tpu.memory_space<vmem>>
      %dma_wait3A_1008 = tpu.memref_squeeze %dma_wait3A_1007 : memref<1x80x128xf32, #tpu.memory_space<vmem>> -> memref<80x128xf32, #tpu.memory_space<vmem>>
      %dma_wait3A_1009 = arith.constant 0 : i32
      %dma_wait3A_1010 = tpu.memref_slice %arg7[%dma_wait3A_1001, %dma_wait3A_1002, %dma_wait3A_1003, %dma_wait3A_1009] : memref<2x8x2x80xi32, #tpu.memory_space<vmem>> -> memref<1x1x1x80xi32, #tpu.memory_space<vmem>>
      %dma_wait3A_1011 = tpu.memref_squeeze %dma_wait3A_1010 : memref<1x1x1x80xi32, #tpu.memory_space<vmem>> -> memref<80xi32, #tpu.memory_space<vmem>>
      %dma_wait3A_1012 = arith.constant 0 : i32
      %dma_wait3A_1013 = arith.constant 0 : i32
      %dma_wait3A_1014 = tpu.memref_slice %arg2[%dma_wait3A_1012, %dma_wait3A_1013] : memref<10000x128xf32, #tpu.memory_space<hbm>> -> memref<10000x128xf32, #tpu.memory_space<hbm>>
      tpu.wait_indirect_dma semaphore(%arg14 : memref<!tpu.dma_semaphore, #tpu.memory_space<semaphore_mem>>) src(%dma_wait3A_1014 : memref<10000x128xf32, #tpu.memory_space<hbm>>) dst(%dma_wait3A_1008 : memref<80x128xf32, #tpu.memory_space<vmem>>)
      %add3A_1015 = arith.constant 1 : i32
      %add3A_1016 = arith.addi %add3A_945, %add3A_1015 : i32
      %lt3A_1017 = arith.constant 16 : i32
      %lt3A_1018 = arith.cmpi slt, %add3A_1016, %lt3A_1017 : i32
      %convert_element_type3A_1019 = arith.extui %lt3A_1018 : i1 to i32
      %cond3A_1020 = arith.constant 0 : i32
      %cond3A_1021 = arith.cmpi ne, %convert_element_type3A_1019, %cond3A_1020 : i32
      scf.if %cond3A_1021 {
        %add3A_1491 = arith.constant 1 : i32
        %add3A_1492 = arith.addi %add3A_945, %add3A_1491 : i32
        %dma_start3A_1493 = arith.constant 0 : i32
        %dma_start3A_1494 = arith.constant 0 : i32
        %dma_start3A_1495 = arith.constant 0 : i32
        %dma_start3A_1496 = arith.constant 0 : i32
        %dma_start3A_1497 = tpu.memref_slice %arg7[%dma_start3A_1493, %dma_start3A_1494, %dma_start3A_1495, %dma_start3A_1496] : memref<2x8x2x80xi32, #tpu.memory_space<vmem>> -> memref<1x8x2x80xi32, #tpu.memory_space<vmem>>
        %dma_start3A_1498 = tpu.memref_squeeze %dma_start3A_1497 : memref<1x8x2x80xi32, #tpu.memory_space<vmem>> -> memref<8x2x80xi32, #tpu.memory_space<vmem>>
        %dma_start3A_1499 = arith.constant 0 : i32
        %dma_start3A_1500 = arith.constant 0 : i32
        %dma_start3A_1501 = arith.constant 0 : i32
        %dma_start3A_1502 = tpu.memref_slice %arg3[%add3A, %add3A_1492, %dma_start3A_1499, %dma_start3A_1500, %dma_start3A_1501] : memref<32x16x8x2x80xi32, #tpu.memory_space<hbm>> -> memref<1x1x8x2x80xi32, #tpu.memory_space<hbm>>
        %dma_start3A_1503 = tpu.memref_squeeze %dma_start3A_1502 : memref<1x1x8x2x80xi32, #tpu.memory_space<hbm>> -> memref<8x2x80xi32, #tpu.memory_space<hbm>>
        %dma_start3A_1504 = arith.constant 0 : i32
        %dma_start3A_1505 = arith.constant 0 : i32
        %dma_start3A_1506 = arith.constant 0 : i32
        %dma_start3A_1507 = tpu.memref_slice %arg7[%dma_start3A_1493, %dma_start3A_1504, %dma_start3A_1505, %dma_start3A_1506] : memref<2x8x2x80xi32, #tpu.memory_space<vmem>> -> memref<1x8x2x80xi32, #tpu.memory_space<vmem>>
        %dma_start3A_1508 = tpu.memref_squeeze %dma_start3A_1507 : memref<1x8x2x80xi32, #tpu.memory_space<vmem>> -> memref<8x2x80xi32, #tpu.memory_space<vmem>>
        %dma_start3A_1509 = arith.constant 0 : i32
        %dma_start3A_1510 = arith.constant 0 : i32
        %dma_start3A_1511 = arith.constant 0 : i32
        %dma_start3A_1512 = tpu.memref_slice %arg3[%add3A, %add3A_1492, %dma_start3A_1509, %dma_start3A_1510, %dma_start3A_1511] : memref<32x16x8x2x80xi32, #tpu.memory_space<hbm>> -> memref<1x1x8x2x80xi32, #tpu.memory_space<hbm>>
        %dma_start3A_1513 = tpu.memref_squeeze %dma_start3A_1512 : memref<1x1x8x2x80xi32, #tpu.memory_space<hbm>> -> memref<8x2x80xi32, #tpu.memory_space<hbm>>
        tpu.enqueue_dma source(%dma_start3A_1513 : memref<8x2x80xi32, #tpu.memory_space<hbm>>) target(%dma_start3A_1508 : memref<8x2x80xi32, #tpu.memory_space<vmem>>) target_semaphore(%arg11 : memref<!tpu.dma_semaphore, #tpu.memory_space<semaphore_mem>>)
      } else {
      }
      %dma_wait3A_1022 = arith.constant 0 : i32
      %dma_wait3A_1023 = arith.constant 1 : i32
      %dma_wait3A_1024 = arith.constant 1 : i32
      %dma_wait3A_1025 = arith.constant 1 : i32
      %dma_wait3A_1026 = arith.constant 0 : i32
      %dma_wait3A_1027 = arith.constant 0 : i32
      %dma_wait3A_1028 = tpu.memref_slice %arg8[%dma_wait3A_1022, %dma_wait3A_1026, %dma_wait3A_1027] : memref<4x80x128xf32, #tpu.memory_space<vmem>> -> memref<1x80x128xf32, #tpu.memory_space<vmem>>
      %dma_wait3A_1029 = tpu.memref_squeeze %dma_wait3A_1028 : memref<1x80x128xf32, #tpu.memory_space<vmem>> -> memref<80x128xf32, #tpu.memory_space<vmem>>
      %dma_wait3A_1030 = arith.constant 0 : i32
      %dma_wait3A_1031 = tpu.memref_slice %arg7[%dma_wait3A_1023, %dma_wait3A_1024, %dma_wait3A_1025, %dma_wait3A_1030] : memref<2x8x2x80xi32, #tpu.memory_space<vmem>> -> memref<1x1x1x80xi32, #tpu.memory_space<vmem>>
      %dma_wait3A_1032 = tpu.memref_squeeze %dma_wait3A_1031 : memref<1x1x1x80xi32, #tpu.memory_space<vmem>> -> memref<80xi32, #tpu.memory_space<vmem>>
      %dma_wait3A_1033 = arith.constant 0 : i32
      %dma_wait3A_1034 = arith.constant 0 : i32
      %dma_wait3A_1035 = tpu.memref_slice %arg21[%dma_wait3A_1033, %dma_wait3A_1034] : memref<10240x128xf32, #tpu.memory_space<vmem_shared>> -> memref<10240x128xf32, #tpu.memory_space<vmem_shared>>
      tpu.wait_indirect_dma semaphore(%arg17 : memref<!tpu.dma_semaphore, #tpu.memory_space<semaphore_mem>>) src(%dma_wait3A_1029 : memref<80x128xf32, #tpu.memory_space<vmem>>) dst(%dma_wait3A_1035 : memref<10240x128xf32, #tpu.memory_space<vmem_shared>>)
      %dma_wait3A_1036 = arith.constant 1 : i32
      %dma_wait3A_1037 = arith.constant 1 : i32
      %dma_wait3A_1038 = arith.constant 1 : i32
      %dma_wait3A_1039 = arith.constant 0 : i32
      %dma_wait3A_1040 = tpu.memref_slice %arg7[%dma_wait3A_1036, %dma_wait3A_1037, %dma_wait3A_1038, %dma_wait3A_1039] : memref<2x8x2x80xi32, #tpu.memory_space<vmem>> -> memref<1x1x1x80xi32, #tpu.memory_space<vmem>>
      %dma_wait3A_1041 = tpu.memref_squeeze %dma_wait3A_1040 : memref<1x1x1x80xi32, #tpu.memory_space<vmem>> -> memref<80xi32, #tpu.memory_space<vmem>>
      %dma_wait3A_1042 = arith.constant 0 : i32
      %dma_wait3A_1043 = tpu.memref_slice %arg22[%dma_wait3A_1042] : memref<10240xf32, #tpu.memory_space<vmem_shared>> -> memref<10240xf32, #tpu.memory_space<vmem_shared>>
      tpu.wait_indirect_dma semaphore(%arg17 : memref<!tpu.dma_semaphore, #tpu.memory_space<semaphore_mem>>) src(%arg9 : memref<80xf32, #tpu.memory_space<vmem>>) dst(%dma_wait3A_1043 : memref<10240xf32, #tpu.memory_space<vmem_shared>>)
      %dma_start3A_1044 = arith.constant 1 : i32
      %dma_start3A_1045 = arith.constant 4 : i32
      %dma_start3A_1046 = arith.constant 0 : i32
      %dma_start3A_1047 = arith.constant 0 : i32
      %dma_start3A_1048 = arith.constant 0 : i32
      %dma_start3A_1049 = arith.constant 0 : i32
      %dma_start3A_1050 = tpu.memref_slice %arg8[%dma_start3A_1047, %dma_start3A_1048, %dma_start3A_1049] : memref<4x80x128xf32, #tpu.memory_space<vmem>> -> memref<1x80x128xf32, #tpu.memory_space<vmem>>
      %dma_start3A_1051 = tpu.memref_squeeze %dma_start3A_1050 : memref<1x80x128xf32, #tpu.memory_space<vmem>> -> memref<80x128xf32, #tpu.memory_space<vmem>>
      %dma_start3A_1052 = arith.constant 0 : i32
      %dma_start3A_1053 = tpu.memref_slice %arg7[%dma_start3A_1044, %dma_start3A_1045, %dma_start3A_1046, %dma_start3A_1052] : memref<2x8x2x80xi32, #tpu.memory_space<vmem>> -> memref<1x1x1x80xi32, #tpu.memory_space<vmem>>
      %dma_start3A_1054 = tpu.memref_squeeze %dma_start3A_1053 : memref<1x1x1x80xi32, #tpu.memory_space<vmem>> -> memref<80xi32, #tpu.memory_space<vmem>>
      %dma_start3A_1055 = arith.constant 0 : i32
      %dma_start3A_1056 = arith.constant 0 : i32
      %dma_start3A_1057 = tpu.memref_slice %arg2[%dma_start3A_1055, %dma_start3A_1056] : memref<10000x128xf32, #tpu.memory_space<hbm>> -> memref<10000x128xf32, #tpu.memory_space<hbm>>
      tpu.enqueue_indirect_dma source(%dma_start3A_1057 : memref<10000x128xf32, #tpu.memory_space<hbm>>) target(%dma_start3A_1051 : memref<80x128xf32, #tpu.memory_space<vmem>>) offsets(%dma_start3A_1054 : memref<80xi32, #tpu.memory_space<vmem>>) semaphore(%arg13 : memref<!tpu.dma_semaphore, #tpu.memory_space<semaphore_mem>>)
      %dma_start3A_1058 = arith.constant 1 : i32
      %dma_start3A_1059 = arith.constant 1 : i32
      %dma_start3A_1060 = arith.constant 1 : i32
      %dma_start3A_1061 = arith.constant 1 : i32
      %dma_start3A_1062 = arith.constant 0 : i32
      %dma_start3A_1063 = arith.constant 0 : i32
      %dma_start3A_1064 = tpu.memref_slice %arg8[%dma_start3A_1058, %dma_start3A_1062, %dma_start3A_1063] : memref<4x80x128xf32, #tpu.memory_space<vmem>> -> memref<1x80x128xf32, #tpu.memory_space<vmem>>
      %dma_start3A_1065 = tpu.memref_squeeze %dma_start3A_1064 : memref<1x80x128xf32, #tpu.memory_space<vmem>> -> memref<80x128xf32, #tpu.memory_space<vmem>>
      %dma_start3A_1066 = arith.constant 0 : i32
      %dma_start3A_1067 = tpu.memref_slice %arg7[%dma_start3A_1059, %dma_start3A_1060, %dma_start3A_1061, %dma_start3A_1066] : memref<2x8x2x80xi32, #tpu.memory_space<vmem>> -> memref<1x1x1x80xi32, #tpu.memory_space<vmem>>
      %dma_start3A_1068 = tpu.memref_squeeze %dma_start3A_1067 : memref<1x1x1x80xi32, #tpu.memory_space<vmem>> -> memref<80xi32, #tpu.memory_space<vmem>>
      %dma_start3A_1069 = arith.constant 0 : i32
      %dma_start3A_1070 = arith.constant 0 : i32
      %dma_start3A_1071 = tpu.memref_slice %arg21[%dma_start3A_1069, %dma_start3A_1070] : memref<10240x128xf32, #tpu.memory_space<vmem_shared>> -> memref<10240x128xf32, #tpu.memory_space<vmem_shared>>
      tpu.enqueue_indirect_dma source(%dma_start3A_1065 : memref<80x128xf32, #tpu.memory_space<vmem>>) target(%dma_start3A_1071 : memref<10240x128xf32, #tpu.memory_space<vmem_shared>>) offsets(%dma_start3A_1068 : memref<80xi32, #tpu.memory_space<vmem>>) semaphore(%arg18 : memref<!tpu.dma_semaphore, #tpu.memory_space<semaphore_mem>>) {add = true}
      %dma_start3A_1072 = arith.constant 1 : i32
      %dma_start3A_1073 = arith.constant 1 : i32
      %dma_start3A_1074 = arith.constant 1 : i32
      %dma_start3A_1075 = arith.constant 0 : i32
      %dma_start3A_1076 = tpu.memref_slice %arg7[%dma_start3A_1072, %dma_start3A_1073, %dma_start3A_1074, %dma_start3A_1075] : memref<2x8x2x80xi32, #tpu.memory_space<vmem>> -> memref<1x1x1x80xi32, #tpu.memory_space<vmem>>
      %dma_start3A_1077 = tpu.memref_squeeze %dma_start3A_1076 : memref<1x1x1x80xi32, #tpu.memory_space<vmem>> -> memref<80xi32, #tpu.memory_space<vmem>>
      %dma_start3A_1078 = arith.constant 0 : i32
      %dma_start3A_1079 = tpu.memref_slice %arg22[%dma_start3A_1078] : memref<10240xf32, #tpu.memory_space<vmem_shared>> -> memref<10240xf32, #tpu.memory_space<vmem_shared>>
      tpu.enqueue_indirect_dma source(%arg9 : memref<80xf32, #tpu.memory_space<vmem>>) target(%dma_start3A_1079 : memref<10240xf32, #tpu.memory_space<vmem_shared>>) offsets(%dma_start3A_1077 : memref<80xi32, #tpu.memory_space<vmem>>) semaphore(%arg18 : memref<!tpu.dma_semaphore, #tpu.memory_space<semaphore_mem>>) {add = true}
      %dma_wait3A_1080 = arith.constant 1 : i32
      %dma_wait3A_1081 = arith.constant 2 : i32
      %dma_wait3A_1082 = arith.constant 0 : i32
      %dma_wait3A_1083 = arith.constant 2 : i32
      %dma_wait3A_1084 = arith.constant 0 : i32
      %dma_wait3A_1085 = arith.constant 0 : i32
      %dma_wait3A_1086 = tpu.memref_slice %arg8[%dma_wait3A_1083, %dma_wait3A_1084, %dma_wait3A_1085] : memref<4x80x128xf32, #tpu.memory_space<vmem>> -> memref<1x80x128xf32, #tpu.memory_space<vmem>>
      %dma_wait3A_1087 = tpu.memref_squeeze %dma_wait3A_1086 : memref<1x80x128xf32, #tpu.memory_space<vmem>> -> memref<80x128xf32, #tpu.memory_space<vmem>>
      %dma_wait3A_1088 = arith.constant 0 : i32
      %dma_wait3A_1089 = tpu.memref_slice %arg7[%dma_wait3A_1080, %dma_wait3A_1081, %dma_wait3A_1082, %dma_wait3A_1088] : memref<2x8x2x80xi32, #tpu.memory_space<vmem>> -> memref<1x1x1x80xi32, #tpu.memory_space<vmem>>
      %dma_wait3A_1090 = tpu.memref_squeeze %dma_wait3A_1089 : memref<1x1x1x80xi32, #tpu.memory_space<vmem>> -> memref<80xi32, #tpu.memory_space<vmem>>
      %dma_wait3A_1091 = arith.constant 0 : i32
      %dma_wait3A_1092 = arith.constant 0 : i32
      %dma_wait3A_1093 = tpu.memref_slice %arg2[%dma_wait3A_1091, %dma_wait3A_1092] : memref<10000x128xf32, #tpu.memory_space<hbm>> -> memref<10000x128xf32, #tpu.memory_space<hbm>>
      tpu.wait_indirect_dma semaphore(%arg15 : memref<!tpu.dma_semaphore, #tpu.memory_space<semaphore_mem>>) src(%dma_wait3A_1093 : memref<10000x128xf32, #tpu.memory_space<hbm>>) dst(%dma_wait3A_1087 : memref<80x128xf32, #tpu.memory_space<vmem>>)
      %dma_wait3A_1094 = arith.constant 1 : i32
      %dma_wait3A_1095 = arith.constant 1 : i32
      %dma_wait3A_1096 = arith.constant 2 : i32
      %dma_wait3A_1097 = arith.constant 1 : i32
      %dma_wait3A_1098 = arith.constant 0 : i32
      %dma_wait3A_1099 = arith.constant 0 : i32
      %dma_wait3A_1100 = tpu.memref_slice %arg8[%dma_wait3A_1094, %dma_wait3A_1098, %dma_wait3A_1099] : memref<4x80x128xf32, #tpu.memory_space<vmem>> -> memref<1x80x128xf32, #tpu.memory_space<vmem>>
      %dma_wait3A_1101 = tpu.memref_squeeze %dma_wait3A_1100 : memref<1x80x128xf32, #tpu.memory_space<vmem>> -> memref<80x128xf32, #tpu.memory_space<vmem>>
      %dma_wait3A_1102 = arith.constant 0 : i32
      %dma_wait3A_1103 = tpu.memref_slice %arg7[%dma_wait3A_1095, %dma_wait3A_1096, %dma_wait3A_1097, %dma_wait3A_1102] : memref<2x8x2x80xi32, #tpu.memory_space<vmem>> -> memref<1x1x1x80xi32, #tpu.memory_space<vmem>>
      %dma_wait3A_1104 = tpu.memref_squeeze %dma_wait3A_1103 : memref<1x1x1x80xi32, #tpu.memory_space<vmem>> -> memref<80xi32, #tpu.memory_space<vmem>>
      %dma_wait3A_1105 = arith.constant 0 : i32
      %dma_wait3A_1106 = arith.constant 0 : i32
      %dma_wait3A_1107 = tpu.memref_slice %arg21[%dma_wait3A_1105, %dma_wait3A_1106] : memref<10240x128xf32, #tpu.memory_space<vmem_shared>> -> memref<10240x128xf32, #tpu.memory_space<vmem_shared>>
      tpu.wait_indirect_dma semaphore(%arg18 : memref<!tpu.dma_semaphore, #tpu.memory_space<semaphore_mem>>) src(%dma_wait3A_1101 : memref<80x128xf32, #tpu.memory_space<vmem>>) dst(%dma_wait3A_1107 : memref<10240x128xf32, #tpu.memory_space<vmem_shared>>)
      %dma_wait3A_1108 = arith.constant 1 : i32
      %dma_wait3A_1109 = arith.constant 2 : i32
      %dma_wait3A_1110 = arith.constant 1 : i32
      %dma_wait3A_1111 = arith.constant 0 : i32
      %dma_wait3A_1112 = tpu.memref_slice %arg7[%dma_wait3A_1108, %dma_wait3A_1109, %dma_wait3A_1110, %dma_wait3A_1111] : memref<2x8x2x80xi32, #tpu.memory_space<vmem>> -> memref<1x1x1x80xi32, #tpu.memory_space<vmem>>
      %dma_wait3A_1113 = tpu.memref_squeeze %dma_wait3A_1112 : memref<1x1x1x80xi32, #tpu.memory_space<vmem>> -> memref<80xi32, #tpu.memory_space<vmem>>
      %dma_wait3A_1114 = arith.constant 0 : i32
      %dma_wait3A_1115 = tpu.memref_slice %arg22[%dma_wait3A_1114] : memref<10240xf32, #tpu.memory_space<vmem_shared>> -> memref<10240xf32, #tpu.memory_space<vmem_shared>>
      tpu.wait_indirect_dma semaphore(%arg18 : memref<!tpu.dma_semaphore, #tpu.memory_space<semaphore_mem>>) src(%arg9 : memref<80xf32, #tpu.memory_space<vmem>>) dst(%dma_wait3A_1115 : memref<10240xf32, #tpu.memory_space<vmem_shared>>)
      %dma_start3A_1116 = arith.constant 1 : i32
      %dma_start3A_1117 = arith.constant 5 : i32
      %dma_start3A_1118 = arith.constant 0 : i32
      %dma_start3A_1119 = arith.constant 1 : i32
      %dma_start3A_1120 = arith.constant 0 : i32
      %dma_start3A_1121 = arith.constant 0 : i32
      %dma_start3A_1122 = tpu.memref_slice %arg8[%dma_start3A_1119, %dma_start3A_1120, %dma_start3A_1121] : memref<4x80x128xf32, #tpu.memory_space<vmem>> -> memref<1x80x128xf32, #tpu.memory_space<vmem>>
      %dma_start3A_1123 = tpu.memref_squeeze %dma_start3A_1122 : memref<1x80x128xf32, #tpu.memory_space<vmem>> -> memref<80x128xf32, #tpu.memory_space<vmem>>
      %dma_start3A_1124 = arith.constant 0 : i32
      %dma_start3A_1125 = tpu.memref_slice %arg7[%dma_start3A_1116, %dma_start3A_1117, %dma_start3A_1118, %dma_start3A_1124] : memref<2x8x2x80xi32, #tpu.memory_space<vmem>> -> memref<1x1x1x80xi32, #tpu.memory_space<vmem>>
      %dma_start3A_1126 = tpu.memref_squeeze %dma_start3A_1125 : memref<1x1x1x80xi32, #tpu.memory_space<vmem>> -> memref<80xi32, #tpu.memory_space<vmem>>
      %dma_start3A_1127 = arith.constant 0 : i32
      %dma_start3A_1128 = arith.constant 0 : i32
      %dma_start3A_1129 = tpu.memref_slice %arg2[%dma_start3A_1127, %dma_start3A_1128] : memref<10000x128xf32, #tpu.memory_space<hbm>> -> memref<10000x128xf32, #tpu.memory_space<hbm>>
      tpu.enqueue_indirect_dma source(%dma_start3A_1129 : memref<10000x128xf32, #tpu.memory_space<hbm>>) target(%dma_start3A_1123 : memref<80x128xf32, #tpu.memory_space<vmem>>) offsets(%dma_start3A_1126 : memref<80xi32, #tpu.memory_space<vmem>>) semaphore(%arg14 : memref<!tpu.dma_semaphore, #tpu.memory_space<semaphore_mem>>)
      %dma_start3A_1130 = arith.constant 2 : i32
      %dma_start3A_1131 = arith.constant 1 : i32
      %dma_start3A_1132 = arith.constant 2 : i32
      %dma_start3A_1133 = arith.constant 1 : i32
      %dma_start3A_1134 = arith.constant 0 : i32
      %dma_start3A_1135 = arith.constant 0 : i32
      %dma_start3A_1136 = tpu.memref_slice %arg8[%dma_start3A_1130, %dma_start3A_1134, %dma_start3A_1135] : memref<4x80x128xf32, #tpu.memory_space<vmem>> -> memref<1x80x128xf32, #tpu.memory_space<vmem>>
      %dma_start3A_1137 = tpu.memref_squeeze %dma_start3A_1136 : memref<1x80x128xf32, #tpu.memory_space<vmem>> -> memref<80x128xf32, #tpu.memory_space<vmem>>
      %dma_start3A_1138 = arith.constant 0 : i32
      %dma_start3A_1139 = tpu.memref_slice %arg7[%dma_start3A_1131, %dma_start3A_1132, %dma_start3A_1133, %dma_start3A_1138] : memref<2x8x2x80xi32, #tpu.memory_space<vmem>> -> memref<1x1x1x80xi32, #tpu.memory_space<vmem>>
      %dma_start3A_1140 = tpu.memref_squeeze %dma_start3A_1139 : memref<1x1x1x80xi32, #tpu.memory_space<vmem>> -> memref<80xi32, #tpu.memory_space<vmem>>
      %dma_start3A_1141 = arith.constant 0 : i32
      %dma_start3A_1142 = arith.constant 0 : i32
      %dma_start3A_1143 = tpu.memref_slice %arg21[%dma_start3A_1141, %dma_start3A_1142] : memref<10240x128xf32, #tpu.memory_space<vmem_shared>> -> memref<10240x128xf32, #tpu.memory_space<vmem_shared>>
      tpu.enqueue_indirect_dma source(%dma_start3A_1137 : memref<80x128xf32, #tpu.memory_space<vmem>>) target(%dma_start3A_1143 : memref<10240x128xf32, #tpu.memory_space<vmem_shared>>) offsets(%dma_start3A_1140 : memref<80xi32, #tpu.memory_space<vmem>>) semaphore(%arg19 : memref<!tpu.dma_semaphore, #tpu.memory_space<semaphore_mem>>) {add = true}
      %dma_start3A_1144 = arith.constant 1 : i32
      %dma_start3A_1145 = arith.constant 2 : i32
      %dma_start3A_1146 = arith.constant 1 : i32
      %dma_start3A_1147 = arith.constant 0 : i32
      %dma_start3A_1148 = tpu.memref_slice %arg7[%dma_start3A_1144, %dma_start3A_1145, %dma_start3A_1146, %dma_start3A_1147] : memref<2x8x2x80xi32, #tpu.memory_space<vmem>> -> memref<1x1x1x80xi32, #tpu.memory_space<vmem>>
      %dma_start3A_1149 = tpu.memref_squeeze %dma_start3A_1148 : memref<1x1x1x80xi32, #tpu.memory_space<vmem>> -> memref<80xi32, #tpu.memory_space<vmem>>
      %dma_start3A_1150 = arith.constant 0 : i32
      %dma_start3A_1151 = tpu.memref_slice %arg22[%dma_start3A_1150] : memref<10240xf32, #tpu.memory_space<vmem_shared>> -> memref<10240xf32, #tpu.memory_space<vmem_shared>>
      tpu.enqueue_indirect_dma source(%arg9 : memref<80xf32, #tpu.memory_space<vmem>>) target(%dma_start3A_1151 : memref<10240xf32, #tpu.memory_space<vmem_shared>>) offsets(%dma_start3A_1149 : memref<80xi32, #tpu.memory_space<vmem>>) semaphore(%arg19 : memref<!tpu.dma_semaphore, #tpu.memory_space<semaphore_mem>>) {add = true}
      %dma_wait3A_1152 = arith.constant 1 : i32
      %dma_wait3A_1153 = arith.constant 3 : i32
      %dma_wait3A_1154 = arith.constant 0 : i32
      %dma_wait3A_1155 = arith.constant 3 : i32
      %dma_wait3A_1156 = arith.constant 0 : i32
      %dma_wait3A_1157 = arith.constant 0 : i32
      %dma_wait3A_1158 = tpu.memref_slice %arg8[%dma_wait3A_1155, %dma_wait3A_1156, %dma_wait3A_1157] : memref<4x80x128xf32, #tpu.memory_space<vmem>> -> memref<1x80x128xf32, #tpu.memory_space<vmem>>
      %dma_wait3A_1159 = tpu.memref_squeeze %dma_wait3A_1158 : memref<1x80x128xf32, #tpu.memory_space<vmem>> -> memref<80x128xf32, #tpu.memory_space<vmem>>
      %dma_wait3A_1160 = arith.constant 0 : i32
      %dma_wait3A_1161 = tpu.memref_slice %arg7[%dma_wait3A_1152, %dma_wait3A_1153, %dma_wait3A_1154, %dma_wait3A_1160] : memref<2x8x2x80xi32, #tpu.memory_space<vmem>> -> memref<1x1x1x80xi32, #tpu.memory_space<vmem>>
      %dma_wait3A_1162 = tpu.memref_squeeze %dma_wait3A_1161 : memref<1x1x1x80xi32, #tpu.memory_space<vmem>> -> memref<80xi32, #tpu.memory_space<vmem>>
      %dma_wait3A_1163 = arith.constant 0 : i32
      %dma_wait3A_1164 = arith.constant 0 : i32
      %dma_wait3A_1165 = tpu.memref_slice %arg2[%dma_wait3A_1163, %dma_wait3A_1164] : memref<10000x128xf32, #tpu.memory_space<hbm>> -> memref<10000x128xf32, #tpu.memory_space<hbm>>
      tpu.wait_indirect_dma semaphore(%arg16 : memref<!tpu.dma_semaphore, #tpu.memory_space<semaphore_mem>>) src(%dma_wait3A_1165 : memref<10000x128xf32, #tpu.memory_space<hbm>>) dst(%dma_wait3A_1159 : memref<80x128xf32, #tpu.memory_space<vmem>>)
      %dma_wait3A_1166 = arith.constant 2 : i32
      %dma_wait3A_1167 = arith.constant 1 : i32
      %dma_wait3A_1168 = arith.constant 3 : i32
      %dma_wait3A_1169 = arith.constant 1 : i32
      %dma_wait3A_1170 = arith.constant 0 : i32
      %dma_wait3A_1171 = arith.constant 0 : i32
      %dma_wait3A_1172 = tpu.memref_slice %arg8[%dma_wait3A_1166, %dma_wait3A_1170, %dma_wait3A_1171] : memref<4x80x128xf32, #tpu.memory_space<vmem>> -> memref<1x80x128xf32, #tpu.memory_space<vmem>>
      %dma_wait3A_1173 = tpu.memref_squeeze %dma_wait3A_1172 : memref<1x80x128xf32, #tpu.memory_space<vmem>> -> memref<80x128xf32, #tpu.memory_space<vmem>>
      %dma_wait3A_1174 = arith.constant 0 : i32
      %dma_wait3A_1175 = tpu.memref_slice %arg7[%dma_wait3A_1167, %dma_wait3A_1168, %dma_wait3A_1169, %dma_wait3A_1174] : memref<2x8x2x80xi32, #tpu.memory_space<vmem>> -> memref<1x1x1x80xi32, #tpu.memory_space<vmem>>
      %dma_wait3A_1176 = tpu.memref_squeeze %dma_wait3A_1175 : memref<1x1x1x80xi32, #tpu.memory_space<vmem>> -> memref<80xi32, #tpu.memory_space<vmem>>
      %dma_wait3A_1177 = arith.constant 0 : i32
      %dma_wait3A_1178 = arith.constant 0 : i32
      %dma_wait3A_1179 = tpu.memref_slice %arg21[%dma_wait3A_1177, %dma_wait3A_1178] : memref<10240x128xf32, #tpu.memory_space<vmem_shared>> -> memref<10240x128xf32, #tpu.memory_space<vmem_shared>>
      tpu.wait_indirect_dma semaphore(%arg19 : memref<!tpu.dma_semaphore, #tpu.memory_space<semaphore_mem>>) src(%dma_wait3A_1173 : memref<80x128xf32, #tpu.memory_space<vmem>>) dst(%dma_wait3A_1179 : memref<10240x128xf32, #tpu.memory_space<vmem_shared>>)
      %dma_wait3A_1180 = arith.constant 1 : i32
      %dma_wait3A_1181 = arith.constant 3 : i32
      %dma_wait3A_1182 = arith.constant 1 : i32
      %dma_wait3A_1183 = arith.constant 0 : i32
      %dma_wait3A_1184 = tpu.memref_slice %arg7[%dma_wait3A_1180, %dma_wait3A_1181, %dma_wait3A_1182, %dma_wait3A_1183] : memref<2x8x2x80xi32, #tpu.memory_space<vmem>> -> memref<1x1x1x80xi32, #tpu.memory_space<vmem>>
      %dma_wait3A_1185 = tpu.memref_squeeze %dma_wait3A_1184 : memref<1x1x1x80xi32, #tpu.memory_space<vmem>> -> memref<80xi32, #tpu.memory_space<vmem>>
      %dma_wait3A_1186 = arith.constant 0 : i32
      %dma_wait3A_1187 = tpu.memref_slice %arg22[%dma_wait3A_1186] : memref<10240xf32, #tpu.memory_space<vmem_shared>> -> memref<10240xf32, #tpu.memory_space<vmem_shared>>
      tpu.wait_indirect_dma semaphore(%arg19 : memref<!tpu.dma_semaphore, #tpu.memory_space<semaphore_mem>>) src(%arg9 : memref<80xf32, #tpu.memory_space<vmem>>) dst(%dma_wait3A_1187 : memref<10240xf32, #tpu.memory_space<vmem_shared>>)
      %dma_start3A_1188 = arith.constant 1 : i32
      %dma_start3A_1189 = arith.constant 6 : i32
      %dma_start3A_1190 = arith.constant 0 : i32
      %dma_start3A_1191 = arith.constant 2 : i32
      %dma_start3A_1192 = arith.constant 0 : i32
      %dma_start3A_1193 = arith.constant 0 : i32
      %dma_start3A_1194 = tpu.memref_slice %arg8[%dma_start3A_1191, %dma_start3A_1192, %dma_start3A_1193] : memref<4x80x128xf32, #tpu.memory_space<vmem>> -> memref<1x80x128xf32, #tpu.memory_space<vmem>>
      %dma_start3A_1195 = tpu.memref_squeeze %dma_start3A_1194 : memref<1x80x128xf32, #tpu.memory_space<vmem>> -> memref<80x128xf32, #tpu.memory_space<vmem>>
      %dma_start3A_1196 = arith.constant 0 : i32
      %dma_start3A_1197 = tpu.memref_slice %arg7[%dma_start3A_1188, %dma_start3A_1189, %dma_start3A_1190, %dma_start3A_1196] : memref<2x8x2x80xi32, #tpu.memory_space<vmem>> -> memref<1x1x1x80xi32, #tpu.memory_space<vmem>>
      %dma_start3A_1198 = tpu.memref_squeeze %dma_start3A_1197 : memref<1x1x1x80xi32, #tpu.memory_space<vmem>> -> memref<80xi32, #tpu.memory_space<vmem>>
      %dma_start3A_1199 = arith.constant 0 : i32
      %dma_start3A_1200 = arith.constant 0 : i32
      %dma_start3A_1201 = tpu.memref_slice %arg2[%dma_start3A_1199, %dma_start3A_1200] : memref<10000x128xf32, #tpu.memory_space<hbm>> -> memref<10000x128xf32, #tpu.memory_space<hbm>>
      tpu.enqueue_indirect_dma source(%dma_start3A_1201 : memref<10000x128xf32, #tpu.memory_space<hbm>>) target(%dma_start3A_1195 : memref<80x128xf32, #tpu.memory_space<vmem>>) offsets(%dma_start3A_1198 : memref<80xi32, #tpu.memory_space<vmem>>) semaphore(%arg15 : memref<!tpu.dma_semaphore, #tpu.memory_space<semaphore_mem>>)
      %dma_start3A_1202 = arith.constant 3 : i32
      %dma_start3A_1203 = arith.constant 1 : i32
      %dma_start3A_1204 = arith.constant 3 : i32
      %dma_start3A_1205 = arith.constant 1 : i32
      %dma_start3A_1206 = arith.constant 0 : i32
      %dma_start3A_1207 = arith.constant 0 : i32
      %dma_start3A_1208 = tpu.memref_slice %arg8[%dma_start3A_1202, %dma_start3A_1206, %dma_start3A_1207] : memref<4x80x128xf32, #tpu.memory_space<vmem>> -> memref<1x80x128xf32, #tpu.memory_space<vmem>>
      %dma_start3A_1209 = tpu.memref_squeeze %dma_start3A_1208 : memref<1x80x128xf32, #tpu.memory_space<vmem>> -> memref<80x128xf32, #tpu.memory_space<vmem>>
      %dma_start3A_1210 = arith.constant 0 : i32
      %dma_start3A_1211 = tpu.memref_slice %arg7[%dma_start3A_1203, %dma_start3A_1204, %dma_start3A_1205, %dma_start3A_1210] : memref<2x8x2x80xi32, #tpu.memory_space<vmem>> -> memref<1x1x1x80xi32, #tpu.memory_space<vmem>>
      %dma_start3A_1212 = tpu.memref_squeeze %dma_start3A_1211 : memref<1x1x1x80xi32, #tpu.memory_space<vmem>> -> memref<80xi32, #tpu.memory_space<vmem>>
      %dma_start3A_1213 = arith.constant 0 : i32
      %dma_start3A_1214 = arith.constant 0 : i32
      %dma_start3A_1215 = tpu.memref_slice %arg21[%dma_start3A_1213, %dma_start3A_1214] : memref<10240x128xf32, #tpu.memory_space<vmem_shared>> -> memref<10240x128xf32, #tpu.memory_space<vmem_shared>>
      tpu.enqueue_indirect_dma source(%dma_start3A_1209 : memref<80x128xf32, #tpu.memory_space<vmem>>) target(%dma_start3A_1215 : memref<10240x128xf32, #tpu.memory_space<vmem_shared>>) offsets(%dma_start3A_1212 : memref<80xi32, #tpu.memory_space<vmem>>) semaphore(%arg20 : memref<!tpu.dma_semaphore, #tpu.memory_space<semaphore_mem>>) {add = true}
      %dma_start3A_1216 = arith.constant 1 : i32
      %dma_start3A_1217 = arith.constant 3 : i32
      %dma_start3A_1218 = arith.constant 1 : i32
      %dma_start3A_1219 = arith.constant 0 : i32
      %dma_start3A_1220 = tpu.memref_slice %arg7[%dma_start3A_1216, %dma_start3A_1217, %dma_start3A_1218, %dma_start3A_1219] : memref<2x8x2x80xi32, #tpu.memory_space<vmem>> -> memref<1x1x1x80xi32, #tpu.memory_space<vmem>>
      %dma_start3A_1221 = tpu.memref_squeeze %dma_start3A_1220 : memref<1x1x1x80xi32, #tpu.memory_space<vmem>> -> memref<80xi32, #tpu.memory_space<vmem>>
      %dma_start3A_1222 = arith.constant 0 : i32
      %dma_start3A_1223 = tpu.memref_slice %arg22[%dma_start3A_1222] : memref<10240xf32, #tpu.memory_space<vmem_shared>> -> memref<10240xf32, #tpu.memory_space<vmem_shared>>
      tpu.enqueue_indirect_dma source(%arg9 : memref<80xf32, #tpu.memory_space<vmem>>) target(%dma_start3A_1223 : memref<10240xf32, #tpu.memory_space<vmem_shared>>) offsets(%dma_start3A_1221 : memref<80xi32, #tpu.memory_space<vmem>>) semaphore(%arg20 : memref<!tpu.dma_semaphore, #tpu.memory_space<semaphore_mem>>) {add = true}
      %dma_wait3A_1224 = arith.constant 1 : i32
      %dma_wait3A_1225 = arith.constant 4 : i32
      %dma_wait3A_1226 = arith.constant 0 : i32
      %dma_wait3A_1227 = arith.constant 0 : i32
      %dma_wait3A_1228 = arith.constant 0 : i32
      %dma_wait3A_1229 = arith.constant 0 : i32
      %dma_wait3A_1230 = tpu.memref_slice %arg8[%dma_wait3A_1227, %dma_wait3A_1228, %dma_wait3A_1229] : memref<4x80x128xf32, #tpu.memory_space<vmem>> -> memref<1x80x128xf32, #tpu.memory_space<vmem>>
      %dma_wait3A_1231 = tpu.memref_squeeze %dma_wait3A_1230 : memref<1x80x128xf32, #tpu.memory_space<vmem>> -> memref<80x128xf32, #tpu.memory_space<vmem>>
      %dma_wait3A_1232 = arith.constant 0 : i32
      %dma_wait3A_1233 = tpu.memref_slice %arg7[%dma_wait3A_1224, %dma_wait3A_1225, %dma_wait3A_1226, %dma_wait3A_1232] : memref<2x8x2x80xi32, #tpu.memory_space<vmem>> -> memref<1x1x1x80xi32, #tpu.memory_space<vmem>>
      %dma_wait3A_1234 = tpu.memref_squeeze %dma_wait3A_1233 : memref<1x1x1x80xi32, #tpu.memory_space<vmem>> -> memref<80xi32, #tpu.memory_space<vmem>>
      %dma_wait3A_1235 = arith.constant 0 : i32
      %dma_wait3A_1236 = arith.constant 0 : i32
      %dma_wait3A_1237 = tpu.memref_slice %arg2[%dma_wait3A_1235, %dma_wait3A_1236] : memref<10000x128xf32, #tpu.memory_space<hbm>> -> memref<10000x128xf32, #tpu.memory_space<hbm>>
      tpu.wait_indirect_dma semaphore(%arg13 : memref<!tpu.dma_semaphore, #tpu.memory_space<semaphore_mem>>) src(%dma_wait3A_1237 : memref<10000x128xf32, #tpu.memory_space<hbm>>) dst(%dma_wait3A_1231 : memref<80x128xf32, #tpu.memory_space<vmem>>)
      %dma_wait3A_1238 = arith.constant 3 : i32
      %dma_wait3A_1239 = arith.constant 1 : i32
      %dma_wait3A_1240 = arith.constant 4 : i32
      %dma_wait3A_1241 = arith.constant 1 : i32
      %dma_wait3A_1242 = arith.constant 0 : i32
      %dma_wait3A_1243 = arith.constant 0 : i32
      %dma_wait3A_1244 = tpu.memref_slice %arg8[%dma_wait3A_1238, %dma_wait3A_1242, %dma_wait3A_1243] : memref<4x80x128xf32, #tpu.memory_space<vmem>> -> memref<1x80x128xf32, #tpu.memory_space<vmem>>
      %dma_wait3A_1245 = tpu.memref_squeeze %dma_wait3A_1244 : memref<1x80x128xf32, #tpu.memory_space<vmem>> -> memref<80x128xf32, #tpu.memory_space<vmem>>
      %dma_wait3A_1246 = arith.constant 0 : i32
      %dma_wait3A_1247 = tpu.memref_slice %arg7[%dma_wait3A_1239, %dma_wait3A_1240, %dma_wait3A_1241, %dma_wait3A_1246] : memref<2x8x2x80xi32, #tpu.memory_space<vmem>> -> memref<1x1x1x80xi32, #tpu.memory_space<vmem>>
      %dma_wait3A_1248 = tpu.memref_squeeze %dma_wait3A_1247 : memref<1x1x1x80xi32, #tpu.memory_space<vmem>> -> memref<80xi32, #tpu.memory_space<vmem>>
      %dma_wait3A_1249 = arith.constant 0 : i32
      %dma_wait3A_1250 = arith.constant 0 : i32
      %dma_wait3A_1251 = tpu.memref_slice %arg21[%dma_wait3A_1249, %dma_wait3A_1250] : memref<10240x128xf32, #tpu.memory_space<vmem_shared>> -> memref<10240x128xf32, #tpu.memory_space<vmem_shared>>
      tpu.wait_indirect_dma semaphore(%arg20 : memref<!tpu.dma_semaphore, #tpu.memory_space<semaphore_mem>>) src(%dma_wait3A_1245 : memref<80x128xf32, #tpu.memory_space<vmem>>) dst(%dma_wait3A_1251 : memref<10240x128xf32, #tpu.memory_space<vmem_shared>>)
      %dma_wait3A_1252 = arith.constant 1 : i32
      %dma_wait3A_1253 = arith.constant 4 : i32
      %dma_wait3A_1254 = arith.constant 1 : i32
      %dma_wait3A_1255 = arith.constant 0 : i32
      %dma_wait3A_1256 = tpu.memref_slice %arg7[%dma_wait3A_1252, %dma_wait3A_1253, %dma_wait3A_1254, %dma_wait3A_1255] : memref<2x8x2x80xi32, #tpu.memory_space<vmem>> -> memref<1x1x1x80xi32, #tpu.memory_space<vmem>>
      %dma_wait3A_1257 = tpu.memref_squeeze %dma_wait3A_1256 : memref<1x1x1x80xi32, #tpu.memory_space<vmem>> -> memref<80xi32, #tpu.memory_space<vmem>>
      %dma_wait3A_1258 = arith.constant 0 : i32
      %dma_wait3A_1259 = tpu.memref_slice %arg22[%dma_wait3A_1258] : memref<10240xf32, #tpu.memory_space<vmem_shared>> -> memref<10240xf32, #tpu.memory_space<vmem_shared>>
      tpu.wait_indirect_dma semaphore(%arg20 : memref<!tpu.dma_semaphore, #tpu.memory_space<semaphore_mem>>) src(%arg9 : memref<80xf32, #tpu.memory_space<vmem>>) dst(%dma_wait3A_1259 : memref<10240xf32, #tpu.memory_space<vmem_shared>>)
      %dma_start3A_1260 = arith.constant 1 : i32
      %dma_start3A_1261 = arith.constant 7 : i32
      %dma_start3A_1262 = arith.constant 0 : i32
      %dma_start3A_1263 = arith.constant 3 : i32
      %dma_start3A_1264 = arith.constant 0 : i32
      %dma_start3A_1265 = arith.constant 0 : i32
      %dma_start3A_1266 = tpu.memref_slice %arg8[%dma_start3A_1263, %dma_start3A_1264, %dma_start3A_1265] : memref<4x80x128xf32, #tpu.memory_space<vmem>> -> memref<1x80x128xf32, #tpu.memory_space<vmem>>
      %dma_start3A_1267 = tpu.memref_squeeze %dma_start3A_1266 : memref<1x80x128xf32, #tpu.memory_space<vmem>> -> memref<80x128xf32, #tpu.memory_space<vmem>>
      %dma_start3A_1268 = arith.constant 0 : i32
      %dma_start3A_1269 = tpu.memref_slice %arg7[%dma_start3A_1260, %dma_start3A_1261, %dma_start3A_1262, %dma_start3A_1268] : memref<2x8x2x80xi32, #tpu.memory_space<vmem>> -> memref<1x1x1x80xi32, #tpu.memory_space<vmem>>
      %dma_start3A_1270 = tpu.memref_squeeze %dma_start3A_1269 : memref<1x1x1x80xi32, #tpu.memory_space<vmem>> -> memref<80xi32, #tpu.memory_space<vmem>>
      %dma_start3A_1271 = arith.constant 0 : i32
      %dma_start3A_1272 = arith.constant 0 : i32
      %dma_start3A_1273 = tpu.memref_slice %arg2[%dma_start3A_1271, %dma_start3A_1272] : memref<10000x128xf32, #tpu.memory_space<hbm>> -> memref<10000x128xf32, #tpu.memory_space<hbm>>
      tpu.enqueue_indirect_dma source(%dma_start3A_1273 : memref<10000x128xf32, #tpu.memory_space<hbm>>) target(%dma_start3A_1267 : memref<80x128xf32, #tpu.memory_space<vmem>>) offsets(%dma_start3A_1270 : memref<80xi32, #tpu.memory_space<vmem>>) semaphore(%arg16 : memref<!tpu.dma_semaphore, #tpu.memory_space<semaphore_mem>>)
      %dma_start3A_1274 = arith.constant 0 : i32
      %dma_start3A_1275 = arith.constant 1 : i32
      %dma_start3A_1276 = arith.constant 4 : i32
      %dma_start3A_1277 = arith.constant 1 : i32
      %dma_start3A_1278 = arith.constant 0 : i32
      %dma_start3A_1279 = arith.constant 0 : i32
      %dma_start3A_1280 = tpu.memref_slice %arg8[%dma_start3A_1274, %dma_start3A_1278, %dma_start3A_1279] : memref<4x80x128xf32, #tpu.memory_space<vmem>> -> memref<1x80x128xf32, #tpu.memory_space<vmem>>
      %dma_start3A_1281 = tpu.memref_squeeze %dma_start3A_1280 : memref<1x80x128xf32, #tpu.memory_space<vmem>> -> memref<80x128xf32, #tpu.memory_space<vmem>>
      %dma_start3A_1282 = arith.constant 0 : i32
      %dma_start3A_1283 = tpu.memref_slice %arg7[%dma_start3A_1275, %dma_start3A_1276, %dma_start3A_1277, %dma_start3A_1282] : memref<2x8x2x80xi32, #tpu.memory_space<vmem>> -> memref<1x1x1x80xi32, #tpu.memory_space<vmem>>
      %dma_start3A_1284 = tpu.memref_squeeze %dma_start3A_1283 : memref<1x1x1x80xi32, #tpu.memory_space<vmem>> -> memref<80xi32, #tpu.memory_space<vmem>>
      %dma_start3A_1285 = arith.constant 0 : i32
      %dma_start3A_1286 = arith.constant 0 : i32
      %dma_start3A_1287 = tpu.memref_slice %arg21[%dma_start3A_1285, %dma_start3A_1286] : memref<10240x128xf32, #tpu.memory_space<vmem_shared>> -> memref<10240x128xf32, #tpu.memory_space<vmem_shared>>
      tpu.enqueue_indirect_dma source(%dma_start3A_1281 : memref<80x128xf32, #tpu.memory_space<vmem>>) target(%dma_start3A_1287 : memref<10240x128xf32, #tpu.memory_space<vmem_shared>>) offsets(%dma_start3A_1284 : memref<80xi32, #tpu.memory_space<vmem>>) semaphore(%arg17 : memref<!tpu.dma_semaphore, #tpu.memory_space<semaphore_mem>>) {add = true}
      %dma_start3A_1288 = arith.constant 1 : i32
      %dma_start3A_1289 = arith.constant 4 : i32
      %dma_start3A_1290 = arith.constant 1 : i32
      %dma_start3A_1291 = arith.constant 0 : i32
      %dma_start3A_1292 = tpu.memref_slice %arg7[%dma_start3A_1288, %dma_start3A_1289, %dma_start3A_1290, %dma_start3A_1291] : memref<2x8x2x80xi32, #tpu.memory_space<vmem>> -> memref<1x1x1x80xi32, #tpu.memory_space<vmem>>
      %dma_start3A_1293 = tpu.memref_squeeze %dma_start3A_1292 : memref<1x1x1x80xi32, #tpu.memory_space<vmem>> -> memref<80xi32, #tpu.memory_space<vmem>>
      %dma_start3A_1294 = arith.constant 0 : i32
      %dma_start3A_1295 = tpu.memref_slice %arg22[%dma_start3A_1294] : memref<10240xf32, #tpu.memory_space<vmem_shared>> -> memref<10240xf32, #tpu.memory_space<vmem_shared>>
      tpu.enqueue_indirect_dma source(%arg9 : memref<80xf32, #tpu.memory_space<vmem>>) target(%dma_start3A_1295 : memref<10240xf32, #tpu.memory_space<vmem_shared>>) offsets(%dma_start3A_1293 : memref<80xi32, #tpu.memory_space<vmem>>) semaphore(%arg17 : memref<!tpu.dma_semaphore, #tpu.memory_space<semaphore_mem>>) {add = true}
      %dma_wait3A_1296 = arith.constant 1 : i32
      %dma_wait3A_1297 = arith.constant 5 : i32
      %dma_wait3A_1298 = arith.constant 0 : i32
      %dma_wait3A_1299 = arith.constant 1 : i32
      %dma_wait3A_1300 = arith.constant 0 : i32
      %dma_wait3A_1301 = arith.constant 0 : i32
      %dma_wait3A_1302 = tpu.memref_slice %arg8[%dma_wait3A_1299, %dma_wait3A_1300, %dma_wait3A_1301] : memref<4x80x128xf32, #tpu.memory_space<vmem>> -> memref<1x80x128xf32, #tpu.memory_space<vmem>>
      %dma_wait3A_1303 = tpu.memref_squeeze %dma_wait3A_1302 : memref<1x80x128xf32, #tpu.memory_space<vmem>> -> memref<80x128xf32, #tpu.memory_space<vmem>>
      %dma_wait3A_1304 = arith.constant 0 : i32
      %dma_wait3A_1305 = tpu.memref_slice %arg7[%dma_wait3A_1296, %dma_wait3A_1297, %dma_wait3A_1298, %dma_wait3A_1304] : memref<2x8x2x80xi32, #tpu.memory_space<vmem>> -> memref<1x1x1x80xi32, #tpu.memory_space<vmem>>
      %dma_wait3A_1306 = tpu.memref_squeeze %dma_wait3A_1305 : memref<1x1x1x80xi32, #tpu.memory_space<vmem>> -> memref<80xi32, #tpu.memory_space<vmem>>
      %dma_wait3A_1307 = arith.constant 0 : i32
      %dma_wait3A_1308 = arith.constant 0 : i32
      %dma_wait3A_1309 = tpu.memref_slice %arg2[%dma_wait3A_1307, %dma_wait3A_1308] : memref<10000x128xf32, #tpu.memory_space<hbm>> -> memref<10000x128xf32, #tpu.memory_space<hbm>>
      tpu.wait_indirect_dma semaphore(%arg14 : memref<!tpu.dma_semaphore, #tpu.memory_space<semaphore_mem>>) src(%dma_wait3A_1309 : memref<10000x128xf32, #tpu.memory_space<hbm>>) dst(%dma_wait3A_1303 : memref<80x128xf32, #tpu.memory_space<vmem>>)
      %dma_wait3A_1310 = arith.constant 0 : i32
      %dma_wait3A_1311 = arith.constant 1 : i32
      %dma_wait3A_1312 = arith.constant 5 : i32
      %dma_wait3A_1313 = arith.constant 1 : i32
      %dma_wait3A_1314 = arith.constant 0 : i32
      %dma_wait3A_1315 = arith.constant 0 : i32
      %dma_wait3A_1316 = tpu.memref_slice %arg8[%dma_wait3A_1310, %dma_wait3A_1314, %dma_wait3A_1315] : memref<4x80x128xf32, #tpu.memory_space<vmem>> -> memref<1x80x128xf32, #tpu.memory_space<vmem>>
      %dma_wait3A_1317 = tpu.memref_squeeze %dma_wait3A_1316 : memref<1x80x128xf32, #tpu.memory_space<vmem>> -> memref<80x128xf32, #tpu.memory_space<vmem>>
      %dma_wait3A_1318 = arith.constant 0 : i32
      %dma_wait3A_1319 = tpu.memref_slice %arg7[%dma_wait3A_1311, %dma_wait3A_1312, %dma_wait3A_1313, %dma_wait3A_1318] : memref<2x8x2x80xi32, #tpu.memory_space<vmem>> -> memref<1x1x1x80xi32, #tpu.memory_space<vmem>>
      %dma_wait3A_1320 = tpu.memref_squeeze %dma_wait3A_1319 : memref<1x1x1x80xi32, #tpu.memory_space<vmem>> -> memref<80xi32, #tpu.memory_space<vmem>>
      %dma_wait3A_1321 = arith.constant 0 : i32
      %dma_wait3A_1322 = arith.constant 0 : i32
      %dma_wait3A_1323 = tpu.memref_slice %arg21[%dma_wait3A_1321, %dma_wait3A_1322] : memref<10240x128xf32, #tpu.memory_space<vmem_shared>> -> memref<10240x128xf32, #tpu.memory_space<vmem_shared>>
      tpu.wait_indirect_dma semaphore(%arg17 : memref<!tpu.dma_semaphore, #tpu.memory_space<semaphore_mem>>) src(%dma_wait3A_1317 : memref<80x128xf32, #tpu.memory_space<vmem>>) dst(%dma_wait3A_1323 : memref<10240x128xf32, #tpu.memory_space<vmem_shared>>)
      %dma_wait3A_1324 = arith.constant 1 : i32
      %dma_wait3A_1325 = arith.constant 5 : i32
      %dma_wait3A_1326 = arith.constant 1 : i32
      %dma_wait3A_1327 = arith.constant 0 : i32
      %dma_wait3A_1328 = tpu.memref_slice %arg7[%dma_wait3A_1324, %dma_wait3A_1325, %dma_wait3A_1326, %dma_wait3A_1327] : memref<2x8x2x80xi32, #tpu.memory_space<vmem>> -> memref<1x1x1x80xi32, #tpu.memory_space<vmem>>
      %dma_wait3A_1329 = tpu.memref_squeeze %dma_wait3A_1328 : memref<1x1x1x80xi32, #tpu.memory_space<vmem>> -> memref<80xi32, #tpu.memory_space<vmem>>
      %dma_wait3A_1330 = arith.constant 0 : i32
      %dma_wait3A_1331 = tpu.memref_slice %arg22[%dma_wait3A_1330] : memref<10240xf32, #tpu.memory_space<vmem_shared>> -> memref<10240xf32, #tpu.memory_space<vmem_shared>>
      tpu.wait_indirect_dma semaphore(%arg17 : memref<!tpu.dma_semaphore, #tpu.memory_space<semaphore_mem>>) src(%arg9 : memref<80xf32, #tpu.memory_space<vmem>>) dst(%dma_wait3A_1331 : memref<10240xf32, #tpu.memory_space<vmem_shared>>)
      %add3A_1332 = arith.constant 1 : i32
      %add3A_1333 = arith.addi %add3A_945, %add3A_1332 : i32
      %lt3A_1334 = arith.constant 16 : i32
      %lt3A_1335 = arith.cmpi slt, %add3A_1333, %lt3A_1334 : i32
      %convert_element_type3A_1336 = arith.extui %lt3A_1335 : i1 to i32
      %cond3A_1337 = arith.constant 0 : i32
      %cond3A_1338 = arith.cmpi ne, %convert_element_type3A_1336, %cond3A_1337 : i32
      scf.if %cond3A_1338 {
        %add3A_1491 = arith.constant 1 : i32
        %add3A_1492 = arith.addi %add3A_945, %add3A_1491 : i32
        %dma_wait3A_1493 = arith.constant 0 : i32
        %dma_wait3A_1494 = arith.constant 0 : i32
        %dma_wait3A_1495 = arith.constant 0 : i32
        %dma_wait3A_1496 = arith.constant 0 : i32
        %dma_wait3A_1497 = tpu.memref_slice %arg7[%dma_wait3A_1493, %dma_wait3A_1494, %dma_wait3A_1495, %dma_wait3A_1496] : memref<2x8x2x80xi32, #tpu.memory_space<vmem>> -> memref<1x8x2x80xi32, #tpu.memory_space<vmem>>
        %dma_wait3A_1498 = tpu.memref_squeeze %dma_wait3A_1497 : memref<1x8x2x80xi32, #tpu.memory_space<vmem>> -> memref<8x2x80xi32, #tpu.memory_space<vmem>>
        %dma_wait3A_1499 = arith.constant 0 : i32
        %dma_wait3A_1500 = arith.constant 0 : i32
        %dma_wait3A_1501 = arith.constant 0 : i32
        %dma_wait3A_1502 = tpu.memref_slice %arg3[%add3A, %add3A_1492, %dma_wait3A_1499, %dma_wait3A_1500, %dma_wait3A_1501] : memref<32x16x8x2x80xi32, #tpu.memory_space<hbm>> -> memref<1x1x8x2x80xi32, #tpu.memory_space<hbm>>
        %dma_wait3A_1503 = tpu.memref_squeeze %dma_wait3A_1502 : memref<1x1x8x2x80xi32, #tpu.memory_space<hbm>> -> memref<8x2x80xi32, #tpu.memory_space<hbm>>
        %dma_wait3A_1504 = arith.constant 0 : i32
        %dma_wait3A_1505 = arith.constant 0 : i32
        %dma_wait3A_1506 = arith.constant 0 : i32
        %dma_wait3A_1507 = tpu.memref_slice %arg7[%dma_wait3A_1493, %dma_wait3A_1504, %dma_wait3A_1505, %dma_wait3A_1506] : memref<2x8x2x80xi32, #tpu.memory_space<vmem>> -> memref<1x8x2x80xi32, #tpu.memory_space<vmem>>
        %dma_wait3A_1508 = tpu.memref_squeeze %dma_wait3A_1507 : memref<1x8x2x80xi32, #tpu.memory_space<vmem>> -> memref<8x2x80xi32, #tpu.memory_space<vmem>>
        %dma_wait3A_1509 = arith.constant 0 : i32
        %dma_wait3A_1510 = arith.constant 0 : i32
        %dma_wait3A_1511 = arith.constant 0 : i32
        %dma_wait3A_1512 = tpu.memref_slice %arg3[%add3A, %add3A_1492, %dma_wait3A_1509, %dma_wait3A_1510, %dma_wait3A_1511] : memref<32x16x8x2x80xi32, #tpu.memory_space<hbm>> -> memref<1x1x8x2x80xi32, #tpu.memory_space<hbm>>
        %dma_wait3A_1513 = tpu.memref_squeeze %dma_wait3A_1512 : memref<1x1x8x2x80xi32, #tpu.memory_space<hbm>> -> memref<8x2x80xi32, #tpu.memory_space<hbm>>
        tpu.wait_dma2 semaphore(%arg11 : memref<!tpu.dma_semaphore, #tpu.memory_space<semaphore_mem>>) src(%dma_wait3A_1513 : memref<8x2x80xi32, #tpu.memory_space<hbm>>) dst(%dma_wait3A_1508 : memref<8x2x80xi32, #tpu.memory_space<vmem>>)
        %dma_start3A_1514 = arith.constant 0 : i32
        %dma_start3A_1515 = arith.constant 0 : i32
        %dma_start3A_1516 = arith.constant 0 : i32
        %dma_start3A_1517 = arith.constant 0 : i32
        %dma_start3A_1518 = arith.constant 0 : i32
        %dma_start3A_1519 = arith.constant 0 : i32
        %dma_start3A_1520 = tpu.memref_slice %arg8[%dma_start3A_1517, %dma_start3A_1518, %dma_start3A_1519] : memref<4x80x128xf32, #tpu.memory_space<vmem>> -> memref<1x80x128xf32, #tpu.memory_space<vmem>>
        %dma_start3A_1521 = tpu.memref_squeeze %dma_start3A_1520 : memref<1x80x128xf32, #tpu.memory_space<vmem>> -> memref<80x128xf32, #tpu.memory_space<vmem>>
        %dma_start3A_1522 = arith.constant 0 : i32
        %dma_start3A_1523 = tpu.memref_slice %arg7[%dma_start3A_1514, %dma_start3A_1515, %dma_start3A_1516, %dma_start3A_1522] : memref<2x8x2x80xi32, #tpu.memory_space<vmem>> -> memref<1x1x1x80xi32, #tpu.memory_space<vmem>>
        %dma_start3A_1524 = tpu.memref_squeeze %dma_start3A_1523 : memref<1x1x1x80xi32, #tpu.memory_space<vmem>> -> memref<80xi32, #tpu.memory_space<vmem>>
        %dma_start3A_1525 = arith.constant 0 : i32
        %dma_start3A_1526 = arith.constant 0 : i32
        %dma_start3A_1527 = tpu.memref_slice %arg2[%dma_start3A_1525, %dma_start3A_1526] : memref<10000x128xf32, #tpu.memory_space<hbm>> -> memref<10000x128xf32, #tpu.memory_space<hbm>>
        tpu.enqueue_indirect_dma source(%dma_start3A_1527 : memref<10000x128xf32, #tpu.memory_space<hbm>>) target(%dma_start3A_1521 : memref<80x128xf32, #tpu.memory_space<vmem>>) offsets(%dma_start3A_1524 : memref<80xi32, #tpu.memory_space<vmem>>) semaphore(%arg13 : memref<!tpu.dma_semaphore, #tpu.memory_space<semaphore_mem>>)
      } else {
      }
      %dma_start3A_1339 = arith.constant 1 : i32
      %dma_start3A_1340 = arith.constant 1 : i32
      %dma_start3A_1341 = arith.constant 5 : i32
      %dma_start3A_1342 = arith.constant 1 : i32
      %dma_start3A_1343 = arith.constant 0 : i32
      %dma_start3A_1344 = arith.constant 0 : i32
      %dma_start3A_1345 = tpu.memref_slice %arg8[%dma_start3A_1339, %dma_start3A_1343, %dma_start3A_1344] : memref<4x80x128xf32, #tpu.memory_space<vmem>> -> memref<1x80x128xf32, #tpu.memory_space<vmem>>
      %dma_start3A_1346 = tpu.memref_squeeze %dma_start3A_1345 : memref<1x80x128xf32, #tpu.memory_space<vmem>> -> memref<80x128xf32, #tpu.memory_space<vmem>>
      %dma_start3A_1347 = arith.constant 0 : i32
      %dma_start3A_1348 = tpu.memref_slice %arg7[%dma_start3A_1340, %dma_start3A_1341, %dma_start3A_1342, %dma_start3A_1347] : memref<2x8x2x80xi32, #tpu.memory_space<vmem>> -> memref<1x1x1x80xi32, #tpu.memory_space<vmem>>
      %dma_start3A_1349 = tpu.memref_squeeze %dma_start3A_1348 : memref<1x1x1x80xi32, #tpu.memory_space<vmem>> -> memref<80xi32, #tpu.memory_space<vmem>>
      %dma_start3A_1350 = arith.constant 0 : i32
      %dma_start3A_1351 = arith.constant 0 : i32
      %dma_start3A_1352 = tpu.memref_slice %arg21[%dma_start3A_1350, %dma_start3A_1351] : memref<10240x128xf32, #tpu.memory_space<vmem_shared>> -> memref<10240x128xf32, #tpu.memory_space<vmem_shared>>
      tpu.enqueue_indirect_dma source(%dma_start3A_1346 : memref<80x128xf32, #tpu.memory_space<vmem>>) target(%dma_start3A_1352 : memref<10240x128xf32, #tpu.memory_space<vmem_shared>>) offsets(%dma_start3A_1349 : memref<80xi32, #tpu.memory_space<vmem>>) semaphore(%arg18 : memref<!tpu.dma_semaphore, #tpu.memory_space<semaphore_mem>>) {add = true}
      %dma_start3A_1353 = arith.constant 1 : i32
      %dma_start3A_1354 = arith.constant 5 : i32
      %dma_start3A_1355 = arith.constant 1 : i32
      %dma_start3A_1356 = arith.constant 0 : i32
      %dma_start3A_1357 = tpu.memref_slice %arg7[%dma_start3A_1353, %dma_start3A_1354, %dma_start3A_1355, %dma_start3A_1356] : memref<2x8x2x80xi32, #tpu.memory_space<vmem>> -> memref<1x1x1x80xi32, #tpu.memory_space<vmem>>
      %dma_start3A_1358 = tpu.memref_squeeze %dma_start3A_1357 : memref<1x1x1x80xi32, #tpu.memory_space<vmem>> -> memref<80xi32, #tpu.memory_space<vmem>>
      %dma_start3A_1359 = arith.constant 0 : i32
      %dma_start3A_1360 = tpu.memref_slice %arg22[%dma_start3A_1359] : memref<10240xf32, #tpu.memory_space<vmem_shared>> -> memref<10240xf32, #tpu.memory_space<vmem_shared>>
      tpu.enqueue_indirect_dma source(%arg9 : memref<80xf32, #tpu.memory_space<vmem>>) target(%dma_start3A_1360 : memref<10240xf32, #tpu.memory_space<vmem_shared>>) offsets(%dma_start3A_1358 : memref<80xi32, #tpu.memory_space<vmem>>) semaphore(%arg18 : memref<!tpu.dma_semaphore, #tpu.memory_space<semaphore_mem>>) {add = true}
      %dma_wait3A_1361 = arith.constant 1 : i32
      %dma_wait3A_1362 = arith.constant 6 : i32
      %dma_wait3A_1363 = arith.constant 0 : i32
      %dma_wait3A_1364 = arith.constant 2 : i32
      %dma_wait3A_1365 = arith.constant 0 : i32
      %dma_wait3A_1366 = arith.constant 0 : i32
      %dma_wait3A_1367 = tpu.memref_slice %arg8[%dma_wait3A_1364, %dma_wait3A_1365, %dma_wait3A_1366] : memref<4x80x128xf32, #tpu.memory_space<vmem>> -> memref<1x80x128xf32, #tpu.memory_space<vmem>>
      %dma_wait3A_1368 = tpu.memref_squeeze %dma_wait3A_1367 : memref<1x80x128xf32, #tpu.memory_space<vmem>> -> memref<80x128xf32, #tpu.memory_space<vmem>>
      %dma_wait3A_1369 = arith.constant 0 : i32
      %dma_wait3A_1370 = tpu.memref_slice %arg7[%dma_wait3A_1361, %dma_wait3A_1362, %dma_wait3A_1363, %dma_wait3A_1369] : memref<2x8x2x80xi32, #tpu.memory_space<vmem>> -> memref<1x1x1x80xi32, #tpu.memory_space<vmem>>
      %dma_wait3A_1371 = tpu.memref_squeeze %dma_wait3A_1370 : memref<1x1x1x80xi32, #tpu.memory_space<vmem>> -> memref<80xi32, #tpu.memory_space<vmem>>
      %dma_wait3A_1372 = arith.constant 0 : i32
      %dma_wait3A_1373 = arith.constant 0 : i32
      %dma_wait3A_1374 = tpu.memref_slice %arg2[%dma_wait3A_1372, %dma_wait3A_1373] : memref<10000x128xf32, #tpu.memory_space<hbm>> -> memref<10000x128xf32, #tpu.memory_space<hbm>>
      tpu.wait_indirect_dma semaphore(%arg15 : memref<!tpu.dma_semaphore, #tpu.memory_space<semaphore_mem>>) src(%dma_wait3A_1374 : memref<10000x128xf32, #tpu.memory_space<hbm>>) dst(%dma_wait3A_1368 : memref<80x128xf32, #tpu.memory_space<vmem>>)
      %dma_wait3A_1375 = arith.constant 1 : i32
      %dma_wait3A_1376 = arith.constant 1 : i32
      %dma_wait3A_1377 = arith.constant 6 : i32
      %dma_wait3A_1378 = arith.constant 1 : i32
      %dma_wait3A_1379 = arith.constant 0 : i32
      %dma_wait3A_1380 = arith.constant 0 : i32
      %dma_wait3A_1381 = tpu.memref_slice %arg8[%dma_wait3A_1375, %dma_wait3A_1379, %dma_wait3A_1380] : memref<4x80x128xf32, #tpu.memory_space<vmem>> -> memref<1x80x128xf32, #tpu.memory_space<vmem>>
      %dma_wait3A_1382 = tpu.memref_squeeze %dma_wait3A_1381 : memref<1x80x128xf32, #tpu.memory_space<vmem>> -> memref<80x128xf32, #tpu.memory_space<vmem>>
      %dma_wait3A_1383 = arith.constant 0 : i32
      %dma_wait3A_1384 = tpu.memref_slice %arg7[%dma_wait3A_1376, %dma_wait3A_1377, %dma_wait3A_1378, %dma_wait3A_1383] : memref<2x8x2x80xi32, #tpu.memory_space<vmem>> -> memref<1x1x1x80xi32, #tpu.memory_space<vmem>>
      %dma_wait3A_1385 = tpu.memref_squeeze %dma_wait3A_1384 : memref<1x1x1x80xi32, #tpu.memory_space<vmem>> -> memref<80xi32, #tpu.memory_space<vmem>>
      %dma_wait3A_1386 = arith.constant 0 : i32
      %dma_wait3A_1387 = arith.constant 0 : i32
      %dma_wait3A_1388 = tpu.memref_slice %arg21[%dma_wait3A_1386, %dma_wait3A_1387] : memref<10240x128xf32, #tpu.memory_space<vmem_shared>> -> memref<10240x128xf32, #tpu.memory_space<vmem_shared>>
      tpu.wait_indirect_dma semaphore(%arg18 : memref<!tpu.dma_semaphore, #tpu.memory_space<semaphore_mem>>) src(%dma_wait3A_1382 : memref<80x128xf32, #tpu.memory_space<vmem>>) dst(%dma_wait3A_1388 : memref<10240x128xf32, #tpu.memory_space<vmem_shared>>)
      %dma_wait3A_1389 = arith.constant 1 : i32
      %dma_wait3A_1390 = arith.constant 6 : i32
      %dma_wait3A_1391 = arith.constant 1 : i32
      %dma_wait3A_1392 = arith.constant 0 : i32
      %dma_wait3A_1393 = tpu.memref_slice %arg7[%dma_wait3A_1389, %dma_wait3A_1390, %dma_wait3A_1391, %dma_wait3A_1392] : memref<2x8x2x80xi32, #tpu.memory_space<vmem>> -> memref<1x1x1x80xi32, #tpu.memory_space<vmem>>
      %dma_wait3A_1394 = tpu.memref_squeeze %dma_wait3A_1393 : memref<1x1x1x80xi32, #tpu.memory_space<vmem>> -> memref<80xi32, #tpu.memory_space<vmem>>
      %dma_wait3A_1395 = arith.constant 0 : i32
      %dma_wait3A_1396 = tpu.memref_slice %arg22[%dma_wait3A_1395] : memref<10240xf32, #tpu.memory_space<vmem_shared>> -> memref<10240xf32, #tpu.memory_space<vmem_shared>>
      tpu.wait_indirect_dma semaphore(%arg18 : memref<!tpu.dma_semaphore, #tpu.memory_space<semaphore_mem>>) src(%arg9 : memref<80xf32, #tpu.memory_space<vmem>>) dst(%dma_wait3A_1396 : memref<10240xf32, #tpu.memory_space<vmem_shared>>)
      %add3A_1397 = arith.constant 1 : i32
      %add3A_1398 = arith.addi %add3A_945, %add3A_1397 : i32
      %lt3A_1399 = arith.constant 16 : i32
      %lt3A_1400 = arith.cmpi slt, %add3A_1398, %lt3A_1399 : i32
      %convert_element_type3A_1401 = arith.extui %lt3A_1400 : i1 to i32
      %cond3A_1402 = arith.constant 0 : i32
      %cond3A_1403 = arith.cmpi ne, %convert_element_type3A_1401, %cond3A_1402 : i32
      scf.if %cond3A_1403 {
        %dma_start3A_1491 = arith.constant 0 : i32
        %dma_start3A_1492 = arith.constant 1 : i32
        %dma_start3A_1493 = arith.constant 0 : i32
        %dma_start3A_1494 = arith.constant 1 : i32
        %dma_start3A_1495 = arith.constant 0 : i32
        %dma_start3A_1496 = arith.constant 0 : i32
        %dma_start3A_1497 = tpu.memref_slice %arg8[%dma_start3A_1494, %dma_start3A_1495, %dma_start3A_1496] : memref<4x80x128xf32, #tpu.memory_space<vmem>> -> memref<1x80x128xf32, #tpu.memory_space<vmem>>
        %dma_start3A_1498 = tpu.memref_squeeze %dma_start3A_1497 : memref<1x80x128xf32, #tpu.memory_space<vmem>> -> memref<80x128xf32, #tpu.memory_space<vmem>>
        %dma_start3A_1499 = arith.constant 0 : i32
        %dma_start3A_1500 = tpu.memref_slice %arg7[%dma_start3A_1491, %dma_start3A_1492, %dma_start3A_1493, %dma_start3A_1499] : memref<2x8x2x80xi32, #tpu.memory_space<vmem>> -> memref<1x1x1x80xi32, #tpu.memory_space<vmem>>
        %dma_start3A_1501 = tpu.memref_squeeze %dma_start3A_1500 : memref<1x1x1x80xi32, #tpu.memory_space<vmem>> -> memref<80xi32, #tpu.memory_space<vmem>>
        %dma_start3A_1502 = arith.constant 0 : i32
        %dma_start3A_1503 = arith.constant 0 : i32
        %dma_start3A_1504 = tpu.memref_slice %arg2[%dma_start3A_1502, %dma_start3A_1503] : memref<10000x128xf32, #tpu.memory_space<hbm>> -> memref<10000x128xf32, #tpu.memory_space<hbm>>
        tpu.enqueue_indirect_dma source(%dma_start3A_1504 : memref<10000x128xf32, #tpu.memory_space<hbm>>) target(%dma_start3A_1498 : memref<80x128xf32, #tpu.memory_space<vmem>>) offsets(%dma_start3A_1501 : memref<80xi32, #tpu.memory_space<vmem>>) semaphore(%arg14 : memref<!tpu.dma_semaphore, #tpu.memory_space<semaphore_mem>>)
      } else {
      }
      %dma_start3A_1404 = arith.constant 2 : i32
      %dma_start3A_1405 = arith.constant 1 : i32
      %dma_start3A_1406 = arith.constant 6 : i32
      %dma_start3A_1407 = arith.constant 1 : i32
      %dma_start3A_1408 = arith.constant 0 : i32
      %dma_start3A_1409 = arith.constant 0 : i32
      %dma_start3A_1410 = tpu.memref_slice %arg8[%dma_start3A_1404, %dma_start3A_1408, %dma_start3A_1409] : memref<4x80x128xf32, #tpu.memory_space<vmem>> -> memref<1x80x128xf32, #tpu.memory_space<vmem>>
      %dma_start3A_1411 = tpu.memref_squeeze %dma_start3A_1410 : memref<1x80x128xf32, #tpu.memory_space<vmem>> -> memref<80x128xf32, #tpu.memory_space<vmem>>
      %dma_start3A_1412 = arith.constant 0 : i32
      %dma_start3A_1413 = tpu.memref_slice %arg7[%dma_start3A_1405, %dma_start3A_1406, %dma_start3A_1407, %dma_start3A_1412] : memref<2x8x2x80xi32, #tpu.memory_space<vmem>> -> memref<1x1x1x80xi32, #tpu.memory_space<vmem>>
      %dma_start3A_1414 = tpu.memref_squeeze %dma_start3A_1413 : memref<1x1x1x80xi32, #tpu.memory_space<vmem>> -> memref<80xi32, #tpu.memory_space<vmem>>
      %dma_start3A_1415 = arith.constant 0 : i32
      %dma_start3A_1416 = arith.constant 0 : i32
      %dma_start3A_1417 = tpu.memref_slice %arg21[%dma_start3A_1415, %dma_start3A_1416] : memref<10240x128xf32, #tpu.memory_space<vmem_shared>> -> memref<10240x128xf32, #tpu.memory_space<vmem_shared>>
      tpu.enqueue_indirect_dma source(%dma_start3A_1411 : memref<80x128xf32, #tpu.memory_space<vmem>>) target(%dma_start3A_1417 : memref<10240x128xf32, #tpu.memory_space<vmem_shared>>) offsets(%dma_start3A_1414 : memref<80xi32, #tpu.memory_space<vmem>>) semaphore(%arg19 : memref<!tpu.dma_semaphore, #tpu.memory_space<semaphore_mem>>) {add = true}
      %dma_start3A_1418 = arith.constant 1 : i32
      %dma_start3A_1419 = arith.constant 6 : i32
      %dma_start3A_1420 = arith.constant 1 : i32
      %dma_start3A_1421 = arith.constant 0 : i32
      %dma_start3A_1422 = tpu.memref_slice %arg7[%dma_start3A_1418, %dma_start3A_1419, %dma_start3A_1420, %dma_start3A_1421] : memref<2x8x2x80xi32, #tpu.memory_space<vmem>> -> memref<1x1x1x80xi32, #tpu.memory_space<vmem>>
      %dma_start3A_1423 = tpu.memref_squeeze %dma_start3A_1422 : memref<1x1x1x80xi32, #tpu.memory_space<vmem>> -> memref<80xi32, #tpu.memory_space<vmem>>
      %dma_start3A_1424 = arith.constant 0 : i32
      %dma_start3A_1425 = tpu.memref_slice %arg22[%dma_start3A_1424] : memref<10240xf32, #tpu.memory_space<vmem_shared>> -> memref<10240xf32, #tpu.memory_space<vmem_shared>>
      tpu.enqueue_indirect_dma source(%arg9 : memref<80xf32, #tpu.memory_space<vmem>>) target(%dma_start3A_1425 : memref<10240xf32, #tpu.memory_space<vmem_shared>>) offsets(%dma_start3A_1423 : memref<80xi32, #tpu.memory_space<vmem>>) semaphore(%arg19 : memref<!tpu.dma_semaphore, #tpu.memory_space<semaphore_mem>>) {add = true}
      %dma_wait3A_1426 = arith.constant 1 : i32
      %dma_wait3A_1427 = arith.constant 7 : i32
      %dma_wait3A_1428 = arith.constant 0 : i32
      %dma_wait3A_1429 = arith.constant 3 : i32
      %dma_wait3A_1430 = arith.constant 0 : i32
      %dma_wait3A_1431 = arith.constant 0 : i32
      %dma_wait3A_1432 = tpu.memref_slice %arg8[%dma_wait3A_1429, %dma_wait3A_1430, %dma_wait3A_1431] : memref<4x80x128xf32, #tpu.memory_space<vmem>> -> memref<1x80x128xf32, #tpu.memory_space<vmem>>
      %dma_wait3A_1433 = tpu.memref_squeeze %dma_wait3A_1432 : memref<1x80x128xf32, #tpu.memory_space<vmem>> -> memref<80x128xf32, #tpu.memory_space<vmem>>
      %dma_wait3A_1434 = arith.constant 0 : i32
      %dma_wait3A_1435 = tpu.memref_slice %arg7[%dma_wait3A_1426, %dma_wait3A_1427, %dma_wait3A_1428, %dma_wait3A_1434] : memref<2x8x2x80xi32, #tpu.memory_space<vmem>> -> memref<1x1x1x80xi32, #tpu.memory_space<vmem>>
      %dma_wait3A_1436 = tpu.memref_squeeze %dma_wait3A_1435 : memref<1x1x1x80xi32, #tpu.memory_space<vmem>> -> memref<80xi32, #tpu.memory_space<vmem>>
      %dma_wait3A_1437 = arith.constant 0 : i32
      %dma_wait3A_1438 = arith.constant 0 : i32
      %dma_wait3A_1439 = tpu.memref_slice %arg2[%dma_wait3A_1437, %dma_wait3A_1438] : memref<10000x128xf32, #tpu.memory_space<hbm>> -> memref<10000x128xf32, #tpu.memory_space<hbm>>
      tpu.wait_indirect_dma semaphore(%arg16 : memref<!tpu.dma_semaphore, #tpu.memory_space<semaphore_mem>>) src(%dma_wait3A_1439 : memref<10000x128xf32, #tpu.memory_space<hbm>>) dst(%dma_wait3A_1433 : memref<80x128xf32, #tpu.memory_space<vmem>>)
      %dma_wait3A_1440 = arith.constant 2 : i32
      %dma_wait3A_1441 = arith.constant 1 : i32
      %dma_wait3A_1442 = arith.constant 7 : i32
      %dma_wait3A_1443 = arith.constant 1 : i32
      %dma_wait3A_1444 = arith.constant 0 : i32
      %dma_wait3A_1445 = arith.constant 0 : i32
      %dma_wait3A_1446 = tpu.memref_slice %arg8[%dma_wait3A_1440, %dma_wait3A_1444, %dma_wait3A_1445] : memref<4x80x128xf32, #tpu.memory_space<vmem>> -> memref<1x80x128xf32, #tpu.memory_space<vmem>>
      %dma_wait3A_1447 = tpu.memref_squeeze %dma_wait3A_1446 : memref<1x80x128xf32, #tpu.memory_space<vmem>> -> memref<80x128xf32, #tpu.memory_space<vmem>>
      %dma_wait3A_1448 = arith.constant 0 : i32
      %dma_wait3A_1449 = tpu.memref_slice %arg7[%dma_wait3A_1441, %dma_wait3A_1442, %dma_wait3A_1443, %dma_wait3A_1448] : memref<2x8x2x80xi32, #tpu.memory_space<vmem>> -> memref<1x1x1x80xi32, #tpu.memory_space<vmem>>
      %dma_wait3A_1450 = tpu.memref_squeeze %dma_wait3A_1449 : memref<1x1x1x80xi32, #tpu.memory_space<vmem>> -> memref<80xi32, #tpu.memory_space<vmem>>
      %dma_wait3A_1451 = arith.constant 0 : i32
      %dma_wait3A_1452 = arith.constant 0 : i32
      %dma_wait3A_1453 = tpu.memref_slice %arg21[%dma_wait3A_1451, %dma_wait3A_1452] : memref<10240x128xf32, #tpu.memory_space<vmem_shared>> -> memref<10240x128xf32, #tpu.memory_space<vmem_shared>>
      tpu.wait_indirect_dma semaphore(%arg19 : memref<!tpu.dma_semaphore, #tpu.memory_space<semaphore_mem>>) src(%dma_wait3A_1447 : memref<80x128xf32, #tpu.memory_space<vmem>>) dst(%dma_wait3A_1453 : memref<10240x128xf32, #tpu.memory_space<vmem_shared>>)
      %dma_wait3A_1454 = arith.constant 1 : i32
      %dma_wait3A_1455 = arith.constant 7 : i32
      %dma_wait3A_1456 = arith.constant 1 : i32
      %dma_wait3A_1457 = arith.constant 0 : i32
      %dma_wait3A_1458 = tpu.memref_slice %arg7[%dma_wait3A_1454, %dma_wait3A_1455, %dma_wait3A_1456, %dma_wait3A_1457] : memref<2x8x2x80xi32, #tpu.memory_space<vmem>> -> memref<1x1x1x80xi32, #tpu.memory_space<vmem>>
      %dma_wait3A_1459 = tpu.memref_squeeze %dma_wait3A_1458 : memref<1x1x1x80xi32, #tpu.memory_space<vmem>> -> memref<80xi32, #tpu.memory_space<vmem>>
      %dma_wait3A_1460 = arith.constant 0 : i32
      %dma_wait3A_1461 = tpu.memref_slice %arg22[%dma_wait3A_1460] : memref<10240xf32, #tpu.memory_space<vmem_shared>> -> memref<10240xf32, #tpu.memory_space<vmem_shared>>
      tpu.wait_indirect_dma semaphore(%arg19 : memref<!tpu.dma_semaphore, #tpu.memory_space<semaphore_mem>>) src(%arg9 : memref<80xf32, #tpu.memory_space<vmem>>) dst(%dma_wait3A_1461 : memref<10240xf32, #tpu.memory_space<vmem_shared>>)
      %add3A_1462 = arith.constant 1 : i32
      %add3A_1463 = arith.addi %add3A_945, %add3A_1462 : i32
      %lt3A_1464 = arith.constant 16 : i32
      %lt3A_1465 = arith.cmpi slt, %add3A_1463, %lt3A_1464 : i32
      %convert_element_type3A_1466 = arith.extui %lt3A_1465 : i1 to i32
      %cond3A_1467 = arith.constant 0 : i32
      %cond3A_1468 = arith.cmpi ne, %convert_element_type3A_1466, %cond3A_1467 : i32
      scf.if %cond3A_1468 {
        %dma_start3A_1491 = arith.constant 0 : i32
        %dma_start3A_1492 = arith.constant 2 : i32
        %dma_start3A_1493 = arith.constant 0 : i32
        %dma_start3A_1494 = arith.constant 2 : i32
        %dma_start3A_1495 = arith.constant 0 : i32
        %dma_start3A_1496 = arith.constant 0 : i32
        %dma_start3A_1497 = tpu.memref_slice %arg8[%dma_start3A_1494, %dma_start3A_1495, %dma_start3A_1496] : memref<4x80x128xf32, #tpu.memory_space<vmem>> -> memref<1x80x128xf32, #tpu.memory_space<vmem>>
        %dma_start3A_1498 = tpu.memref_squeeze %dma_start3A_1497 : memref<1x80x128xf32, #tpu.memory_space<vmem>> -> memref<80x128xf32, #tpu.memory_space<vmem>>
        %dma_start3A_1499 = arith.constant 0 : i32
        %dma_start3A_1500 = tpu.memref_slice %arg7[%dma_start3A_1491, %dma_start3A_1492, %dma_start3A_1493, %dma_start3A_1499] : memref<2x8x2x80xi32, #tpu.memory_space<vmem>> -> memref<1x1x1x80xi32, #tpu.memory_space<vmem>>
        %dma_start3A_1501 = tpu.memref_squeeze %dma_start3A_1500 : memref<1x1x1x80xi32, #tpu.memory_space<vmem>> -> memref<80xi32, #tpu.memory_space<vmem>>
        %dma_start3A_1502 = arith.constant 0 : i32
        %dma_start3A_1503 = arith.constant 0 : i32
        %dma_start3A_1504 = tpu.memref_slice %arg2[%dma_start3A_1502, %dma_start3A_1503] : memref<10000x128xf32, #tpu.memory_space<hbm>> -> memref<10000x128xf32, #tpu.memory_space<hbm>>
        tpu.enqueue_indirect_dma source(%dma_start3A_1504 : memref<10000x128xf32, #tpu.memory_space<hbm>>) target(%dma_start3A_1498 : memref<80x128xf32, #tpu.memory_space<vmem>>) offsets(%dma_start3A_1501 : memref<80xi32, #tpu.memory_space<vmem>>) semaphore(%arg15 : memref<!tpu.dma_semaphore, #tpu.memory_space<semaphore_mem>>)
      } else {
      }
      %dma_start3A_1469 = arith.constant 3 : i32
      %dma_start3A_1470 = arith.constant 1 : i32
      %dma_start3A_1471 = arith.constant 7 : i32
      %dma_start3A_1472 = arith.constant 1 : i32
      %dma_start3A_1473 = arith.constant 0 : i32
      %dma_start3A_1474 = arith.constant 0 : i32
      %dma_start3A_1475 = tpu.memref_slice %arg8[%dma_start3A_1469, %dma_start3A_1473, %dma_start3A_1474] : memref<4x80x128xf32, #tpu.memory_space<vmem>> -> memref<1x80x128xf32, #tpu.memory_space<vmem>>
      %dma_start3A_1476 = tpu.memref_squeeze %dma_start3A_1475 : memref<1x80x128xf32, #tpu.memory_space<vmem>> -> memref<80x128xf32, #tpu.memory_space<vmem>>
      %dma_start3A_1477 = arith.constant 0 : i32
      %dma_start3A_1478 = tpu.memref_slice %arg7[%dma_start3A_1470, %dma_start3A_1471, %dma_start3A_1472, %dma_start3A_1477] : memref<2x8x2x80xi32, #tpu.memory_space<vmem>> -> memref<1x1x1x80xi32, #tpu.memory_space<vmem>>
      %dma_start3A_1479 = tpu.memref_squeeze %dma_start3A_1478 : memref<1x1x1x80xi32, #tpu.memory_space<vmem>> -> memref<80xi32, #tpu.memory_space<vmem>>
      %dma_start3A_1480 = arith.constant 0 : i32
      %dma_start3A_1481 = arith.constant 0 : i32
      %dma_start3A_1482 = tpu.memref_slice %arg21[%dma_start3A_1480, %dma_start3A_1481] : memref<10240x128xf32, #tpu.memory_space<vmem_shared>> -> memref<10240x128xf32, #tpu.memory_space<vmem_shared>>
      tpu.enqueue_indirect_dma source(%dma_start3A_1476 : memref<80x128xf32, #tpu.memory_space<vmem>>) target(%dma_start3A_1482 : memref<10240x128xf32, #tpu.memory_space<vmem_shared>>) offsets(%dma_start3A_1479 : memref<80xi32, #tpu.memory_space<vmem>>) semaphore(%arg20 : memref<!tpu.dma_semaphore, #tpu.memory_space<semaphore_mem>>) {add = true}
      %dma_start3A_1483 = arith.constant 1 : i32
      %dma_start3A_1484 = arith.constant 7 : i32
      %dma_start3A_1485 = arith.constant 1 : i32
      %dma_start3A_1486 = arith.constant 0 : i32
      %dma_start3A_1487 = tpu.memref_slice %arg7[%dma_start3A_1483, %dma_start3A_1484, %dma_start3A_1485, %dma_start3A_1486] : memref<2x8x2x80xi32, #tpu.memory_space<vmem>> -> memref<1x1x1x80xi32, #tpu.memory_space<vmem>>
      %dma_start3A_1488 = tpu.memref_squeeze %dma_start3A_1487 : memref<1x1x1x80xi32, #tpu.memory_space<vmem>> -> memref<80xi32, #tpu.memory_space<vmem>>
      %dma_start3A_1489 = arith.constant 0 : i32
      %dma_start3A_1490 = tpu.memref_slice %arg22[%dma_start3A_1489] : memref<10240xf32, #tpu.memory_space<vmem_shared>> -> memref<10240xf32, #tpu.memory_space<vmem_shared>>
      tpu.enqueue_indirect_dma source(%arg9 : memref<80xf32, #tpu.memory_space<vmem>>) target(%dma_start3A_1490 : memref<10240xf32, #tpu.memory_space<vmem_shared>>) offsets(%dma_start3A_1488 : memref<80xi32, #tpu.memory_space<vmem>>) semaphore(%arg20 : memref<!tpu.dma_semaphore, #tpu.memory_space<semaphore_mem>>) {add = true}
    }
    %scan3A_363 = arith.constant 8 : i32
    %dma_wait3A_364 = arith.constant 3 : i32
    %dma_wait3A_365 = arith.constant 1 : i32
    %dma_wait3A_366 = arith.constant 7 : i32
    %dma_wait3A_367 = arith.constant 1 : i32
    %dma_wait3A_368 = arith.constant 0 : i32
    %dma_wait3A_369 = arith.constant 0 : i32
    %dma_wait3A_370 = tpu.memref_slice %arg8[%dma_wait3A_364, %dma_wait3A_368, %dma_wait3A_369] : memref<4x80x128xf32, #tpu.memory_space<vmem>> -> memref<1x80x128xf32, #tpu.memory_space<vmem>>
    %dma_wait3A_371 = tpu.memref_squeeze %dma_wait3A_370 : memref<1x80x128xf32, #tpu.memory_space<vmem>> -> memref<80x128xf32, #tpu.memory_space<vmem>>
    %dma_wait3A_372 = arith.constant 0 : i32
    %dma_wait3A_373 = tpu.memref_slice %arg7[%dma_wait3A_365, %dma_wait3A_366, %dma_wait3A_367, %dma_wait3A_372] : memref<2x8x2x80xi32, #tpu.memory_space<vmem>> -> memref<1x1x1x80xi32, #tpu.memory_space<vmem>>
    %dma_wait3A_374 = tpu.memref_squeeze %dma_wait3A_373 : memref<1x1x1x80xi32, #tpu.memory_space<vmem>> -> memref<80xi32, #tpu.memory_space<vmem>>
    %dma_wait3A_375 = arith.constant 0 : i32
    %dma_wait3A_376 = arith.constant 0 : i32
    %dma_wait3A_377 = tpu.memref_slice %arg21[%dma_wait3A_375, %dma_wait3A_376] : memref<10240x128xf32, #tpu.memory_space<vmem_shared>> -> memref<10240x128xf32, #tpu.memory_space<vmem_shared>>
    tpu.wait_indirect_dma semaphore(%arg20 : memref<!tpu.dma_semaphore, #tpu.memory_space<semaphore_mem>>) src(%dma_wait3A_371 : memref<80x128xf32, #tpu.memory_space<vmem>>) dst(%dma_wait3A_377 : memref<10240x128xf32, #tpu.memory_space<vmem_shared>>)
    %dma_wait3A_378 = arith.constant 1 : i32
    %dma_wait3A_379 = arith.constant 7 : i32
    %dma_wait3A_380 = arith.constant 1 : i32
    %dma_wait3A_381 = arith.constant 0 : i32
    %dma_wait3A_382 = tpu.memref_slice %arg7[%dma_wait3A_378, %dma_wait3A_379, %dma_wait3A_380, %dma_wait3A_381] : memref<2x8x2x80xi32, #tpu.memory_space<vmem>> -> memref<1x1x1x80xi32, #tpu.memory_space<vmem>>
    %dma_wait3A_383 = tpu.memref_squeeze %dma_wait3A_382 : memref<1x1x1x80xi32, #tpu.memory_space<vmem>> -> memref<80xi32, #tpu.memory_space<vmem>>
    %dma_wait3A_384 = arith.constant 0 : i32
    %dma_wait3A_385 = tpu.memref_slice %arg22[%dma_wait3A_384] : memref<10240xf32, #tpu.memory_space<vmem_shared>> -> memref<10240xf32, #tpu.memory_space<vmem_shared>>
    tpu.wait_indirect_dma semaphore(%arg20 : memref<!tpu.dma_semaphore, #tpu.memory_space<semaphore_mem>>) src(%arg9 : memref<80xf32, #tpu.memory_space<vmem>>) dst(%dma_wait3A_385 : memref<10240xf32, #tpu.memory_space<vmem_shared>>)
    %barrier3A_386 = arith.constant 0 : index
    tpu.barrier barrier_id(%barrier3A_386)
    %mul3A_387 = arith.constant 640 : i32
    %mul3A_388 = arith.muli %arg1, %mul3A_387 : i32
    %mul3A_389 = arith.constant 640 : i32
    %mul3A_390 = arith.muli %arg1, %mul3A_389 : i32
    "tpu.region"() ({
      %run_scoped3A = tpu.sem_alloc : memref<!tpu.dma_semaphore, #tpu.memory_space<semaphore_mem>>
      %dma_start3A_398 = arith.constant 0 : i32
      %dma_start3A_399 = tpu.memref_slice %arg5[%arg0, %mul3A_390, %dma_start3A_398] : memref<2x10240x128xf32, #tpu.memory_space<hbm>> -> memref<1x640x128xf32, #tpu.memory_space<hbm>>
      %dma_start3A_400 = tpu.memref_squeeze %dma_start3A_399 : memref<1x640x128xf32, #tpu.memory_space<hbm>> -> memref<640x128xf32, #tpu.memory_space<hbm>>
      %dma_start3A_401 = arith.constant 0 : i32
      %dma_start3A_402 = tpu.memref_slice %arg21[%mul3A_388, %dma_start3A_401] : memref<10240x128xf32, #tpu.memory_space<vmem_shared>> -> memref<640x128xf32, #tpu.memory_space<vmem_shared>>
      tpu.enqueue_dma source(%dma_start3A_402 : memref<640x128xf32, #tpu.memory_space<vmem_shared>>) target(%dma_start3A_400 : memref<640x128xf32, #tpu.memory_space<hbm>>) target_semaphore(%run_scoped3A : memref<!tpu.dma_semaphore, #tpu.memory_space<semaphore_mem>>)
      %dma_wait3A_403 = arith.constant 0 : i32
      %dma_wait3A_404 = tpu.memref_slice %arg5[%arg0, %mul3A_390, %dma_wait3A_403] : memref<2x10240x128xf32, #tpu.memory_space<hbm>> -> memref<1x640x128xf32, #tpu.memory_space<hbm>>
      %dma_wait3A_405 = tpu.memref_squeeze %dma_wait3A_404 : memref<1x640x128xf32, #tpu.memory_space<hbm>> -> memref<640x128xf32, #tpu.memory_space<hbm>>
      %dma_wait3A_406 = arith.constant 0 : i32
      %dma_wait3A_407 = tpu.memref_slice %arg21[%mul3A_388, %dma_wait3A_406] : memref<10240x128xf32, #tpu.memory_space<vmem_shared>> -> memref<640x128xf32, #tpu.memory_space<vmem_shared>>
      tpu.wait_dma2 semaphore(%run_scoped3A : memref<!tpu.dma_semaphore, #tpu.memory_space<semaphore_mem>>) src(%dma_wait3A_407 : memref<640x128xf32, #tpu.memory_space<vmem_shared>>) dst(%dma_wait3A_405 : memref<640x128xf32, #tpu.memory_space<hbm>>)
      tpu.yield
    }) : () -> ()
    %mul3A_391 = arith.constant 640 : i32
    %mul3A_392 = arith.muli %arg1, %mul3A_391 : i32
    "tpu.region"() ({
      %run_scoped3A = tpu.sem_alloc : memref<!tpu.dma_semaphore, #tpu.memory_space<semaphore_mem>>
      %dma_start3A_398 = tpu.memref_slice %arg22[%mul3A_392] : memref<10240xf32, #tpu.memory_space<vmem_shared>> -> memref<640xf32, #tpu.memory_space<vmem_shared>>
      %dma_start3A_399 = tpu.memref_slice %arg22[%mul3A_392] : memref<10240xf32, #tpu.memory_space<vmem_shared>> -> memref<640xf32, #tpu.memory_space<vmem_shared>>
      tpu.enqueue_dma source(%dma_start3A_399 : memref<640xf32, #tpu.memory_space<vmem_shared>>) target(%arg10 : memref<640xf32, #tpu.memory_space<vmem>>) target_semaphore(%run_scoped3A : memref<!tpu.dma_semaphore, #tpu.memory_space<semaphore_mem>>)
      %dma_wait3A_400 = tpu.memref_slice %arg22[%mul3A_392] : memref<10240xf32, #tpu.memory_space<vmem_shared>> -> memref<640xf32, #tpu.memory_space<vmem_shared>>
      %dma_wait3A_401 = tpu.memref_slice %arg22[%mul3A_392] : memref<10240xf32, #tpu.memory_space<vmem_shared>> -> memref<640xf32, #tpu.memory_space<vmem_shared>>
      tpu.wait_dma2 semaphore(%run_scoped3A : memref<!tpu.dma_semaphore, #tpu.memory_space<semaphore_mem>>) src(%dma_wait3A_401 : memref<640xf32, #tpu.memory_space<vmem_shared>>) dst(%arg10 : memref<640xf32, #tpu.memory_space<vmem>>)
      tpu.yield
    }) : () -> ()
    %mul3A_393 = arith.constant 10240 : i32
    %mul3A_394 = arith.muli %arg0, %mul3A_393 : i32
    %mul3A_395 = arith.constant 640 : i32
    %mul3A_396 = arith.muli %arg1, %mul3A_395 : i32
    %add3A_397 = arith.addi %mul3A_394, %mul3A_396 : i32
    "tpu.region"() ({
      %run_scoped3A = tpu.sem_alloc : memref<!tpu.dma_semaphore, #tpu.memory_space<semaphore_mem>>
      %dma_start3A_398 = tpu.memref_slice %arg6[%add3A_397] : memref<20480xf32, #tpu.memory_space<hbm>> -> memref<640xf32, #tpu.memory_space<hbm>>
      %dma_start3A_399 = tpu.memref_slice %arg6[%add3A_397] : memref<20480xf32, #tpu.memory_space<hbm>> -> memref<640xf32, #tpu.memory_space<hbm>>
      tpu.enqueue_dma source(%arg10 : memref<640xf32, #tpu.memory_space<vmem>>) target(%dma_start3A_399 : memref<640xf32, #tpu.memory_space<hbm>>) target_semaphore(%run_scoped3A : memref<!tpu.dma_semaphore, #tpu.memory_space<semaphore_mem>>)
      %dma_wait3A_400 = tpu.memref_slice %arg6[%add3A_397] : memref<20480xf32, #tpu.memory_space<hbm>> -> memref<640xf32, #tpu.memory_space<hbm>>
      %dma_wait3A_401 = tpu.memref_slice %arg6[%add3A_397] : memref<20480xf32, #tpu.memory_space<hbm>> -> memref<640xf32, #tpu.memory_space<hbm>>
      tpu.wait_dma2 semaphore(%run_scoped3A : memref<!tpu.dma_semaphore, #tpu.memory_space<semaphore_mem>>) src(%arg10 : memref<640xf32, #tpu.memory_space<vmem>>) dst(%dma_wait3A_401 : memref<640xf32, #tpu.memory_space<hbm>>)
      tpu.yield
    }) : () -> ()
    return
  }
}

module attributes {stable_mosaic.version = 14 : i64} {
  func.func @_tc_combine_body(%arg0: memref<10000x128xf32, #tpu.memory_space<vmem>>, %arg1: memref<2x10240x128xf32, #tpu.memory_space<vmem>>, %arg2: memref<20480xf32, #tpu.memory_space<vmem>>, %arg3: memref<128x2xf32, #tpu.memory_space<vmem>>, %arg4: memref<2x128xf32, #tpu.memory_space<vmem>>, %arg5: memref<128x128xf32, #tpu.memory_space<vmem>>, %arg6: memref<128x128xf32, #tpu.memory_space<vmem>>, %arg7: memref<10000x128xf32, #tpu.memory_space<vmem>>) attributes {dimension_semantics = [], scalar_prefetch = 0 : i64, scratch_operands = 0 : i64, tpu.core_type = #tpu.core_type<tc>} {
    %get3A = arith.constant 0 : index
    %get3A_0 = arith.constant 0 : index
    %get3A_1 = vector.load %arg3[%get3A, %get3A_0] : memref<128x2xf32, #tpu.memory_space<vmem>>, vector<128x2xf32>
    %get3A_2 = arith.constant 0 : index
    %get3A_3 = arith.constant 0 : index
    %get3A_4 = vector.load %arg4[%get3A_2, %get3A_3] : memref<2x128xf32, #tpu.memory_space<vmem>>, vector<2x128xf32>
    %get3A_5 = arith.constant 0 : index
    %get3A_6 = arith.constant 0 : index
    %get3A_7 = vector.load %arg5[%get3A_5, %get3A_6] : memref<128x128xf32, #tpu.memory_space<vmem>>, vector<128x128xf32>
    %get3A_8 = arith.constant 0 : index
    %get3A_9 = arith.constant 0 : index
    %get3A_10 = vector.load %arg6[%get3A_8, %get3A_9] : memref<128x128xf32, #tpu.memory_space<vmem>>, vector<128x128xf32>
    %slice3A = vector.extract_strided_slice %get3A_1 {offsets = [0, 0], sizes = [128, 1], strides = [1, 1]} : vector<128x2xf32> to vector<128x1xf32>
    %mul3A = vector.broadcast %slice3A : vector<128x1xf32> to vector<128x128xf32>
    %mul3A_11 = arith.mulf %mul3A, %get3A_7 : vector<128x128xf32>
    %slice3A_12 = vector.extract_strided_slice %get3A_4 {offsets = [0, 0], sizes = [1, 128], strides = [1, 1]} : vector<2x128xf32> to vector<1x128xf32>
    %mul3A_13 = vector.broadcast %slice3A_12 : vector<1x128xf32> to vector<128x128xf32>
    %mul3A_14 = arith.mulf %mul3A_13, %get3A_10 : vector<128x128xf32>
    %add3A = arith.addf %mul3A_11, %mul3A_14 : vector<128x128xf32>
    %slice3A_15 = vector.extract_strided_slice %get3A_1 {offsets = [0, 1], sizes = [128, 1], strides = [1, 1]} : vector<128x2xf32> to vector<128x1xf32>
    %mul3A_16 = vector.broadcast %slice3A_15 : vector<128x1xf32> to vector<128x128xf32>
    %mul3A_17 = arith.mulf %mul3A_16, %get3A_7 : vector<128x128xf32>
    %slice3A_18 = vector.extract_strided_slice %get3A_4 {offsets = [1, 0], sizes = [1, 128], strides = [1, 1]} : vector<2x128xf32> to vector<1x128xf32>
    %mul3A_19 = vector.broadcast %slice3A_18 : vector<1x128xf32> to vector<128x128xf32>
    %mul3A_20 = arith.mulf %mul3A_19, %get3A_10 : vector<128x128xf32>
    %add3A_21 = arith.addf %mul3A_17, %mul3A_20 : vector<128x128xf32>
    %get3A_22 = arith.constant 0 : index
    %get3A_23 = arith.constant 0 : index
    %get3A_24 = arith.constant 0 : index
    %get3A_25 = vector.load %arg1[%get3A_22, %get3A_23, %get3A_24] : memref<2x10240x128xf32, #tpu.memory_space<vmem>>, vector<1x10240x128xf32>
    %get3A_26 = vector.shape_cast %get3A_25 : vector<1x10240x128xf32> to vector<10240x128xf32>
    %get3A_27 = arith.constant 1 : index
    %get3A_28 = arith.constant 0 : index
    %get3A_29 = arith.constant 0 : index
    %get3A_30 = vector.load %arg1[%get3A_27, %get3A_28, %get3A_29] : memref<2x10240x128xf32, #tpu.memory_space<vmem>>, vector<1x10240x128xf32>
    %get3A_31 = vector.shape_cast %get3A_30 : vector<1x10240x128xf32> to vector<10240x128xf32>
    %add3A_32 = arith.addf %get3A_26, %get3A_31 : vector<10240x128xf32>
    %slice3A_33 = vector.extract_strided_slice %add3A_32 {offsets = [0, 0], sizes = [10000, 128], strides = [1, 1]} : vector<10240x128xf32> to vector<10000x128xf32>
    %get3A_34 = arith.constant 0 : index
    %get3A_35 = vector.load %arg2[%get3A_34] : memref<20480xf32, #tpu.memory_space<vmem>>, vector<20480xf32>
    %slice3A_36 = vector.extract_strided_slice %get3A_35 {offsets = [0], sizes = [10240], strides = [1]} : vector<20480xf32> to vector<10240xf32>
    %slice3A_37 = vector.extract_strided_slice %get3A_35 {offsets = [10240], sizes = [10240], strides = [1]} : vector<20480xf32> to vector<10240xf32>
    %add3A_38 = arith.addf %slice3A_36, %slice3A_37 : vector<10240xf32>
    %slice3A_39 = vector.extract_strided_slice %add3A_38 {offsets = [0], sizes = [10000], strides = [1]} : vector<10240xf32> to vector<10000xf32>
    %max3A = arith.constant 1.000000e+00 : f32
    %max3A_40 = vector.broadcast %max3A : f32 to vector<10000xf32>
    %max3A_41 = arith.maximumf %slice3A_39, %max3A_40 : vector<10000xf32>
    %div3A = arith.constant 1.000000e+00 : f32
    %div3A_42 = vector.broadcast %div3A : f32 to vector<10000xf32>
    %div3A_43 = arith.divf %div3A_42, %max3A_41 : vector<10000xf32>
    %broadcast_in_dim3A = vector.shape_cast %div3A_43 : vector<10000xf32> to vector<10000x1xf32>
    %mul3A_44 = vector.broadcast %broadcast_in_dim3A : vector<10000x1xf32> to vector<10000x128xf32>
    %mul3A_45 = arith.mulf %slice3A_33, %mul3A_44 : vector<10000x128xf32>
    %get3A_46 = arith.constant 0 : index
    %get3A_47 = arith.constant 0 : index
    %get3A_48 = vector.load %arg0[%get3A_46, %get3A_47] : memref<10000x128xf32, #tpu.memory_space<vmem>>, vector<10000x128xf32>
    %dot_general3A = arith.constant dense<0.000000e+00> : vector<10000x128xf32>
    %dot_general3A_49 = tpu.matmul %get3A_48, %add3A, %dot_general3A {dimension_numbers = #tpu.dot_dimension_numbers<[1], [0], [0], [1], [0, 0, 1, 1], [], []>, transpose_lhs_hint = false} : vector<10000x128xf32>, vector<128x128xf32>, vector<10000x128xf32> -> vector<10000x128xf32>
    %dot_general3A_50 = arith.constant dense<0.000000e+00> : vector<10000x128xf32>
    %dot_general3A_51 = tpu.matmul %mul3A_45, %add3A_21, %dot_general3A_50 {dimension_numbers = #tpu.dot_dimension_numbers<[1], [0], [0], [1], [0, 0, 1, 1], [], []>, transpose_lhs_hint = false} : vector<10000x128xf32>, vector<128x128xf32>, vector<10000x128xf32> -> vector<10000x128xf32>
    %add3A_52 = arith.addf %dot_general3A_49, %dot_general3A_51 : vector<10000x128xf32>
    %swap3A = arith.constant 0 : index
    %swap3A_53 = arith.constant 0 : index
    %swap3A_54 = vector.load %arg7[%swap3A, %swap3A_53] : memref<10000x128xf32, #tpu.memory_space<vmem>>, vector<10000x128xf32>
    tpu.vector_store %arg7[%swap3A, %swap3A_53], %add3A_52 {strides = array<i32>} : memref<10000x128xf32, #tpu.memory_space<vmem>>, vector<10000x128xf32>,
    return
  }
}

</mosaic_0001>

<sc_bundles>
// kernel: kernel.4.cloned.1.call-start
scs
__scs_entry_jumppad:
0x0: {  	(pc) =	sbr.rel $0x88, $3  }
0x1: {  	(tag) =	ssettag $0x0;
	lr =	simm.s32 $0x1  }
0x2: {  	[smem:$0x3F9B] =	sst lr;
	_ =	strace $0xD0000000  }
0x3: {  	_ = 	snop  }
0x4: {  	_ = 	snop  }
0x5: {  	_ = 	snop  }
0x6: {  	_ = 	snop  }
0x7: {  	_ = 	snop  }
__scs_overlays_trampoline_lowered:
0x8: {  	[smem:$0x3FAA] =	sst s0  }
0x9: {  	[smem:$0x3FAB] =	sst s1  }
0xa: {  	[smem:$0x3FAC] =	sst s2  }
0xb: {  	[smem:$0x3FAD] =	sst s3  }
0xc: {  	[smem:$0x3FAE] =	sst s4  }
0xd: {  	[smem:$0x3FAF] =	sst s5  }
0xe: {  	[smem:$0x3FB0] =	sst s6  }
0xf: {  	[smem:$0x3FB1] =	sst s7  }
0x10: {  	[smem:$0x3FB2] =	sst s8  }
0x11: {  	[smem:$0x3FB3] =	sst s9;
	s0 =	simm.s32 @!p0 $0x0  }
0x12: {  	s1 =	sld [smem:$0x3F99];
	s0 =	simm.s32 @p0 $0x1  }
0x13: {  	[smem:$0x3FB4] =	sst s0;
	s0 =	simm.s32 @!p1 $0x0  }
0x14: {  	s2 =	sld [smem:$0x3F98];
	s0 =	simm.s32 @p1 $0x1  }
0x15: {  	[smem:$0x3FB5] =	sst s0;
	s0 =	simm.s32 @!p2 $0x0  }
0x16: {  	s3 =	sld [smem:$0x3FDB];
	s0 =	simm.s32 @p2 $0x1  }
0x17: {  	s4 =	simm.s32 $0x1BF5;
	[smem:$0x3FB7] =	sst s0  }
0x18: {  	s0 =	sld [smem:$0x3F9A];
	_ =	swait.ge [sflag:s4], $0x0  }
0x19: {  	s7 =	sld [smem:$0x3F9B]  }
0x1a: {  	s8 =	sadd.s32 $0xFFFFE003, lr  }
0x1b: {  	s9 =	sadd.s32 $0xFFFFFEF7, lr;
	s5 =	simm.s32 $0xFFFFFFFF;
	p2 =	slt.u32 s8, $0xFFFFF086  }
0x1c: {  	p1 =	slt.u32 s9, $0xF7A;
	s5 =	simm.s32 @!p2 $0x0  }
0x1d: {  	s5 =	simm.s32 @p1 $0x1;
	p0 =	seq.s32 s7, s2  }
0x1e: {  	s7 =	smul.u32 @!p0 $0xF7A, s2;
	p2 =	seq.s32 @!p0 s5, $0x0  }
0x1f: {  	s9 =	smul.u32 $0xF7A, s1;
	s8 =	simm.s32 @!p0 $0x1BF5;
	p2 =	por !p2, p0  }
0x20: {  	[sflag:s8] =	ssyncset.s32 @!p0 $0xFFFFF086;
	s6 =	sadd.s32 @!p0 s3, s7;
	s7 =	simm.s32 @!p0 $0x108  }
0x21: {  	s3 =	sadd.s32 s3, s9;
	s6 =	sadd.s32 @!p0 $0x88, s6;
	s7 =	simm.s32 @p2 $0x1082  }
0x22: {  	[simem:s7], [sflag:s8] =	dma.local @!p0 [hbm:s6], $0xF7A  }
0x23: {  	s9 =	sor.u32 $0xD0000000, s2;
	s6 =	simm.s32 $0x108;
	_ =	swait.ge @!p0 [sflag:s8], $0x0  }
0x24: {  	s3 =	sadd.s32 $0x88, s3;
	s6 =	simm.s32 @!p1 $0x1082;
	[sflag:s4] =	ssyncset.s32 $0xFFFFF086  }
0x25: {  	[simem:s6], [sflag:s4] =	dma.local [hbm:s3], $0xF7A  }
0x26: {  	[smem:$0x3F9B] =	sst s1;
	(tag) =	ssettag s2;
	_ =	strace s9  }
0x27: {  	s1 =	sld [smem:$0x3FAB]  }
0x28: {  	s2 =	sld [smem:$0x3FAC]  }
0x29: {  	s4 =	sld [smem:$0x3FAE]  }
0x2a: {  	p0 =	seq.s32 s5, $0x0;
	s5 =	sld [smem:$0x3FAF]  }
0x2b: {  	s6 =	sld [smem:$0x3FB0]  }
0x2c: {  	s7 =	sld [smem:$0x3FB1]  }
0x2d: {  	s3 =	simm.s32 $0x108;
	s8 =	sld [smem:$0x3FB2]  }
0x2e: {  	s3 =	simm.s32 @!p0 $0x1082;
	s9 =	sld [smem:$0x3FB3]  }
0x2f: {  	lr =	sadd.s32 s0, s3;
	s0 =	sld [smem:$0x3FAA]  }
0x30: {  	s3 =	sld [smem:$0x3FAD]  }
0x31: {  	[smem:$0x3FB6] =	sst s10  }
0x32: {  	s10 =	sld [smem:$0x3FB4];
	_ =	sdelay $0x3  }
0x33: {  	p0 =	seq.s32 s10, $0x1;
	s10 =	sld [smem:$0x3FB6];
	_ =	sdelay $0x3  }
0x34: {  	[smem:$0x3FB6] =	sst s10  }
0x35: {  	s10 =	sld [smem:$0x3FB5];
	_ =	sdelay $0x3  }
0x36: {  	p1 =	seq.s32 s10, $0x1;
	s10 =	sld [smem:$0x3FB6];
	_ =	sdelay $0x3  }
0x37: {  	[smem:$0x3FB6] =	sst s10  }
0x38: {  	s10 =	sld [smem:$0x3FB7]  }
0x39: {  	_ = 	snop;
	(pc) =	sbr.ind lr, $3  }
0x3a: {  	_ = 	snop  }
0x3b: {  	_ = 	snop  }
0x3c: {  	p2 =	seq.s32 s10, $0x1;
	s10 =	sld [smem:$0x3FB6]  }
0x3d: {  	_ =	shalt  }
0x3e: {  	_ =	shalt  }
0x3f: {  	_ =	shalt  }
0x40: {  	_ =	shalt  }
0x41: {  	_ =	shalt  }
0x42: {  	_ =	shalt  }
0x43: {  	_ =	shalt  }
0x44: {  	_ =	shalt  }
0x45: {  	_ =	shalt  }
0x46: {  	_ =	shalt  }
0x47: {  	_ =	shalt  }
0x48: {  	_ =	shalt  }
0x49: {  	_ =	shalt  }
0x4a: {  	_ =	shalt  }
0x4b: {  	_ =	shalt  }
0x4c: {  	_ =	shalt  }
0x4d: {  	_ =	shalt  }
0x4e: {  	_ =	shalt  }
0x4f: {  	_ =	shalt  }
0x50: {  	_ =	shalt  }
0x51: {  	_ =	shalt  }
0x52: {  	_ =	shalt  }
0x53: {  	_ =	shalt  }
0x54: {  	_ =	shalt  }
0x55: {  	_ =	shalt  }
0x56: {  	_ =	shalt  }
0x57: {  	_ =	shalt  }
0x58: {  	_ =	shalt  }
0x59: {  	_ =	shalt  }
0x5a: {  	_ =	shalt  }
0x5b: {  	_ =	shalt  }
0x5c: {  	_ =	shalt  }
0x5d: {  	_ =	shalt  }
0x5e: {  	_ =	shalt  }
0x5f: {  	_ =	shalt  }
0x60: {  	_ =	shalt  }
0x61: {  	_ =	shalt  }
0x62: {  	_ =	shalt  }
0x63: {  	_ =	shalt  }
0x64: {  	_ =	shalt  }
0x65: {  	_ =	shalt  }
0x66: {  	_ =	shalt  }
0x67: {  	_ =	shalt  }
0x68: {  	_ =	shalt  }
0x69: {  	_ =	shalt  }
0x6a: {  	_ =	shalt  }
0x6b: {  	_ =	shalt  }
0x6c: {  	_ =	shalt  }
0x6d: {  	_ =	shalt  }
0x6e: {  	_ =	shalt  }
0x6f: {  	_ =	shalt  }
0x70: {  	_ =	shalt  }
0x71: {  	_ =	shalt  }
0x72: {  	_ =	shalt  }
0x73: {  	_ =	shalt  }
0x74: {  	_ =	shalt  }
0x75: {  	_ =	shalt  }
0x76: {  	_ =	shalt  }
0x77: {  	_ =	shalt  }
0x78: {  	_ =	shalt  }
0x79: {  	_ =	shalt  }
0x7a: {  	_ =	shalt  }
0x7b: {  	_ =	shalt  }
0x7c: {  	_ =	shalt  }
0x7d: {  	_ =	shalt  }
0x7e: {  	_ =	shalt  }
0x7f: {  	_ =	shalt  }
0x80: {  	_ =	shalt  }
0x81: {  	_ =	shalt  }
0x82: {  	_ =	shalt  }
0x83: {  	_ =	shalt  }
0x84: {  	_ =	shalt  }
0x85: {  	_ =	shalt  }
0x86: {  	_ =	shalt  }
0x87: {  	_ =	shalt  }
.Lfunc_end0:
.L_simem_size_0:
called_computation_lowered:
.L_overlay_start_0:
0x88: {  	s2 =	sld [smem:$0x3FD9]  }
0x89: {  	s3 =	sld [smem:$0x3FFE];
	_ =	sdelay $0x1  }
0x8a: {  	s1 =	srdreg.scid  }
0x8b: {  	s0 =	sand.u32 $0x1, s1  }
0x8c: {  	s17 =	sshll.u32 s0, $0xA;
	s2 =	sadd.s32 s3, s2  }
0x8d: {  	s2 =	sadd.s32 s2, s17  }
0x8e: {  	[smem:$0x3FC2] =	sst s2  }
0x8f: {  	_ = 	snop  }
0x90: {  	s2 =	sld [smem:$0x3FC9]  }
0x91: {  	s18 =	sld [smem:$0x3FD0];
	(tm) =	ssettm $0x1  }
0x92: {  	s4 =	sld [smem:$0x3FFB];
	_ =	sdelay $0x3  }
0x93: {  	_ =	strace s4  }
0x94: {  	s4 =	sld [smem:$0x3FFC];
	_ =	sdelay $0x3  }
0x95: {  	_ =	strace s4  }
0x96: {  	s4 =	sld [smem:$0x3FFD];
	_ =	sdelay $0x3  }
0x97: {  	_ =	strace s4  }
0x98: {  	_ =	strace $0x8FFFFFFF  }
0x99: {  	s19 =	sld [smem:$0x3FDB];
	_ =	sdelay $0x1  }
0x9a: {  	s5 =	simm.s32 $_scs_section_size  }
0x9b: {  	s6 =	simm.s32 $_size__tile_overlayer_lowered;
	s7 =	simm.s32 $_tile_overlayer_lowered  }
0x9c: {  	s22 =	simm.s32 $0x1BFF;
	s21 =	sshll.u32 s7, $0x1;
	s4 =	sadd.s32 s5, s19  }
0x9d: {  	s8 =	simm.s32 $0x0;
	s20 =	sshll.u32 s6, $0x1;
	s6 =	sadd.s32 s21, s4  }
0x9e: {  	[timem:s8], [sflag:s22] =	dma.local [hbm:s6], s20  }
0x9f: {  	_ =	swait.ge [sflag:s22], s20  }
0xa0: {  	s5 =	ssub.s32 $0x0, s20;
	[sflag:s22] =	ssyncset.done $0x0  }
0xa1: {  	[sflag:s22] =	ssyncadd.s32 s5;
	_ =	sdelay $0x1  }
0xa2: {  	s23 =	simm.s32 $0x1B8B  }
0xa3: {  	_ =	swait.ge [sflag:s23], $0x1  }
0xa4: {  	[sflag:s23] =	ssyncset.done $0x0  }
0xa5: {  	s25 =	simm.s32 $0x1B8E;
	s24 =	sld [smem:$0x3FFE];
	[sflag:s23] =	ssyncadd.s32 $0xFFFFFFFF  }
0xa6: {  	s26 =	simm.s32 $execute0_lowered;
	[smem:$0x3FD2] =	sst s25  }
0xa7: {  	s6 =	sshll.u32 s26, $0x1;
	_ =	strace $0x80000046;
	[dreg:$0x1] =	wrdreg $0xFFFFFFFF  }
0xa8: {  	s28 =	simm.s32 $_size_execute0_lowered;
	s4 =	sadd.s32 s4, s6;
	[dreg:$0x0] =	wrdreg $0x0  }
0xa9: {  	s6 =	sshll.u32 s28, $0x1;
	[dreg:$0x2] =	wrdreg s4  }
0xaa: {  	[dreg:$0x3] =	wrdreg s6  }
0xab: {  	[dreg:$0x4] =	wrdreg $0xC0  }
0xac: {  	_ =	task [dreg:s8], $0x5FFFF  }
0xad: {  	[dreg:$0x1] =	wrdreg $0xFFFFFFFF  }
0xae: {  	[dreg:$0x0] =	wrdreg $0x60  }
0xaf: {  	[dreg:$0x2] =	wrdreg s2  }
0xb0: {  	[dreg:$0x3] =	wrdreg s18  }
0xb1: {  	[dreg:$0x4] =	wrdreg s24  }
0xb2: {  	[dreg:$0x5] =	wrdreg $0xB3000  }
0xb3: {  	[dreg:$0x6] =	wrdreg $0x1F3000  }
0xb4: {  	[dreg:$0x7] =	wrdreg $0x9  }
0xb5: {  	_ =	task.clear_ibuf [dreg:s8], $0x8FFFF;
	_ =	strace $0x90000046  }
0xb6: {  	s29 =	simm.s32 $0x9;
	_ =	strace $0x80000048  }
0xb7: {  	_ =	swait.ge [sflag:s29], $0x1  }
0xb8: {  	[sflag:s29] =	ssyncadd.s32 $0xFFFFFFFF  }
0xb9: {  	_ =	strace $0x90000048  }
0xba: {  	_ =	sfence  }
0xbb: {  	s30 =	sld [smem:$0x0];
	_ =	sdelay $0x2  }
0xbc: {  	s31 =	sshll.u32 s1, $0xD;
	s1 =	sshrl.u32 s1, $0x2  }
0xbd: {  	s3 =	sand.u32 $0x4000, s31;
	s1 =	sadd.s32 s1, s30  }
0xbe: {  	s0 =	sor.u32 s3, s0;
	s1 =	sshll.u32 s1, $0x11  }
0xbf: {  	s0 =	sor.u32 s1, s0  }
0xc0: {  	s0 =	sadd.s32 $0x8F2B, s0  }
0xc1: {  	[sflag:s0] =	ssyncadd.remote.s32 $0x1  }
0xc2: {  	_ =	sfence.sel $0xFFFF  }
0xc3: {  	[dreg:$0x0] =	wrdreg $0xFFFFFFFF;
	(pc) =	sbr.abs _section_cstart, $3  }
0xc4: {  	[dreg:$0x1] =	wrdreg $0xFFFFFFFF  }
0xc5: {  	_ =	task.clear_ibuf [dreg:s8], $0x2FFFF;
	_ =	strace $0x9FFFFFFF  }
0xc6: {  	(tm) =	ssettm $0x7FFFFFFF  }
0xc7: {  	_ =	shalt  }
tec
execute0_lowered:
.L_overlay_start_1:
0x0: {  	(tag) =	ssettag $0x1  }
0x1: {  	s1 =	rddreg [dreg:$0x0]  }
0x2: {  	s0 =	rddreg [dreg:$0x1]  }
0x3: {  	s2 =	rddreg [dreg:$0x2];
	s13 =	stileid.u32  }
0x4: {  	s4 =	srdreg.scid;
	s3 =	rddreg [dreg:$0x3]  }
0x5: {  	s26 =	simm.s32 $0x0;
	s28 =	simm.s32 $0x8800;
	s30 =	simm.s32 $0xB000  }
0x6: {  	s31 =	simm.s32 $0x4;
	s17 =	simm.s32 $0x6;
	s15 =	simm.s32 $0xA  }
0x7: {  	s16 =	simm.s32 $0x780;
	s14 =	simm.s32 $0xB80;
	s5 =	smul.u32 $0x14000, s13  }
0x8: {  	s6 =	sand.u32 $0x1, s4;
	s4 =	rddreg [dreg:$0x4];
	s8 =	smul.u32 $0x280, s13  }
0x9: {  	s29 =	simm.s32 $0xC80;
	[smem:$0x7FF] =	sst s26;
	s18 =	smul.u32 $0x50000, s13  }
0xa: {  	s11 =	sshll.u32 s13, $0xF;
	s21 =	sshll.u32 s13, $0x6;
	s7 =	smul.u32 $0x140000, s6  }
0xb: {  	s13 =	simm.s32 $0xA80;
	s9 =	smul.u32 $0x2800, s6;
	_ =	strace $0x80000047  }
0xc: {  	s10 =	sshll.u32 s6, $0x13;
	s6 =	ssub.s32 $0x2, s6;
	s22 =	sor.u32 $0x1C0B, s21  }
0xd: {  	s21 =	simm.s32 $0x980;
	s10 =	sor.u32 s11, s10;
	s19 =	sshrl.u32 s6, $0x1  }
0xe: {  	s20 =	sshrl.u32 s18, $0x2;
	s23 =	sadd.s32 s8, s4;
	s11 =	simm.s32 $0x8  }
0xf: {  	s18 =	simm.s32 $0x9;
	s7 =	sadd.s32 s5, s7;
	s5 =	sshrl.u32 s5, $0x3  }
0x10: {  	s9 =	sadd.s32 s8, s9;
	s12 =	sshrl.u32 s10, $0x3;
	s6 =	ssub.s32 s6, s19  }
0x11: {  	[dreg:$0x9] =	wrdreg s23;
	s24 =	sor.u32 $0x1000, s10;
	s19 =	simm.s32 $0x50  }
0x12: {  	s23 =	simm.s32 $0x2;
	s7 =	sshrl.u32 s7, $0x3;
	s5 =	sadd.s32 s5, s2  }
0x13: {  	s9 =	sshrl.u32 s9, $0x3;
	s12 =	sadd.s32 s12, s0;
	s25 =	sshrl.u32 s24, $0x3  }
0x14: {  	s24 =	simm.s32 $0x6000;
	s7 =	sadd.s32 s7, s2;
	s2 =	sadd.s32 s9, s2  }
0x15: {  	s9 =	sadd.s32 s20, s3;
	s5 =	sadd.s32 $0x1600, s5;
	[dreg:$0x6] =	wrdreg s12  }
0x16: {  	s8 =	sadd.s32 $0x100, s12;
	s0 =	sadd.s32 s25, s0;
	[dreg:$0x7] =	wrdreg s5  }
0x17: {  	s20 =	simm.s32 $0x1000;
	s25 =	simm.s32 $0x3;
	[dreg:$0xd] =	wrdreg s8  }
0x18: {  	s12 =	simm.s32 $0x0;
	s7 =	sadd.s32 $0x29600, s7;
	[dreg:$0xe] =	wrdreg s0  }
0x19: {  	s2 =	sadd.s32 $0x79600, s2;
	s10 =	sshrl.u32 s9, $0x3;
	[dreg:$0x10] =	wrdreg s12  }
.Ltmp0:
0x1a: {  	s9 =	smov.u32 s22;
	[dreg:$0xa] =	wrdreg s7;
	(pc) =	sbr.rel .LBB2_1-.Ltmp0, $4  }
0x1b: {  	s22 =	simm.s32 $0x3800;
	s0 =	simm.s32 $0x7;
	[dreg:$0xb] =	wrdreg s2  }
0x1c: {  	s8 =	simm.s32 $0x880;
	s7 =	smax.u32 s6, $0x1;
	[dreg:$0xf] =	wrdreg s10  }
0x1d: {  	s10 =	simm.s32 $0x5;
	s2 =	simm.s32 $0xD80;
	[dreg:$0x8] =	wrdreg s9  }
0x1e: {  	v0 =	vimm.f32 $0.0e+00;
	v1 =	vimm.f32 $1.000000000e+00;
	s6 =	simm.s32 $0xF80;
	[dreg:$0xc] =	wrdreg s7;
	s7 =	simm.s32 $0xE80  }
.LBB2_4:
0x1f: {  	[spmem:s3] =	stream.indirect.scatter.add.f32 [tilespmem:s28], [sflag:$0xA], $0x80, s6, s19, $0xb8;
	[tilespmem:$0x1F580] =	vst v63  }
0x20: {  	_ = 	snop  }
0x21: {  	[spmem:s4] =	stream.indirect.scatter.add.f32 [tilespmem:s30], [sflag:$0xA], $0x1, s6, s19, $0xb8;
	[tilespmem:$0x1F580] =	vst v63  }
0x22: {  	_ =	swait.ge [sflag:s15], $0x2800  }
0x23: {  	[sflag:s15] =	ssyncset.done $0x0  }
0x24: {  	[sflag:s15] =	ssyncadd.s32 $0xFFFFD800  }
0x25: {  	_ =	swait.ge [sflag:s15], $0x50  }
0x26: {  	[sflag:s15] =	ssyncset.done $0x0  }
0x27: {  	[sflag:s15] =	ssyncadd.s32 $0xFFFFFFB0  }
0x28: {  	[bflag:$0x0] =	sbarrier.arrive $0xFFFF  }
0x29: {  	s12 =	rddreg [dreg:$0x8]  }
0x2a: {  	s5 =	rddreg [dreg:$0xa]  }
0x2b: {  	s9 =	rddreg [dreg:$0xf]  }
0x2c: {  	[hbm:s5], [sflag:s12] =	dma.local [spmem:s9], $0x2800  }
0x2d: {  	s12 =	simm.s32 $0xB  }
0x2e: {  	_ =	swait.ge [sflag:s12], $0x2800  }
0x2f: {  	[sflag:s12] =	ssyncset.done $0x0  }
0x30: {  	s9 =	simm.s32 $0xB080;
	s26 =	rddreg [dreg:$0x9];
	[sflag:s12] =	ssyncadd.s32 $0xFFFFD800  }
0x31: {  	[tilespmem:s9], [sflag:$0xB] =	stream.linear.gather [spmem:s26], $0x280, $0x38;
	[tilespmem:$0x1F580] =	vst v63  }
0x32: {  	_ =	swait.ge [sflag:s12], $0x280  }
0x33: {  	[sflag:s12] =	ssyncset.done $0x0  }
0x34: {  	s26 =	simm.s32 $0x0;
	s5 =	rddreg [dreg:$0xb];
	[sflag:s12] =	ssyncadd.s32 $0xFFFFFD80  }
0x35: {  	[hbm4b:s5+s26] =	stream.linear.scatter [tilespmem:s9], [sflag:$0xB], $0x280, $0x38;
	[tilespmem:$0x1F580] =	vst v63  }
0x36: {  	_ =	swait.ge [sflag:s12], $0x280  }
0x37: {  	s5 =	rddreg [dreg:$0x10]  }
0x38: {  	[sflag:s12] =	ssyncset.done $0x0;
	s12 =	rddreg [dreg:$0xc];
	s9 =	sadd.s32 $0x1, s5  }
0x39: {  	p0 =	sne.s32 s9, s12  }
.Ltmp1:
0x3a: {  	_ = 	snop;
	(pc) =	sbr.rel @!p0 .LBB2_5-.Ltmp1, $3  }
0x3b: {  	_ =	sdelay $0x1  }
0x3c: {  	[dreg:$0x10] =	wrdreg s9;
	s12 =	simm.s32 $0xB  }
0x3d: {  	s9 =	rddreg [dreg:$0x8];
	[sflag:s12] =	ssyncadd.s32 $0xFFFFFD80  }
.LBB2_1:
0x3e: {  	s5 =	rddreg [dreg:$0x6]  }
0x3f: {  	s12 =	rddreg [dreg:$0xf]  }
0x40: {  	[tilespmem:s26], [sflag:$0x1] =	stream.linear.gather [hbm4b:s5+s26], $0x800, $0x38;
	[tilespmem:$0x1F580] =	vst v63  }
0x41: {  	s5 =	rddreg [dreg:$0x7]  }
0x42: {  	[spmem:s12], [sflag:s9] =	dma.local [hbm:s5], $0x2800  }
0x43: {  	s9 =	simm.s32 $0xB  }
0x44: {  	_ =	swait.ge [sflag:s9], $0x2800  }
0x45: {  	[sflag:s9] =	ssyncset.done $0x0  }
0x46: {  	[sflag:s9] =	ssyncadd.s32 $0xFFFFD800  }
0x47: {  	[tilespmem:$0xB080] =	vst v0  }
0x48: {  	[tilespmem:$0xB090] =	vst v0  }
0x49: {  	[tilespmem:$0xB0A0] =	vst v0  }
0x4a: {  	[tilespmem:$0xB0B0] =	vst v0  }
0x4b: {  	[tilespmem:$0xB0C0] =	vst v0  }
0x4c: {  	[tilespmem:$0xB0D0] =	vst v0  }
0x4d: {  	[tilespmem:$0xB0E0] =	vst v0  }
0x4e: {  	[tilespmem:$0xB0F0] =	vst v0  }
0x4f: {  	[tilespmem:$0xB100] =	vst v0  }
0x50: {  	[tilespmem:$0xB110] =	vst v0  }
0x51: {  	[tilespmem:$0xB120] =	vst v0  }
0x52: {  	[tilespmem:$0xB130] =	vst v0  }
0x53: {  	[tilespmem:$0xB140] =	vst v0  }
0x54: {  	[tilespmem:$0xB150] =	vst v0  }
0x55: {  	[tilespmem:$0xB160] =	vst v0  }
0x56: {  	[tilespmem:$0xB170] =	vst v0  }
0x57: {  	[tilespmem:$0xB180] =	vst v0  }
0x58: {  	[tilespmem:$0xB190] =	vst v0  }
0x59: {  	[tilespmem:$0xB1A0] =	vst v0  }
0x5a: {  	[tilespmem:$0xB1B0] =	vst v0  }
0x5b: {  	[tilespmem:$0xB1C0] =	vst v0  }
0x5c: {  	[tilespmem:$0xB1D0] =	vst v0  }
0x5d: {  	[tilespmem:$0xB1E0] =	vst v0  }
0x5e: {  	[tilespmem:$0xB1F0] =	vst v0  }
0x5f: {  	[tilespmem:$0xB200] =	vst v0  }
0x60: {  	[tilespmem:$0xB210] =	vst v0  }
0x61: {  	[tilespmem:$0xB220] =	vst v0  }
0x62: {  	[tilespmem:$0xB230] =	vst v0  }
0x63: {  	[tilespmem:$0xB240] =	vst v0  }
0x64: {  	[tilespmem:$0xB250] =	vst v0  }
0x65: {  	[tilespmem:$0xB260] =	vst v0  }
0x66: {  	[tilespmem:$0xB270] =	vst v0  }
0x67: {  	[tilespmem:$0xB280] =	vst v0  }
0x68: {  	[tilespmem:$0xB290] =	vst v0  }
0x69: {  	[tilespmem:$0xB2A0] =	vst v0  }
0x6a: {  	[tilespmem:$0xB2B0] =	vst v0  }
0x6b: {  	[tilespmem:$0xB2C0] =	vst v0  }
0x6c: {  	[tilespmem:$0xB2D0] =	vst v0  }
0x6d: {  	[tilespmem:$0xB2E0] =	vst v0  }
0x6e: {  	s12 =	simm.s32 $0xB080;
	s5 =	rddreg [dreg:$0x9];
	s9 =	simm.s32 $0xB;
	[tilespmem:$0xB2F0] =	vst v0  }
0x6f: {  	[spmem:s5] =	stream.linear.scatter [tilespmem:s12], [sflag:$0xB], $0x280, $0x38;
	[tilespmem:$0x1F580] =	vst v63  }
0x70: {  	_ =	swait.ge [sflag:s9], $0x280  }
0x71: {  	[sflag:s9] =	ssyncset.done $0x0  }
0x72: {  	[sflag:s9] =	ssyncadd.s32 $0xFFFFFD80  }
0x73: {  	[tilespmem:$0xB000] =	vst v1  }
0x74: {  	[tilespmem:$0xB010] =	vst v1  }
0x75: {  	[tilespmem:$0xB020] =	vst v1  }
0x76: {  	[tilespmem:$0xB030] =	vst v1  }
0x77: {  	[tilespmem:$0xB040] =	vst v1  }
0x78: {  	s12 =	simm.s32 $0x1;
	[bflag:$0x0] =	sbarrier.arrive $0xFFFF  }
0x79: {  	_ =	swait.ge [sflag:s12], $0x800  }
0x7a: {  	[sflag:s12] =	ssyncset.done $0x0  }
0x7b: {  	[sflag:s12] =	ssyncadd.s32 $0xFFFFF800  }
0x7c: {  	[tilespmem:s20], [sflag:$0x3] =	stream.indirect.gather [hbm4b:s1+s19], $0x80, s26, s19, $0xb8;
	[tilespmem:$0x1F580] =	vst v63  }
0x7d: {  	s9 =	simm.s32 $0x100  }
0x7e: {  	[tilespmem:s22], [sflag:$0x4] =	stream.indirect.gather [hbm4b:s1+s19], $0x80, s9, s19, $0xb8;
	[tilespmem:$0x1F580] =	vst v63  }
0x7f: {  	s12 =	simm.s32 $0x200;
	s9 =	simm.s32 $0x0  }
0x80: {  	[tilespmem:s24], [sflag:$0x5] =	stream.indirect.gather [hbm4b:s1+s19], $0x80, s12, s19, $0xb8;
	[tilespmem:$0x1F580] =	vst v63  }
.LBB2_2:
0x81: {  	_ =	swait.ge [sflag:s25], $0x2800  }
0x82: {  	p0 =	seq.s32 s9, $0x0;
	[sflag:s25] =	ssyncset.done $0x0  }
0x83: {  	s5 =	simm.s32 @!p0 $0xA;
	[sflag:s25] =	ssyncadd.s32 $0xFFFFD800  }
0x84: {  	_ =	swait.ge @!p0 [sflag:s5], $0x2800  }
0x85: {  	[sflag:s5] =	ssyncset.done @!p0 $0x0  }
0x86: {  	[sflag:s5] =	ssyncadd.s32 @!p0 $0xFFFFD800  }
0x87: {  	_ =	swait.ge @!p0 [sflag:s5], $0x50  }
0x88: {  	[sflag:s5] =	ssyncset.done @!p0 $0x0  }
0x89: {  	s12 =	simm.s32 $0x300;
	[sflag:s5] =	ssyncadd.s32 @!p0 $0xFFFFFFB0  }
0x8a: {  	[tilespmem:s28], [sflag:$0x6] =	stream.indirect.gather [hbm4b:s1+s19], $0x80, s12, s19, $0xb8;
	[tilespmem:$0x1F580] =	vst v63  }
0x8b: {  	s12 =	simm.s32 $0x80  }
0x8c: {  	[spmem:s3] =	stream.indirect.scatter.add.f32 [tilespmem:s20], [sflag:$0x7], $0x80, s12, s19, $0xb8;
	[tilespmem:$0x1F580] =	vst v63  }
0x8d: {  	_ = 	snop  }
0x8e: {  	[spmem:s4] =	stream.indirect.scatter.add.f32 [tilespmem:s30], [sflag:$0x7], $0x1, s12, s19, $0xb8;
	[tilespmem:$0x1F580] =	vst v63  }
0x8f: {  	_ =	swait.ge [sflag:s31], $0x2800  }
0x90: {  	[sflag:s31] =	ssyncset.done $0x0;
	s12 =	rddreg [dreg:$0xd]  }
0x91: {  	[sflag:s31] =	ssyncadd.s32 $0xFFFFD800;
	s5 =	sadd.s32 s9, s12;
	s12 =	simm.s32 $0x800  }
0x92: {  	[tilespmem:s12], [sflag:$0x2] =	stream.linear.gather [hbm4b:s5+s26], $0x800, $0x38;
	[tilespmem:$0x1F580] =	vst v63  }
0x93: {  	_ =	swait.ge [sflag:s0], $0x2800  }
0x94: {  	[sflag:s0] =	ssyncset.done $0x0  }
0x95: {  	[sflag:s0] =	ssyncadd.s32 $0xFFFFD800  }
0x96: {  	_ =	swait.ge [sflag:s0], $0x50  }
0x97: {  	[sflag:s0] =	ssyncset.done $0x0  }
0x98: {  	s26 =	simm.s32 $0x400;
	[sflag:s0] =	ssyncadd.s32 $0xFFFFFFB0  }
0x99: {  	[tilespmem:s20], [sflag:$0x3] =	stream.indirect.gather [hbm4b:s1+s19], $0x80, s26, s19, $0xb8;
	[tilespmem:$0x1F580] =	vst v63  }
0x9a: {  	s26 =	simm.s32 $0x180  }
0x9b: {  	[spmem:s3] =	stream.indirect.scatter.add.f32 [tilespmem:s22], [sflag:$0x8], $0x80, s26, s19, $0xb8;
	[tilespmem:$0x1F580] =	vst v63  }
0x9c: {  	_ = 	snop  }
0x9d: {  	[spmem:s4] =	stream.indirect.scatter.add.f32 [tilespmem:s30], [sflag:$0x8], $0x1, s26, s19, $0xb8;
	[tilespmem:$0x1F580] =	vst v63  }
0x9e: {  	_ =	swait.ge [sflag:s10], $0x2800  }
0x9f: {  	[sflag:s10] =	ssyncset.done $0x0  }
0xa0: {  	[sflag:s10] =	ssyncadd.s32 $0xFFFFD800  }
0xa1: {  	_ =	swait.ge [sflag:s11], $0x2800  }
0xa2: {  	[sflag:s11] =	ssyncset.done $0x0  }
0xa3: {  	[sflag:s11] =	ssyncadd.s32 $0xFFFFD800  }
0xa4: {  	_ =	swait.ge [sflag:s11], $0x50  }
0xa5: {  	[sflag:s11] =	ssyncset.done $0x0  }
0xa6: {  	s26 =	simm.s32 $0x500;
	[sflag:s11] =	ssyncadd.s32 $0xFFFFFFB0  }
0xa7: {  	[tilespmem:s22], [sflag:$0x4] =	stream.indirect.gather [hbm4b:s1+s19], $0x80, s26, s19, $0xb8;
	[tilespmem:$0x1F580] =	vst v63  }
0xa8: {  	s26 =	simm.s32 $0x280  }
0xa9: {  	[spmem:s3] =	stream.indirect.scatter.add.f32 [tilespmem:s24], [sflag:$0x9], $0x80, s26, s19, $0xb8;
	[tilespmem:$0x1F580] =	vst v63  }
0xaa: {  	_ = 	snop  }
0xab: {  	[spmem:s4] =	stream.indirect.scatter.add.f32 [tilespmem:s30], [sflag:$0x9], $0x1, s26, s19, $0xb8;
	[tilespmem:$0x1F580] =	vst v63  }
0xac: {  	_ =	swait.ge [sflag:s17], $0x2800  }
0xad: {  	[sflag:s17] =	ssyncset.done $0x0  }
0xae: {  	[sflag:s17] =	ssyncadd.s32 $0xFFFFD800  }
0xaf: {  	_ =	swait.ge [sflag:s18], $0x2800  }
0xb0: {  	[sflag:s18] =	ssyncset.done $0x0  }
0xb1: {  	[sflag:s18] =	ssyncadd.s32 $0xFFFFD800  }
0xb2: {  	_ =	swait.ge [sflag:s18], $0x50  }
0xb3: {  	[sflag:s18] =	ssyncset.done $0x0  }
0xb4: {  	s26 =	simm.s32 $0x600;
	[sflag:s18] =	ssyncadd.s32 $0xFFFFFFB0  }
0xb5: {  	[tilespmem:s24], [sflag:$0x5] =	stream.indirect.gather [hbm4b:s1+s19], $0x80, s26, s19, $0xb8;
	[tilespmem:$0x1F580] =	vst v63  }
0xb6: {  	s26 =	simm.s32 $0x380  }
0xb7: {  	[spmem:s3] =	stream.indirect.scatter.add.f32 [tilespmem:s28], [sflag:$0xA], $0x80, s26, s19, $0xb8;
	[tilespmem:$0x1F580] =	vst v63  }
0xb8: {  	_ = 	snop  }
0xb9: {  	[spmem:s4] =	stream.indirect.scatter.add.f32 [tilespmem:s30], [sflag:$0xA], $0x1, s26, s19, $0xb8;
	[tilespmem:$0x1F580] =	vst v63  }
0xba: {  	_ =	swait.ge [sflag:s25], $0x2800  }
0xbb: {  	[sflag:s25] =	ssyncset.done $0x0  }
0xbc: {  	[sflag:s25] =	ssyncadd.s32 $0xFFFFD800  }
0xbd: {  	_ =	swait.ge [sflag:s15], $0x2800  }
0xbe: {  	[sflag:s15] =	ssyncset.done $0x0  }
0xbf: {  	[sflag:s15] =	ssyncadd.s32 $0xFFFFD800  }
0xc0: {  	_ =	swait.ge [sflag:s15], $0x50  }
0xc1: {  	[sflag:s15] =	ssyncset.done $0x0  }
0xc2: {  	s26 =	simm.s32 $0x700;
	[sflag:s15] =	ssyncadd.s32 $0xFFFFFFB0  }
0xc3: {  	[tilespmem:s28], [sflag:$0x6] =	stream.indirect.gather [hbm4b:s1+s19], $0x80, s26, s19, $0xb8;
	[tilespmem:$0x1F580] =	vst v63  }
0xc4: {  	s26 =	simm.s32 $0x480  }
0xc5: {  	[spmem:s3] =	stream.indirect.scatter.add.f32 [tilespmem:s20], [sflag:$0x7], $0x80, s26, s19, $0xb8;
	[tilespmem:$0x1F580] =	vst v63  }
0xc6: {  	_ = 	snop  }
0xc7: {  	[spmem:s4] =	stream.indirect.scatter.add.f32 [tilespmem:s30], [sflag:$0x7], $0x1, s26, s19, $0xb8;
	[tilespmem:$0x1F580] =	vst v63  }
0xc8: {  	_ =	swait.ge [sflag:s31], $0x2800  }
0xc9: {  	[sflag:s31] =	ssyncset.done $0x0  }
0xca: {  	[sflag:s31] =	ssyncadd.s32 $0xFFFFD800  }
0xcb: {  	_ =	swait.ge [sflag:s0], $0x2800  }
0xcc: {  	[sflag:s0] =	ssyncset.done $0x0  }
0xcd: {  	[sflag:s0] =	ssyncadd.s32 $0xFFFFD800  }
0xce: {  	_ =	swait.ge [sflag:s0], $0x50  }
0xcf: {  	[sflag:s0] =	ssyncset.done $0x0  }
0xd0: {  	[sflag:s0] =	ssyncadd.s32 $0xFFFFFFB0  }
0xd1: {  	_ =	swait.ge [sflag:s23], $0x800  }
0xd2: {  	[sflag:s23] =	ssyncset.done $0x0  }
0xd3: {  	[sflag:s23] =	ssyncadd.s32 $0xFFFFF800  }
0xd4: {  	[tilespmem:s20], [sflag:$0x3] =	stream.indirect.gather [hbm4b:s1+s19], $0x80, s12, s19, $0xb8;
	[tilespmem:$0x1F580] =	vst v63  }
0xd5: {  	s26 =	simm.s32 $0x580  }
0xd6: {  	[spmem:s3] =	stream.indirect.scatter.add.f32 [tilespmem:s22], [sflag:$0x8], $0x80, s26, s19, $0xb8;
	[tilespmem:$0x1F580] =	vst v63  }
0xd7: {  	_ = 	snop  }
0xd8: {  	[spmem:s4] =	stream.indirect.scatter.add.f32 [tilespmem:s30], [sflag:$0x8], $0x1, s26, s19, $0xb8;
	[tilespmem:$0x1F580] =	vst v63  }
0xd9: {  	_ =	swait.ge [sflag:s10], $0x2800  }
0xda: {  	[sflag:s10] =	ssyncset.done $0x0  }
0xdb: {  	[sflag:s10] =	ssyncadd.s32 $0xFFFFD800  }
0xdc: {  	_ =	swait.ge [sflag:s11], $0x2800  }
0xdd: {  	[sflag:s11] =	ssyncset.done $0x0  }
0xde: {  	[sflag:s11] =	ssyncadd.s32 $0xFFFFD800  }
0xdf: {  	_ =	swait.ge [sflag:s11], $0x50  }
0xe0: {  	[sflag:s11] =	ssyncset.done $0x0  }
0xe1: {  	s12 =	simm.s32 $0x900;
	[sflag:s11] =	ssyncadd.s32 $0xFFFFFFB0  }
0xe2: {  	[tilespmem:s22], [sflag:$0x4] =	stream.indirect.gather [hbm4b:s1+s19], $0x80, s12, s19, $0xb8;
	[tilespmem:$0x1F580] =	vst v63  }
0xe3: {  	s26 =	simm.s32 $0x680  }
0xe4: {  	[spmem:s3] =	stream.indirect.scatter.add.f32 [tilespmem:s24], [sflag:$0x9], $0x80, s26, s19, $0xb8;
	[tilespmem:$0x1F580] =	vst v63  }
0xe5: {  	_ = 	snop  }
0xe6: {  	[spmem:s4] =	stream.indirect.scatter.add.f32 [tilespmem:s30], [sflag:$0x9], $0x1, s26, s19, $0xb8;
	[tilespmem:$0x1F580] =	vst v63  }
0xe7: {  	_ =	swait.ge [sflag:s17], $0x2800  }
0xe8: {  	[sflag:s17] =	ssyncset.done $0x0  }
0xe9: {  	[sflag:s17] =	ssyncadd.s32 $0xFFFFD800  }
0xea: {  	_ =	swait.ge [sflag:s18], $0x2800  }
0xeb: {  	[sflag:s18] =	ssyncset.done $0x0  }
0xec: {  	[sflag:s18] =	ssyncadd.s32 $0xFFFFD800  }
0xed: {  	_ =	swait.ge [sflag:s18], $0x50  }
0xee: {  	[sflag:s18] =	ssyncset.done $0x0  }
0xef: {  	s12 =	simm.s32 $0xA00;
	[sflag:s18] =	ssyncadd.s32 $0xFFFFFFB0  }
0xf0: {  	[tilespmem:s24], [sflag:$0x5] =	stream.indirect.gather [hbm4b:s1+s19], $0x80, s12, s19, $0xb8;
	[tilespmem:$0x1F580] =	vst v63  }
0xf1: {  	_ = 	snop  }
0xf2: {  	[spmem:s3] =	stream.indirect.scatter.add.f32 [tilespmem:s28], [sflag:$0xA], $0x80, s16, s19, $0xb8;
	[tilespmem:$0x1F580] =	vst v63  }
0xf3: {  	_ = 	snop  }
0xf4: {  	[spmem:s4] =	stream.indirect.scatter.add.f32 [tilespmem:s30], [sflag:$0xA], $0x1, s16, s19, $0xb8;
	[tilespmem:$0x1F580] =	vst v63  }
0xf5: {  	_ =	swait.ge [sflag:s25], $0x2800  }
0xf6: {  	[sflag:s25] =	ssyncset.done $0x0  }
0xf7: {  	[sflag:s25] =	ssyncadd.s32 $0xFFFFD800  }
0xf8: {  	_ =	swait.ge [sflag:s15], $0x2800  }
0xf9: {  	[sflag:s15] =	ssyncset.done $0x0  }
0xfa: {  	[sflag:s15] =	ssyncadd.s32 $0xFFFFD800  }
0xfb: {  	_ =	swait.ge [sflag:s15], $0x50  }
0xfc: {  	[sflag:s15] =	ssyncset.done $0x0  }
0xfd: {  	s26 =	simm.s32 $0xB00;
	[sflag:s15] =	ssyncadd.s32 $0xFFFFFFB0  }
0xfe: {  	[tilespmem:s28], [sflag:$0x6] =	stream.indirect.gather [hbm4b:s1+s19], $0x80, s26, s19, $0xb8;
	[tilespmem:$0x1F580] =	vst v63  }
0xff: {  	_ = 	snop  }
0x100: {  	[spmem:s3] =	stream.indirect.scatter.add.f32 [tilespmem:s20], [sflag:$0x7], $0x80, s8, s19, $0xb8;
	[tilespmem:$0x1F580] =	vst v63  }
0x101: {  	_ = 	snop  }
0x102: {  	[spmem:s4] =	stream.indirect.scatter.add.f32 [tilespmem:s30], [sflag:$0x7], $0x1, s8, s19, $0xb8;
	[tilespmem:$0x1F580] =	vst v63  }
0x103: {  	_ =	swait.ge [sflag:s31], $0x2800  }
0x104: {  	p0 =	seq.s32 s9, $0xE00;
	[sflag:s31] =	ssyncset.done $0x0;
	s5 =	rddreg [dreg:$0xe]  }
0x105: {  	s26 =	simm.s32 @!p0 $0x0;
	[sflag:s31] =	ssyncadd.s32 $0xFFFFD800;
	s5 =	sadd.s32 @!p0 s9, s5  }
0x106: {  	[tilespmem:s26], [sflag:$0x1] =	stream.linear.gather @!p0 [hbm4b:s5+s26], $0x800, $0x38;
	[tilespmem:$0x1F580] =	vst v63  }
0x107: {  	_ =	swait.ge [sflag:s0], $0x2800  }
0x108: {  	[sflag:s0] =	ssyncset.done $0x0  }
0x109: {  	[sflag:s0] =	ssyncadd.s32 $0xFFFFD800  }
0x10a: {  	_ =	swait.ge [sflag:s0], $0x50  }
0x10b: {  	[sflag:s0] =	ssyncset.done $0x0  }
0x10c: {  	s12 =	simm.s32 $0xC00;
	[sflag:s0] =	ssyncadd.s32 $0xFFFFFFB0  }
0x10d: {  	[tilespmem:s20], [sflag:$0x3] =	stream.indirect.gather [hbm4b:s1+s19], $0x80, s12, s19, $0xb8;
	[tilespmem:$0x1F580] =	vst v63  }
0x10e: {  	_ = 	snop  }
0x10f: {  	[spmem:s3] =	stream.indirect.scatter.add.f32 [tilespmem:s22], [sflag:$0x8], $0x80, s21, s19, $0xb8;
	[tilespmem:$0x1F580] =	vst v63  }
0x110: {  	_ = 	snop  }
0x111: {  	[spmem:s4] =	stream.indirect.scatter.add.f32 [tilespmem:s30], [sflag:$0x8], $0x1, s21, s19, $0xb8;
	[tilespmem:$0x1F580] =	vst v63  }
0x112: {  	_ =	swait.ge [sflag:s10], $0x2800  }
0x113: {  	[sflag:s10] =	ssyncset.done $0x0  }
0x114: {  	[sflag:s10] =	ssyncadd.s32 $0xFFFFD800  }
0x115: {  	_ =	swait.ge [sflag:s11], $0x2800  }
0x116: {  	[sflag:s11] =	ssyncset.done $0x0  }
0x117: {  	[sflag:s11] =	ssyncadd.s32 $0xFFFFD800  }
0x118: {  	_ =	swait.ge [sflag:s11], $0x50  }
0x119: {  	[sflag:s11] =	ssyncset.done $0x0  }
0x11a: {  	s12 =	simm.s32 $0xD00;
	[sflag:s11] =	ssyncadd.s32 $0xFFFFFFB0  }
0x11b: {  	[tilespmem:s22], [sflag:$0x4] =	stream.indirect.gather [hbm4b:s1+s19], $0x80, s12, s19, $0xb8;
	[tilespmem:$0x1F580] =	vst v63  }
0x11c: {  	_ = 	snop  }
0x11d: {  	[spmem:s3] =	stream.indirect.scatter.add.f32 [tilespmem:s24], [sflag:$0x9], $0x80, s13, s19, $0xb8;
	[tilespmem:$0x1F580] =	vst v63  }
0x11e: {  	_ = 	snop  }
0x11f: {  	[spmem:s4] =	stream.indirect.scatter.add.f32 [tilespmem:s30], [sflag:$0x9], $0x1, s13, s19, $0xb8;
	[tilespmem:$0x1F580] =	vst v63  }
0x120: {  	_ =	swait.ge [sflag:s17], $0x2800  }
0x121: {  	[sflag:s17] =	ssyncset.done $0x0  }
0x122: {  	[sflag:s17] =	ssyncadd.s32 $0xFFFFD800  }
0x123: {  	_ =	swait.ge [sflag:s18], $0x2800  }
0x124: {  	[sflag:s18] =	ssyncset.done $0x0  }
0x125: {  	[sflag:s18] =	ssyncadd.s32 $0xFFFFD800  }
0x126: {  	_ =	swait.ge [sflag:s18], $0x50  }
0x127: {  	[sflag:s18] =	ssyncset.done $0x0  }
0x128: {  	s12 =	simm.s32 $0xE00;
	[sflag:s18] =	ssyncadd.s32 $0xFFFFFFB0  }
0x129: {  	[tilespmem:s24], [sflag:$0x5] =	stream.indirect.gather [hbm4b:s1+s19], $0x80, s12, s19, $0xb8;
	[tilespmem:$0x1F580] =	vst v63  }
0x12a: {  	_ = 	snop  }
0x12b: {  	[spmem:s3] =	stream.indirect.scatter.add.f32 [tilespmem:s28], [sflag:$0xA], $0x80, s14, s19, $0xb8;
	[tilespmem:$0x1F580] =	vst v63  }
0x12c: {  	_ = 	snop  }
0x12d: {  	[spmem:s4] =	stream.indirect.scatter.add.f32 [tilespmem:s30], [sflag:$0xA], $0x1, s14, s19, $0xb8;
	[tilespmem:$0x1F580] =	vst v63  }
0x12e: {  	_ =	swait.ge [sflag:s25], $0x2800  }
0x12f: {  	[sflag:s25] =	ssyncset.done $0x0  }
0x130: {  	[sflag:s25] =	ssyncadd.s32 $0xFFFFD800  }
0x131: {  	_ =	swait.ge [sflag:s15], $0x2800  }
0x132: {  	[sflag:s15] =	ssyncset.done $0x0  }
0x133: {  	[sflag:s15] =	ssyncadd.s32 $0xFFFFD800  }
0x134: {  	_ =	swait.ge [sflag:s15], $0x50  }
0x135: {  	[sflag:s15] =	ssyncset.done $0x0  }
0x136: {  	s12 =	simm.s32 $0xF00;
	[sflag:s15] =	ssyncadd.s32 $0xFFFFFFB0  }
0x137: {  	[tilespmem:s28], [sflag:$0x6] =	stream.indirect.gather [hbm4b:s1+s19], $0x80, s12, s19, $0xb8;
	[tilespmem:$0x1F580] =	vst v63  }
0x138: {  	_ = 	snop  }
0x139: {  	[spmem:s3] =	stream.indirect.scatter.add.f32 [tilespmem:s20], [sflag:$0x7], $0x80, s29, s19, $0xb8;
	[tilespmem:$0x1F580] =	vst v63  }
0x13a: {  	_ = 	snop  }
0x13b: {  	[spmem:s4] =	stream.indirect.scatter.add.f32 [tilespmem:s30], [sflag:$0x7], $0x1, s29, s19, $0xb8;
	[tilespmem:$0x1F580] =	vst v63  }
0x13c: {  	_ =	swait.ge [sflag:s31], $0x2800  }
0x13d: {  	[sflag:s31] =	ssyncset.done $0x0  }
0x13e: {  	[sflag:s31] =	ssyncadd.s32 $0xFFFFD800  }
0x13f: {  	_ =	swait.ge [sflag:s0], $0x2800  }
0x140: {  	[sflag:s0] =	ssyncset.done $0x0  }
0x141: {  	[sflag:s0] =	ssyncadd.s32 $0xFFFFD800  }
0x142: {  	_ =	swait.ge [sflag:s0], $0x50  }
0x143: {  	[sflag:s0] =	ssyncset.done $0x0  }
0x144: {  	s5 =	simm.s32 @!p0 $0x1;
	[sflag:s0] =	ssyncadd.s32 $0xFFFFFFB0  }
0x145: {  	_ =	swait.ge @!p0 [sflag:s5], $0x800  }
0x146: {  	[sflag:s5] =	ssyncset.done @!p0 $0x0  }
0x147: {  	s12 =	simm.s32 @!p0 $0x1000;
	[sflag:s5] =	ssyncadd.s32 @!p0 $0xFFFFF800;
	s5 =	simm.s32 @!p0 $0x50  }
0x148: {  	[tilespmem:s12], [sflag:$0x3] =	stream.indirect.gather @!p0 [hbm4b:s1+s5], $0x80, s26, s5, $0xb8;
	[tilespmem:$0x1F580] =	vst v63  }
0x149: {  	_ = 	snop  }
0x14a: {  	[spmem:s3] =	stream.indirect.scatter.add.f32 [tilespmem:s22], [sflag:$0x8], $0x80, s2, s19, $0xb8;
	[tilespmem:$0x1F580] =	vst v63  }
0x14b: {  	_ = 	snop  }
0x14c: {  	[spmem:s4] =	stream.indirect.scatter.add.f32 [tilespmem:s30], [sflag:$0x8], $0x1, s2, s19, $0xb8;
	[tilespmem:$0x1F580] =	vst v63  }
0x14d: {  	_ =	swait.ge [sflag:s10], $0x2800  }
0x14e: {  	[sflag:s10] =	ssyncset.done $0x0  }
0x14f: {  	[sflag:s10] =	ssyncadd.s32 $0xFFFFD800  }
0x150: {  	_ =	swait.ge [sflag:s11], $0x2800  }
0x151: {  	[sflag:s11] =	ssyncset.done $0x0  }
0x152: {  	[sflag:s11] =	ssyncadd.s32 $0xFFFFD800  }
0x153: {  	_ =	swait.ge [sflag:s11], $0x50  }
0x154: {  	[sflag:s11] =	ssyncset.done $0x0  }
0x155: {  	s12 =	simm.s32 @!p0 $0x100;
	s26 =	simm.s32 @!p0 $0x3800;
	[sflag:s11] =	ssyncadd.s32 $0xFFFFFFB0  }
0x156: {  	[tilespmem:s26], [sflag:$0x4] =	stream.indirect.gather @!p0 [hbm4b:s1+s5], $0x80, s12, s5, $0xb8;
	[tilespmem:$0x1F580] =	vst v63  }
0x157: {  	_ = 	snop  }
0x158: {  	[spmem:s3] =	stream.indirect.scatter.add.f32 [tilespmem:s24], [sflag:$0x9], $0x80, s7, s19, $0xb8;
	[tilespmem:$0x1F580] =	vst v63  }
0x159: {  	_ = 	snop  }
0x15a: {  	[spmem:s4] =	stream.indirect.scatter.add.f32 [tilespmem:s30], [sflag:$0x9], $0x1, s7, s19, $0xb8;
	[tilespmem:$0x1F580] =	vst v63  }
0x15b: {  	_ =	swait.ge [sflag:s17], $0x2800  }
0x15c: {  	[sflag:s17] =	ssyncset.done $0x0  }
0x15d: {  	[sflag:s17] =	ssyncadd.s32 $0xFFFFD800  }
0x15e: {  	_ =	swait.ge [sflag:s18], $0x2800  }
.Ltmp2:
0x15f: {  	[sflag:s18] =	ssyncset.done $0x0;
	(pc) =	sbr.rel @p0 .LBB2_4-.Ltmp2, $4  }
0x160: {  	[sflag:s18] =	ssyncadd.s32 $0xFFFFD800  }
0x161: {  	_ =	swait.ge [sflag:s18], $0x50  }
0x162: {  	[sflag:s18] =	ssyncset.done $0x0  }
0x163: {  	[sflag:s18] =	ssyncadd.s32 $0xFFFFFFB0  }
0x164: {  	s5 =	simm.s32 $0x200  }
0x165: {  	[tilespmem:s24], [sflag:$0x5] =	stream.indirect.gather [hbm4b:s1+s19], $0x80, s5, s19, $0xb8;
	[tilespmem:$0x1F580] =	vst v63  }
.Ltmp3:
0x166: {  	_ = 	snop;
	(pc) =	sbr.rel .LBB2_2-.Ltmp3, $4  }
0x167: {  	_ = 	snop  }
0x168: {  	[spmem:s3] =	stream.indirect.scatter.add.f32 [tilespmem:s28], [sflag:$0xA], $0x80, s6, s19, $0xb8;
	[tilespmem:$0x1F580] =	vst v63  }
0x169: {  	s9 =	sadd.s32 $0x200, s9;
	s26 =	simm.s32 $0x0  }
0x16a: {  	[spmem:s4] =	stream.indirect.scatter.add.f32 [tilespmem:s30], [sflag:$0xA], $0x1, s6, s19, $0xb8;
	[tilespmem:$0x1F580] =	vst v63  }
.LBB2_5:
0x16b: {  	_ =	sfence.sel $0x180000  }
0x16c: {  	[bflag:$0x0] =	sbarrier.arrive $0xFFFF  }
0x16d: {  	_ =	strace $0x90000047  }
0x16e: {  	s0 =	stileid.u32;
	[bflag:$0x2] =	sbarrier.arrive $0xFFFF  }
0x16f: {  	p0 =	sne.s32 s0, $0x0;
	s0 =	rddreg [dreg:$0x5]  }
0x170: {  	s0 =	sadd.s32 @!p0 $0x100000, s0  }
0x171: {  	[sflag:s0] =	ssyncadd.tile.s32 @!p0 $0x1;
	_ =	shalt  }
.Lfunc_end2:
_tile_overlayer_lowered:
.L_overlay_start_2:
0x172: {  	(tag) =	ssettag $0x2  }
0x173: {  	s0 =	rddreg [dreg:$0x0];
	s2 =	stileid.u32  }
0x174: {  	s1 =	rddreg [dreg:$0x1];
	p0 =	sne.s32 s2, $0x0  }
0x175: {  	s3 =	rddreg [dreg:$0x2];
	[bflag:$0x3] =	sbarrier.arrive $0xFFFF;
	s2 =	simm.s32 @!p0 $0x1C0B  }
0x176: {  	[timem:s3], [sflag:s2] =	dma.local @!p0 [hbm:s0], s1  }
0x177: {  	s0 =	simm.s32 @!p0 $0xB  }
0x178: {  	_ =	swait.ge @!p0 [sflag:s0], s1  }
0x179: {  	s1 =	ssub.s32 @!p0 $0x0, s1;
	[sflag:s0] =	ssyncset.done @!p0 $0x0  }
0x17a: {  	[sflag:s0] =	ssyncadd.s32 @!p0 s1  }
0x17b: {  	[bflag:$0x3] =	sbarrier.arrive $0xFFFF  }
0x17c: {  	_ =	shalt  }

</sc_bundles>
